<compile_context>
chip_gen: v7x
topology: tpu7x:2x2x1
jax: 0.10.2.dev20260603
libtpu: 0.0.44.dev20260713+nightly
codegen_flags: <defaults>
</compile_context>

<pallas_src>
import jax
import jax.numpy as jnp
from jax import lax
from jax.experimental import pallas as pl
from jax.experimental.pallas import tpu as pltpu
from jax.experimental.pallas import tpu_sc as plsc

N = 10000
E = 320000
D = 128
G = 64
EPS = 1e-5

NC = 2
NS = 16
L = 16
K = 80

HALF = 5120
NHIGH = N - HALF
AROWS = 6400
ARPT = AROWS // NS
TRASH = HALF
ES = E // NS
NITER = ES // L
KC = 128
MAXCH = 158
CCAP = MAXCH * KC


def _sc_mesh():
    return plsc.VectorSubcoreMesh(core_axis_name="c", subcore_axis_name="s")



def _route_body(src_hbm, dst_hbm, cc_hbm, nch_hbm,
                sv, dv, cc, cbuf):
    cid = lax.axis_index("c")
    sid = lax.axis_index("s")
    pltpu.sync_copy(src_hbm.at[sid], sv)
    pltpu.sync_copy(dst_hbm.at[sid], dv)
    lo = cid.astype(jnp.int32) * HALF

    trash_v = jnp.full((L,), TRASH, jnp.int32)
    zero_v = jnp.zeros((L,), jnp.int32)

    def fill(i, carry):
        v = jnp.where(((i >> 3) & 1) == 0, zero_v, trash_v)
        cc[pl.ds(i * L, L)] = v
        return carry

    lax.fori_loop(0, 2 * CCAP // L, fill, 0)

    def body(i, off):
        vd = dv[pl.ds(i * L, L)]
        vs = sv[pl.ds(i * L, L)]
        vloc = vd - lo
        m = (vloc >= 0) & (vloc < HALF)
        csum = plsc.cumsum(m.astype(jnp.int32))
        pos = csum + (off - 1)
        base = pos + ((pos >> 7) << 7)
        plsc.store_scatter(cc, [base], vs, mask=m)
        plsc.store_scatter(cc, [base + KC], vloc, mask=m)
        return off + jnp.max(csum)

    off = lax.fori_loop(0, NITER, body, jnp.int32(0))

    nch = off // KC + 1
    rep = jnp.full((L,), 0, jnp.int32) + nch
    for t in range(KC // L):
        cbuf[pl.ds(t * L, L)] = rep
    pltpu.sync_copy(cbuf, nch_hbm.at[cid, sid])
    pltpu.sync_copy(cc, cc_hbm.at[cid, sid])


def _route_call(src2, dst2):
    f = pl.kernel(
        _route_body,
        out_type=(jax.ShapeDtypeStruct((NC, NS, 2 * CCAP), jnp.int32),
                  jax.ShapeDtypeStruct((NC, NS, KC), jnp.int32)),
        mesh=_sc_mesh(),
        compiler_params=pltpu.CompilerParams(needs_layout_passes=False),
        scratch_types=[
            pltpu.VMEM((ES,), jnp.int32),
            pltpu.VMEM((ES,), jnp.int32),
            pltpu.VMEM((2 * CCAP,), jnp.int32),
            pltpu.VMEM((KC,), jnp.int32),
        ],
    )
    return f(src2, dst2)



def _agg_body(h_hbm, cc_hbm, nch_hbm, zeros_hbm, p_hbm,
              cb, buf0, zbuf, cbuf, acc, gsem0):
    cid = lax.axis_index("c")
    sid = lax.axis_index("s")
    pltpu.sync_copy(zeros_hbm, zbuf)
    for t in range(ARPT // K):
        pltpu.sync_copy(zbuf, acc.at[pl.ds(sid * ARPT + t * K, K)])
    pltpu.sync_copy(nch_hbm.at[cid, sid], cbuf)
    nch = jnp.max(cbuf[pl.ds(0, L)])
    plsc.subcore_barrier()

    def body(j, carry):
        pltpu.sync_copy(cc_hbm.at[cid, sid, j], cb)
        pltpu.async_copy(h_hbm.at[cb.at[0]], buf0, gsem0)
        pltpu.make_async_copy(h_hbm.at[cb.at[0]], buf0, gsem0).wait()
        pltpu.sync_copy(buf0, acc.at[cb.at[1]], add=True)
        return carry

    lax.fori_loop(0, nch, body, nch)
    plsc.subcore_barrier()

    pltpu.sync_copy(acc.at[pl.ds(sid * ARPT, ARPT)],
                    p_hbm.at[cid, pl.ds(sid * ARPT, ARPT)])


def _agg_call(hs, cc4, nch, zerosD):
    f = pl.kernel(
        _agg_body,
        out_type=jax.ShapeDtypeStruct((NC, AROWS, D), jnp.float32),
        mesh=_sc_mesh(),
        compiler_params=pltpu.CompilerParams(needs_layout_passes=False),
        scratch_types=[
            pltpu.VMEM((2, KC), jnp.int32),
            pltpu.VMEM((KC, D), jnp.float32),
            pltpu.VMEM((K, D), jnp.float32),
            pltpu.VMEM((KC,), jnp.int32),
            pltpu.VMEM_SHARED((AROWS, D), jnp.float32),
            pltpu.SemaphoreType.DMA,
        ],
    )
    return f(hs, cc4, nch, zerosD)



def _deg_body(cc_hbm, nch_hbm, zeros_hbm, ones_hbm, dd_hbm,
              cb, buf0, zbuf, cbuf, acc):
    cid = lax.axis_index("c")
    sid = lax.axis_index("s")
    pltpu.sync_copy(zeros_hbm, zbuf)
    for t in range(ARPT // K):
        pltpu.sync_copy(zbuf, acc.at[pl.ds(sid * ARPT + t * K, K)])
    pltpu.sync_copy(ones_hbm, buf0)
    pltpu.sync_copy(nch_hbm.at[cid, sid], cbuf)
    nch = jnp.max(cbuf[pl.ds(0, L)])
    plsc.subcore_barrier()

    nch2 = (nch + 1) // 2

    def body(g, carry):
        pltpu.sync_copy(cc_hbm.at[cid, sid, pl.ds(2 * g, 2)], cb)
        pltpu.sync_copy(buf0, acc.at[cb.at[0, 1]], add=True)
        pltpu.sync_copy(buf0, acc.at[cb.at[1, 1]], add=True)
        return carry

    lax.fori_loop(0, nch2, body, nch2)
    plsc.subcore_barrier()

    pltpu.sync_copy(acc.at[pl.ds(sid * ARPT, ARPT)],
                    dd_hbm.at[cid, pl.ds(sid * ARPT, ARPT)])


def _deg_call(cc4, nch, zerosD, onesD):
    f = pl.kernel(
        _deg_body,
        out_type=jax.ShapeDtypeStruct((NC, AROWS, D), jnp.float32),
        mesh=_sc_mesh(),
        compiler_params=pltpu.CompilerParams(needs_layout_passes=False),
        scratch_types=[
            pltpu.VMEM((2, 2, KC), jnp.int32),
            pltpu.VMEM((KC, D), jnp.float32),
            pltpu.VMEM((K, D), jnp.float32),
            pltpu.VMEM((KC,), jnp.int32),
            pltpu.VMEM_SHARED((AROWS, D), jnp.float32),
        ],
    )
    return f(cc4, nch, zerosD, onesD)



def _t1_body(dd_ref, x_ref, w1_ref, dinv_ref, h1s_ref):
    dd = dd_ref[...]
    deg = jnp.concatenate([dd[0, :HALF, 0:1], dd[1, :NHIGH, 0:1]],
                          axis=0) + 1.0
    dinvb = jnp.broadcast_to(lax.rsqrt(deg), (N, D))
    dinv_ref[...] = dinvb
    h1s_ref[...] = jnp.dot(x_ref[...], w1_ref[...],
                           preferred_element_type=jnp.float32) * dinvb


def _t1_call(dd, x, W1):
    return pl.pallas_call(
        _t1_body,
        out_shape=(jax.ShapeDtypeStruct((N, D), jnp.float32),
                   jax.ShapeDtypeStruct((N, D), jnp.float32)),
    )(dd, x, W1)



def _ln(conv, g, be):
    mu = jnp.mean(conv, axis=1, keepdims=True)
    var = jnp.mean((conv - mu) ** 2, axis=1, keepdims=True)
    return (conv - mu) * lax.rsqrt(var + EPS) * g + be


def _t2_body(p_ref, hs_ref, hprev_ref, dinv_ref,
             b_ref, g_ref, be_ref, wn_ref, hnext_ref, hnexts_ref):
    p = p_ref[...]
    agg = jnp.concatenate([p[0, :HALF], p[1, :NHIGH]], axis=0)
    conv = dinv_ref[...] * (agg + hs_ref[...]) + b_ref[...]
    act = jnp.maximum(_ln(conv, g_ref[...], be_ref[...]), 0.0) + hprev_ref[...]
    hnext_ref[...] = act
    hnexts_ref[...] = jnp.dot(act, wn_ref[...],
                              preferred_element_type=jnp.float32) * dinv_ref[...]


def _t2_call(p, hs, hprev, dinv, b, g, be, Wn):
    return pl.pallas_call(
        _t2_body,
        out_shape=(jax.ShapeDtypeStruct((N, D), jnp.float32),
                   jax.ShapeDtypeStruct((N, D), jnp.float32)),
    )(p, hs, hprev, dinv, b, g, be, Wn)



def _t3_body(p_ref, hs_ref, dinv_ref, b_ref, g_ref, be_ref,
             batch_ref, out_ref):
    p = p_ref[...]
    agg = jnp.concatenate([p[0, :HALF], p[1, :NHIGH]], axis=0)
    conv = dinv_ref[...] * (agg + hs_ref[...]) + b_ref[...]
    ln = _ln(conv, g_ref[...], be_ref[...])
    onehot = (batch_ref[...] ==
              lax.broadcasted_iota(jnp.int32, (N, G), 1)).astype(jnp.float32)
    sums = lax.dot_general(onehot, ln, (((0,), (0,)), ((), ())),
                           preferred_element_type=jnp.float32)
    counts = lax.dot_general(onehot, jnp.ones((N, 1), jnp.float32),
                             (((0,), (0,)), ((), ())),
                             preferred_element_type=jnp.float32)
    out_ref[...] = sums / jnp.maximum(counts, 1.0)


def _t3_call(p, hs, dinv, b, g, be, batch2d):
    return pl.pallas_call(
        _t3_body,
        out_shape=jax.ShapeDtypeStruct((G, D), jnp.float32),
    )(p, hs, dinv, b, g, be, batch2d)



def kernel(x, edge_index, batch, W1, b1, g1, be1, W2, b2, g2, be2,
           W3, b3, g3, be3):
    src1 = edge_index[0]
    dst1 = edge_index[1]
    zerosD = jnp.zeros((K, D), jnp.float32)

    cc, nch = _route_call(src1.reshape(NS, ES), dst1.reshape(NS, ES))
    cc4 = cc.reshape(NC, NS, MAXCH, 2, KC)
    dd = _deg_call(cc4, nch, zerosD, jnp.ones((KC, D), jnp.float32))
    dinvb, hs = _t1_call(dd, x, W1)

    h = x
    for (b, g, be, Wn) in ((b1, g1, be1, W2), (b2, g2, be2, W3)):
        p = _agg_call(hs, cc4, nch, zerosD)
        h, hs = _t2_call(p, hs, h, dinvb,
                         b.reshape(1, D), g.reshape(1, D), be.reshape(1, D), Wn)
    p = _agg_call(hs, cc4, nch, zerosD)
    return _t3_call(p, hs, dinvb, b3.reshape(1, D), g3.reshape(1, D),
                    be3.reshape(1, D), batch.reshape(N, 1))

# --- scband reference (transcript-rebuilt; emitter-appended) ---
"""Pipeline reference for scband-graph-encoder-75222057222581 (READ-ONLY COPY).

The authoritative reference and input builder live on the scoring server;
editing this copy changes nothing except your own understanding.
"""

import jax, jax.numpy as jnp
import numpy as np

N = 10000
E = 320000
D = 128
NUM_GRAPHS = 64
EPS = 1e-5


def setup_inputs(seed: int = 0) -> dict:
    key = jax.random.key(seed)
    ks = jax.random.split(key, 16)
    scale = 1.0 / np.sqrt(D)
    inp = {
        "x": jax.random.normal(ks[0], (N, D), dtype=jnp.float32),
        "edge_index": jax.random.randint(ks[1], (2, E), 0, N, dtype=jnp.int32),
        "batch": jnp.sort(jax.random.randint(ks[2], (N,), 0, NUM_GRAPHS, dtype=jnp.int32)),
        "W1": jax.random.normal(ks[3], (D, D), dtype=jnp.float32) * scale,
        "b1": jnp.zeros((D,), dtype=jnp.float32),
        "g1": jnp.ones((D,), dtype=jnp.float32),
        "be1": jnp.zeros((D,), dtype=jnp.float32),
        "W2": jax.random.normal(ks[4], (D, D), dtype=jnp.float32) * scale,
        "b2": jnp.zeros((D,), dtype=jnp.float32),
        "g2": jnp.ones((D,), dtype=jnp.float32),
        "be2": jnp.zeros((D,), dtype=jnp.float32),
        "W3": jax.random.normal(ks[5], (D, D), dtype=jnp.float32) * scale,
        "b3": jnp.zeros((D,), dtype=jnp.float32),
        "g3": jnp.ones((D,), dtype=jnp.float32),
        "be3": jnp.zeros((D,), dtype=jnp.float32),
    }
    return inp


def _layer_norm(h, g, b):
    mu = jnp.mean(h, axis=-1, keepdims=True)
    var = jnp.mean((h - mu) ** 2, axis=-1, keepdims=True)
    return (h - mu) / jnp.sqrt(var + EPS) * g + b


def _gcn_conv(h, src, dst, norm, W, b):
    # GCNConv: x' = D^{-1/2} (A+I) D^{-1/2} X W + b
    h = h @ W
    msg = h[src] * norm[:, None]
    out = jnp.zeros((N, h.shape[1]), dtype=h.dtype).at[dst].add(msg)
    return out + b


def _forward(x, edge_index, batch, W1, b1, g1, be1, W2, b2, g2, be2, W3, b3, g3, be3):
    loop = jnp.arange(N, dtype=edge_index.dtype)
    src = jnp.concatenate([edge_index[0], loop])
    dst = jnp.concatenate([edge_index[1], loop])
    deg = jnp.zeros((N,), dtype=jnp.float32).at[dst].add(1.0)
    dinv = jnp.where(deg > 0, deg ** -0.5, 0.0)
    norm = dinv[src] * dinv[dst]

    params = [(W1, b1, g1, be1), (W2, b2, g2, be2), (W3, b3, g3, be3)]
    h = x
    for i, (W, b, g, be) in enumerate(params):
        h_prev = h
        h = _gcn_conv(h, src, dst, norm, W, b)
        h = _layer_norm(h, g, be)
        if i < len(params) - 1:
            h = jax.nn.relu(h)
            # dropout is identity in eval mode
            if h.shape[-1] == h_prev.shape[-1]:
                h = h + h_prev

    # global_mean_pool
    sums = jax.ops.segment_sum(h, batch, num_segments=NUM_GRAPHS)
    counts = jax.ops.segment_sum(jnp.ones((N,), dtype=jnp.float32), batch, num_segments=NUM_GRAPHS)
    graph_repr = sums / jnp.maximum(counts, 1.0)[:, None]
    return graph_repr


def reference(x, edge_index, batch, W1, b1, g1, be1, W2, b2, g2, be2, W3, b3, g3, be3):
    return _forward(x, edge_index, batch, W1, b1, g1, be1, W2, b2, g2, be2, W3, b3, g3, be3)

if __name__ == "__main__":
    import jax
    _d = setup_inputs()
    print(jax.jit(kernel)(*tuple(_d.values())))

</pallas_src>

<mosaic_0001>
#map = affine_map<(d0, d1) -> (0, 0)>
#map1 = affine_map<(d0, d1) -> (0, 0, 0, 0, 0)>
#map2 = affine_map<(d0, d1) -> (0, 0, 0)>
module attributes {stable_mosaic.version = 14 : i64} {
  func.func @_agg_body(%arg0: i32, %arg1: i32, %arg2: memref<10000x128xf32, #tpu.memory_space<hbm>>, %arg3: memref<2x16x158x2x128xi32, #tpu.memory_space<hbm>>, %arg4: memref<2x16x128xi32, #tpu.memory_space<hbm>>, %arg5: memref<80x128xf32, #tpu.memory_space<hbm>>, %arg6: memref<2x6400x128xf32, #tpu.memory_space<hbm>>, %arg7: memref<2x128xi32, #tpu.memory_space<vmem>>, %arg8: memref<128x128xf32, #tpu.memory_space<vmem>>, %arg9: memref<80x128xf32, #tpu.memory_space<vmem>>, %arg10: memref<128xi32, #tpu.memory_space<vmem>>, %arg11: memref<6400x128xf32, #tpu.memory_space<vmem_shared>>, %arg12: memref<!tpu.dma_semaphore, #tpu.memory_space<semaphore_mem>>) attributes {dimension_semantics = [#tpu.dimension_semantics<core_parallel>, #tpu.dimension_semantics<subcore_parallel>], iteration_bounds = array<i64: 2, 16>, scalar_prefetch = 0 : i64, scratch_operands = 6 : i64, tpu.core_type = #tpu.core_type<sc_vector_subcore>, window_params = [{transform_indices = #map}, {transform_indices = #map1}, {transform_indices = #map2}, {transform_indices = #map}, {transform_indices = #map2}]} {
    "tpu.region"() ({
      %run_scoped3A = tpu.sem_alloc : memref<!tpu.dma_semaphore, #tpu.memory_space<semaphore_mem>>
      tpu.enqueue_dma source(%arg5 : memref<80x128xf32, #tpu.memory_space<hbm>>) target(%arg9 : memref<80x128xf32, #tpu.memory_space<vmem>>) target_semaphore(%run_scoped3A : memref<!tpu.dma_semaphore, #tpu.memory_space<semaphore_mem>>)
      tpu.wait_dma2 semaphore(%run_scoped3A : memref<!tpu.dma_semaphore, #tpu.memory_space<semaphore_mem>>) src(%arg5 : memref<80x128xf32, #tpu.memory_space<hbm>>) dst(%arg9 : memref<80x128xf32, #tpu.memory_space<vmem>>)
      tpu.yield
    }) : () -> ()
    %mul3A = arith.constant 400 : i32
    %mul3A_0 = arith.muli %arg1, %mul3A : i32
    %add3A = arith.constant 0 : i32
    %add3A_1 = arith.addi %mul3A_0, %add3A : i32
    "tpu.region"() ({
      %run_scoped3A = tpu.sem_alloc : memref<!tpu.dma_semaphore, #tpu.memory_space<semaphore_mem>>
      %dma_start3A = arith.constant 0 : i32
      %dma_start3A_39 = tpu.memref_slice %arg11[%add3A_1, %dma_start3A] : memref<6400x128xf32, #tpu.memory_space<vmem_shared>> -> memref<80x128xf32, #tpu.memory_space<vmem_shared>>
      %dma_start3A_40 = arith.constant 0 : i32
      %dma_start3A_41 = tpu.memref_slice %arg11[%add3A_1, %dma_start3A_40] : memref<6400x128xf32, #tpu.memory_space<vmem_shared>> -> memref<80x128xf32, #tpu.memory_space<vmem_shared>>
      tpu.enqueue_dma source(%arg9 : memref<80x128xf32, #tpu.memory_space<vmem>>) target(%dma_start3A_41 : memref<80x128xf32, #tpu.memory_space<vmem_shared>>) target_semaphore(%run_scoped3A : memref<!tpu.dma_semaphore, #tpu.memory_space<semaphore_mem>>)
      %dma_wait3A = arith.constant 0 : i32
      %dma_wait3A_42 = tpu.memref_slice %arg11[%add3A_1, %dma_wait3A] : memref<6400x128xf32, #tpu.memory_space<vmem_shared>> -> memref<80x128xf32, #tpu.memory_space<vmem_shared>>
      %dma_wait3A_43 = arith.constant 0 : i32
      %dma_wait3A_44 = tpu.memref_slice %arg11[%add3A_1, %dma_wait3A_43] : memref<6400x128xf32, #tpu.memory_space<vmem_shared>> -> memref<80x128xf32, #tpu.memory_space<vmem_shared>>
      tpu.wait_dma2 semaphore(%run_scoped3A : memref<!tpu.dma_semaphore, #tpu.memory_space<semaphore_mem>>) src(%arg9 : memref<80x128xf32, #tpu.memory_space<vmem>>) dst(%dma_wait3A_44 : memref<80x128xf32, #tpu.memory_space<vmem_shared>>)
      tpu.yield
    }) : () -> ()
    %mul3A_2 = arith.constant 400 : i32
    %mul3A_3 = arith.muli %arg1, %mul3A_2 : i32
    %add3A_4 = arith.constant 80 : i32
    %add3A_5 = arith.addi %mul3A_3, %add3A_4 : i32
    "tpu.region"() ({
      %run_scoped3A = tpu.sem_alloc : memref<!tpu.dma_semaphore, #tpu.memory_space<semaphore_mem>>
      %dma_start3A = arith.constant 0 : i32
      %dma_start3A_39 = tpu.memref_slice %arg11[%add3A_5, %dma_start3A] : memref<6400x128xf32, #tpu.memory_space<vmem_shared>> -> memref<80x128xf32, #tpu.memory_space<vmem_shared>>
      %dma_start3A_40 = arith.constant 0 : i32
      %dma_start3A_41 = tpu.memref_slice %arg11[%add3A_5, %dma_start3A_40] : memref<6400x128xf32, #tpu.memory_space<vmem_shared>> -> memref<80x128xf32, #tpu.memory_space<vmem_shared>>
      tpu.enqueue_dma source(%arg9 : memref<80x128xf32, #tpu.memory_space<vmem>>) target(%dma_start3A_41 : memref<80x128xf32, #tpu.memory_space<vmem_shared>>) target_semaphore(%run_scoped3A : memref<!tpu.dma_semaphore, #tpu.memory_space<semaphore_mem>>)
      %dma_wait3A = arith.constant 0 : i32
      %dma_wait3A_42 = tpu.memref_slice %arg11[%add3A_5, %dma_wait3A] : memref<6400x128xf32, #tpu.memory_space<vmem_shared>> -> memref<80x128xf32, #tpu.memory_space<vmem_shared>>
      %dma_wait3A_43 = arith.constant 0 : i32
      %dma_wait3A_44 = tpu.memref_slice %arg11[%add3A_5, %dma_wait3A_43] : memref<6400x128xf32, #tpu.memory_space<vmem_shared>> -> memref<80x128xf32, #tpu.memory_space<vmem_shared>>
      tpu.wait_dma2 semaphore(%run_scoped3A : memref<!tpu.dma_semaphore, #tpu.memory_space<semaphore_mem>>) src(%arg9 : memref<80x128xf32, #tpu.memory_space<vmem>>) dst(%dma_wait3A_44 : memref<80x128xf32, #tpu.memory_space<vmem_shared>>)
      tpu.yield
    }) : () -> ()
    %mul3A_6 = arith.constant 400 : i32
    %mul3A_7 = arith.muli %arg1, %mul3A_6 : i32
    %add3A_8 = arith.constant 160 : i32
    %add3A_9 = arith.addi %mul3A_7, %add3A_8 : i32
    "tpu.region"() ({
      %run_scoped3A = tpu.sem_alloc : memref<!tpu.dma_semaphore, #tpu.memory_space<semaphore_mem>>
      %dma_start3A = arith.constant 0 : i32
      %dma_start3A_39 = tpu.memref_slice %arg11[%add3A_9, %dma_start3A] : memref<6400x128xf32, #tpu.memory_space<vmem_shared>> -> memref<80x128xf32, #tpu.memory_space<vmem_shared>>
      %dma_start3A_40 = arith.constant 0 : i32
      %dma_start3A_41 = tpu.memref_slice %arg11[%add3A_9, %dma_start3A_40] : memref<6400x128xf32, #tpu.memory_space<vmem_shared>> -> memref<80x128xf32, #tpu.memory_space<vmem_shared>>
      tpu.enqueue_dma source(%arg9 : memref<80x128xf32, #tpu.memory_space<vmem>>) target(%dma_start3A_41 : memref<80x128xf32, #tpu.memory_space<vmem_shared>>) target_semaphore(%run_scoped3A : memref<!tpu.dma_semaphore, #tpu.memory_space<semaphore_mem>>)
      %dma_wait3A = arith.constant 0 : i32
      %dma_wait3A_42 = tpu.memref_slice %arg11[%add3A_9, %dma_wait3A] : memref<6400x128xf32, #tpu.memory_space<vmem_shared>> -> memref<80x128xf32, #tpu.memory_space<vmem_shared>>
      %dma_wait3A_43 = arith.constant 0 : i32
      %dma_wait3A_44 = tpu.memref_slice %arg11[%add3A_9, %dma_wait3A_43] : memref<6400x128xf32, #tpu.memory_space<vmem_shared>> -> memref<80x128xf32, #tpu.memory_space<vmem_shared>>
      tpu.wait_dma2 semaphore(%run_scoped3A : memref<!tpu.dma_semaphore, #tpu.memory_space<semaphore_mem>>) src(%arg9 : memref<80x128xf32, #tpu.memory_space<vmem>>) dst(%dma_wait3A_44 : memref<80x128xf32, #tpu.memory_space<vmem_shared>>)
      tpu.yield
    }) : () -> ()
    %mul3A_10 = arith.constant 400 : i32
    %mul3A_11 = arith.muli %arg1, %mul3A_10 : i32
    %add3A_12 = arith.constant 240 : i32
    %add3A_13 = arith.addi %mul3A_11, %add3A_12 : i32
    "tpu.region"() ({
      %run_scoped3A = tpu.sem_alloc : memref<!tpu.dma_semaphore, #tpu.memory_space<semaphore_mem>>
      %dma_start3A = arith.constant 0 : i32
      %dma_start3A_39 = tpu.memref_slice %arg11[%add3A_13, %dma_start3A] : memref<6400x128xf32, #tpu.memory_space<vmem_shared>> -> memref<80x128xf32, #tpu.memory_space<vmem_shared>>
      %dma_start3A_40 = arith.constant 0 : i32
      %dma_start3A_41 = tpu.memref_slice %arg11[%add3A_13, %dma_start3A_40] : memref<6400x128xf32, #tpu.memory_space<vmem_shared>> -> memref<80x128xf32, #tpu.memory_space<vmem_shared>>
      tpu.enqueue_dma source(%arg9 : memref<80x128xf32, #tpu.memory_space<vmem>>) target(%dma_start3A_41 : memref<80x128xf32, #tpu.memory_space<vmem_shared>>) target_semaphore(%run_scoped3A : memref<!tpu.dma_semaphore, #tpu.memory_space<semaphore_mem>>)
      %dma_wait3A = arith.constant 0 : i32
      %dma_wait3A_42 = tpu.memref_slice %arg11[%add3A_13, %dma_wait3A] : memref<6400x128xf32, #tpu.memory_space<vmem_shared>> -> memref<80x128xf32, #tpu.memory_space<vmem_shared>>
      %dma_wait3A_43 = arith.constant 0 : i32
      %dma_wait3A_44 = tpu.memref_slice %arg11[%add3A_13, %dma_wait3A_43] : memref<6400x128xf32, #tpu.memory_space<vmem_shared>> -> memref<80x128xf32, #tpu.memory_space<vmem_shared>>
      tpu.wait_dma2 semaphore(%run_scoped3A : memref<!tpu.dma_semaphore, #tpu.memory_space<semaphore_mem>>) src(%arg9 : memref<80x128xf32, #tpu.memory_space<vmem>>) dst(%dma_wait3A_44 : memref<80x128xf32, #tpu.memory_space<vmem_shared>>)
      tpu.yield
    }) : () -> ()
    %mul3A_14 = arith.constant 400 : i32
    %mul3A_15 = arith.muli %arg1, %mul3A_14 : i32
    %add3A_16 = arith.constant 320 : i32
    %add3A_17 = arith.addi %mul3A_15, %add3A_16 : i32
    "tpu.region"() ({
      %run_scoped3A = tpu.sem_alloc : memref<!tpu.dma_semaphore, #tpu.memory_space<semaphore_mem>>
      %dma_start3A = arith.constant 0 : i32
      %dma_start3A_39 = tpu.memref_slice %arg11[%add3A_17, %dma_start3A] : memref<6400x128xf32, #tpu.memory_space<vmem_shared>> -> memref<80x128xf32, #tpu.memory_space<vmem_shared>>
      %dma_start3A_40 = arith.constant 0 : i32
      %dma_start3A_41 = tpu.memref_slice %arg11[%add3A_17, %dma_start3A_40] : memref<6400x128xf32, #tpu.memory_space<vmem_shared>> -> memref<80x128xf32, #tpu.memory_space<vmem_shared>>
      tpu.enqueue_dma source(%arg9 : memref<80x128xf32, #tpu.memory_space<vmem>>) target(%dma_start3A_41 : memref<80x128xf32, #tpu.memory_space<vmem_shared>>) target_semaphore(%run_scoped3A : memref<!tpu.dma_semaphore, #tpu.memory_space<semaphore_mem>>)
      %dma_wait3A = arith.constant 0 : i32
      %dma_wait3A_42 = tpu.memref_slice %arg11[%add3A_17, %dma_wait3A] : memref<6400x128xf32, #tpu.memory_space<vmem_shared>> -> memref<80x128xf32, #tpu.memory_space<vmem_shared>>
      %dma_wait3A_43 = arith.constant 0 : i32
      %dma_wait3A_44 = tpu.memref_slice %arg11[%add3A_17, %dma_wait3A_43] : memref<6400x128xf32, #tpu.memory_space<vmem_shared>> -> memref<80x128xf32, #tpu.memory_space<vmem_shared>>
      tpu.wait_dma2 semaphore(%run_scoped3A : memref<!tpu.dma_semaphore, #tpu.memory_space<semaphore_mem>>) src(%arg9 : memref<80x128xf32, #tpu.memory_space<vmem>>) dst(%dma_wait3A_44 : memref<80x128xf32, #tpu.memory_space<vmem_shared>>)
      tpu.yield
    }) : () -> ()
    "tpu.region"() ({
      %run_scoped3A = tpu.sem_alloc : memref<!tpu.dma_semaphore, #tpu.memory_space<semaphore_mem>>
      %dma_start3A = arith.constant 0 : i32
      %dma_start3A_39 = tpu.memref_slice %arg4[%arg0, %arg1, %dma_start3A] : memref<2x16x128xi32, #tpu.memory_space<hbm>> -> memref<1x1x128xi32, #tpu.memory_space<hbm>>
      %dma_start3A_40 = tpu.memref_squeeze %dma_start3A_39 : memref<1x1x128xi32, #tpu.memory_space<hbm>> -> memref<128xi32, #tpu.memory_space<hbm>>
      %dma_start3A_41 = arith.constant 0 : i32
      %dma_start3A_42 = tpu.memref_slice %arg4[%arg0, %arg1, %dma_start3A_41] : memref<2x16x128xi32, #tpu.memory_space<hbm>> -> memref<1x1x128xi32, #tpu.memory_space<hbm>>
      %dma_start3A_43 = tpu.memref_squeeze %dma_start3A_42 : memref<1x1x128xi32, #tpu.memory_space<hbm>> -> memref<128xi32, #tpu.memory_space<hbm>>
      tpu.enqueue_dma source(%dma_start3A_43 : memref<128xi32, #tpu.memory_space<hbm>>) target(%arg10 : memref<128xi32, #tpu.memory_space<vmem>>) target_semaphore(%run_scoped3A : memref<!tpu.dma_semaphore, #tpu.memory_space<semaphore_mem>>)
      %dma_wait3A = arith.constant 0 : i32
      %dma_wait3A_44 = tpu.memref_slice %arg4[%arg0, %arg1, %dma_wait3A] : memref<2x16x128xi32, #tpu.memory_space<hbm>> -> memref<1x1x128xi32, #tpu.memory_space<hbm>>
      %dma_wait3A_45 = tpu.memref_squeeze %dma_wait3A_44 : memref<1x1x128xi32, #tpu.memory_space<hbm>> -> memref<128xi32, #tpu.memory_space<hbm>>
      %dma_wait3A_46 = arith.constant 0 : i32
      %dma_wait3A_47 = tpu.memref_slice %arg4[%arg0, %arg1, %dma_wait3A_46] : memref<2x16x128xi32, #tpu.memory_space<hbm>> -> memref<1x1x128xi32, #tpu.memory_space<hbm>>
      %dma_wait3A_48 = tpu.memref_squeeze %dma_wait3A_47 : memref<1x1x128xi32, #tpu.memory_space<hbm>> -> memref<128xi32, #tpu.memory_space<hbm>>
      tpu.wait_dma2 semaphore(%run_scoped3A : memref<!tpu.dma_semaphore, #tpu.memory_space<semaphore_mem>>) src(%dma_wait3A_48 : memref<128xi32, #tpu.memory_space<hbm>>) dst(%arg10 : memref<128xi32, #tpu.memory_space<vmem>>)
      tpu.yield
    }) : () -> ()
    %get3A = arith.constant 0 : index
    %get3A_18 = tpu.vector_load %arg10[%get3A] {strides = array<i32>} : memref<128xi32, #tpu.memory_space<vmem>>, vector<16xi32>,
    %reduce_max3A = arith.constant true
    %reduce_max3A_19 = vector.broadcast %reduce_max3A : i1 to vector<16xi1>
    %reduce_max3A_20 = arith.constant -2147483648 : i32
    %reduce_max3A_21 = vector.broadcast %reduce_max3A_20 : i32 to vector<16xi32>
    %reduce_max3A_22 = arith.xori %get3A_18, %reduce_max3A_21 : vector<16xi32>
    %reduce_max3A_23 = tpu.scan <max>, %reduce_max3A_22 masked %reduce_max3A_19 : vector<16xi32>, vector<16xi1> -> vector<16xi32>
    %reduce_max3A_24 = arith.xori %reduce_max3A_23, %reduce_max3A_21 : vector<16xi32>
    %reduce_max3A_25 = vector.extract %reduce_max3A_24[15] : i32 from vector<16xi32>
    %barrier3A = arith.constant 0 : index
    tpu.barrier barrier_id(%barrier3A)
    %while3A = arith.constant 0 : i32
    %while3A_26 = arith.subi %reduce_max3A_25, %while3A : i32
    %while3A_27 = arith.addi %while3A, %while3A_26 : i32
    %while3A_28 = arith.constant 1 : i32
    %while3A_29 = arith.divsi %while3A_26, %while3A_28 : i32
    %while3A_30 = arith.muli %while3A_29, %while3A_28 : i32
    %while3A_31 = arith.addi %while3A, %while3A_30 : i32
    %while3A_32 = arith.constant 1 : i32
    scf.for %while3A_39 = %while3A to %while3A_31 step %while3A_32  : i32 {
      "tpu.region"() ({
        %run_scoped3A_52 = tpu.sem_alloc : memref<!tpu.dma_semaphore, #tpu.memory_space<semaphore_mem>>
        %dma_start3A_53 = arith.constant 0 : i32
        %dma_start3A_54 = arith.constant 0 : i32
        %dma_start3A_55 = tpu.memref_slice %arg3[%arg0, %arg1, %while3A_39, %dma_start3A_53, %dma_start3A_54] : memref<2x16x158x2x128xi32, #tpu.memory_space<hbm>> -> memref<1x1x1x2x128xi32, #tpu.memory_space<hbm>>
        %dma_start3A_56 = tpu.memref_squeeze %dma_start3A_55 : memref<1x1x1x2x128xi32, #tpu.memory_space<hbm>> -> memref<2x128xi32, #tpu.memory_space<hbm>>
        %dma_start3A_57 = arith.constant 0 : i32
        %dma_start3A_58 = arith.constant 0 : i32
        %dma_start3A_59 = tpu.memref_slice %arg3[%arg0, %arg1, %while3A_39, %dma_start3A_57, %dma_start3A_58] : memref<2x16x158x2x128xi32, #tpu.memory_space<hbm>> -> memref<1x1x1x2x128xi32, #tpu.memory_space<hbm>>
        %dma_start3A_60 = tpu.memref_squeeze %dma_start3A_59 : memref<1x1x1x2x128xi32, #tpu.memory_space<hbm>> -> memref<2x128xi32, #tpu.memory_space<hbm>>
        tpu.enqueue_dma source(%dma_start3A_60 : memref<2x128xi32, #tpu.memory_space<hbm>>) target(%arg7 : memref<2x128xi32, #tpu.memory_space<vmem>>) target_semaphore(%run_scoped3A_52 : memref<!tpu.dma_semaphore, #tpu.memory_space<semaphore_mem>>)
        %dma_wait3A_61 = arith.constant 0 : i32
        %dma_wait3A_62 = arith.constant 0 : i32
        %dma_wait3A_63 = tpu.memref_slice %arg3[%arg0, %arg1, %while3A_39, %dma_wait3A_61, %dma_wait3A_62] : memref<2x16x158x2x128xi32, #tpu.memory_space<hbm>> -> memref<1x1x1x2x128xi32, #tpu.memory_space<hbm>>
        %dma_wait3A_64 = tpu.memref_squeeze %dma_wait3A_63 : memref<1x1x1x2x128xi32, #tpu.memory_space<hbm>> -> memref<2x128xi32, #tpu.memory_space<hbm>>
        %dma_wait3A_65 = arith.constant 0 : i32
        %dma_wait3A_66 = arith.constant 0 : i32
        %dma_wait3A_67 = tpu.memref_slice %arg3[%arg0, %arg1, %while3A_39, %dma_wait3A_65, %dma_wait3A_66] : memref<2x16x158x2x128xi32, #tpu.memory_space<hbm>> -> memref<1x1x1x2x128xi32, #tpu.memory_space<hbm>>
        %dma_wait3A_68 = tpu.memref_squeeze %dma_wait3A_67 : memref<1x1x1x2x128xi32, #tpu.memory_space<hbm>> -> memref<2x128xi32, #tpu.memory_space<hbm>>
        tpu.wait_dma2 semaphore(%run_scoped3A_52 : memref<!tpu.dma_semaphore, #tpu.memory_space<semaphore_mem>>) src(%dma_wait3A_68 : memref<2x128xi32, #tpu.memory_space<hbm>>) dst(%arg7 : memref<2x128xi32, #tpu.memory_space<vmem>>)
        tpu.yield
      }) : () -> ()
      %dma_start3A = arith.constant 0 : i32
      %dma_start3A_40 = arith.constant 0 : i32
      %dma_start3A_41 = tpu.memref_slice %arg7[%dma_start3A, %dma_start3A_40] : memref<2x128xi32, #tpu.memory_space<vmem>> -> memref<1x128xi32, #tpu.memory_space<vmem>>
      %dma_start3A_42 = tpu.memref_squeeze %dma_start3A_41 : memref<1x128xi32, #tpu.memory_space<vmem>> -> memref<128xi32, #tpu.memory_space<vmem>>
      %dma_start3A_43 = arith.constant 0 : i32
      %dma_start3A_44 = arith.constant 0 : i32
      %dma_start3A_45 = tpu.memref_slice %arg2[%dma_start3A_43, %dma_start3A_44] : memref<10000x128xf32, #tpu.memory_space<hbm>> -> memref<10000x128xf32, #tpu.memory_space<hbm>>
      tpu.enqueue_indirect_dma source(%dma_start3A_45 : memref<10000x128xf32, #tpu.memory_space<hbm>>) target(%arg8 : memref<128x128xf32, #tpu.memory_space<vmem>>) offsets(%dma_start3A_42 : memref<128xi32, #tpu.memory_space<vmem>>) semaphore(%arg12 : memref<!tpu.dma_semaphore, #tpu.memory_space<semaphore_mem>>)
      %dma_wait3A = arith.constant 0 : i32
      %dma_wait3A_46 = arith.constant 0 : i32
      %dma_wait3A_47 = tpu.memref_slice %arg7[%dma_wait3A, %dma_wait3A_46] : memref<2x128xi32, #tpu.memory_space<vmem>> -> memref<1x128xi32, #tpu.memory_space<vmem>>
      %dma_wait3A_48 = tpu.memref_squeeze %dma_wait3A_47 : memref<1x128xi32, #tpu.memory_space<vmem>> -> memref<128xi32, #tpu.memory_space<vmem>>
      %dma_wait3A_49 = arith.constant 0 : i32
      %dma_wait3A_50 = arith.constant 0 : i32
      %dma_wait3A_51 = tpu.memref_slice %arg2[%dma_wait3A_49, %dma_wait3A_50] : memref<10000x128xf32, #tpu.memory_space<hbm>> -> memref<10000x128xf32, #tpu.memory_space<hbm>>
      tpu.wait_indirect_dma semaphore(%arg12 : memref<!tpu.dma_semaphore, #tpu.memory_space<semaphore_mem>>) src(%dma_wait3A_51 : memref<10000x128xf32, #tpu.memory_space<hbm>>) dst(%arg8 : memref<128x128xf32, #tpu.memory_space<vmem>>)
      %run_scoped3A = arith.constant 1 : i32
      "tpu.region"() ({
        %run_scoped3A_52 = tpu.sem_alloc : memref<!tpu.dma_semaphore, #tpu.memory_space<semaphore_mem>>
        %dma_start3A_53 = arith.constant 0 : i32
        %dma_start3A_54 = tpu.memref_slice %arg7[%run_scoped3A, %dma_start3A_53] : memref<2x128xi32, #tpu.memory_space<vmem>> -> memref<1x128xi32, #tpu.memory_space<vmem>>
        %dma_start3A_55 = tpu.memref_squeeze %dma_start3A_54 : memref<1x128xi32, #tpu.memory_space<vmem>> -> memref<128xi32, #tpu.memory_space<vmem>>
        %dma_start3A_56 = arith.constant 0 : i32
        %dma_start3A_57 = arith.constant 0 : i32
        %dma_start3A_58 = tpu.memref_slice %arg11[%dma_start3A_56, %dma_start3A_57] : memref<6400x128xf32, #tpu.memory_space<vmem_shared>> -> memref<6400x128xf32, #tpu.memory_space<vmem_shared>>
        tpu.enqueue_indirect_dma source(%arg8 : memref<128x128xf32, #tpu.memory_space<vmem>>) target(%dma_start3A_58 : memref<6400x128xf32, #tpu.memory_space<vmem_shared>>) offsets(%dma_start3A_55 : memref<128xi32, #tpu.memory_space<vmem>>) semaphore(%run_scoped3A_52 : memref<!tpu.dma_semaphore, #tpu.memory_space<semaphore_mem>>) {add = true}
        %dma_wait3A_59 = arith.constant 0 : i32
        %dma_wait3A_60 = tpu.memref_slice %arg7[%run_scoped3A, %dma_wait3A_59] : memref<2x128xi32, #tpu.memory_space<vmem>> -> memref<1x128xi32, #tpu.memory_space<vmem>>
        %dma_wait3A_61 = tpu.memref_squeeze %dma_wait3A_60 : memref<1x128xi32, #tpu.memory_space<vmem>> -> memref<128xi32, #tpu.memory_space<vmem>>
        %dma_wait3A_62 = arith.constant 0 : i32
        %dma_wait3A_63 = arith.constant 0 : i32
        %dma_wait3A_64 = tpu.memref_slice %arg11[%dma_wait3A_62, %dma_wait3A_63] : memref<6400x128xf32, #tpu.memory_space<vmem_shared>> -> memref<6400x128xf32, #tpu.memory_space<vmem_shared>>
        tpu.wait_indirect_dma semaphore(%run_scoped3A_52 : memref<!tpu.dma_semaphore, #tpu.memory_space<semaphore_mem>>) src(%arg8 : memref<128x128xf32, #tpu.memory_space<vmem>>) dst(%dma_wait3A_64 : memref<6400x128xf32, #tpu.memory_space<vmem_shared>>)
        tpu.yield
      }) : () -> ()
    }
    %while3A_33 = arith.constant 1 : i32
    scf.for %while3A_39 = %while3A_31 to %while3A_27 step %while3A_33  : i32 {
      "tpu.region"() ({
        %run_scoped3A_52 = tpu.sem_alloc : memref<!tpu.dma_semaphore, #tpu.memory_space<semaphore_mem>>
        %dma_start3A_53 = arith.constant 0 : i32
        %dma_start3A_54 = arith.constant 0 : i32
        %dma_start3A_55 = tpu.memref_slice %arg3[%arg0, %arg1, %while3A_39, %dma_start3A_53, %dma_start3A_54] : memref<2x16x158x2x128xi32, #tpu.memory_space<hbm>> -> memref<1x1x1x2x128xi32, #tpu.memory_space<hbm>>
        %dma_start3A_56 = tpu.memref_squeeze %dma_start3A_55 : memref<1x1x1x2x128xi32, #tpu.memory_space<hbm>> -> memref<2x128xi32, #tpu.memory_space<hbm>>
        %dma_start3A_57 = arith.constant 0 : i32
        %dma_start3A_58 = arith.constant 0 : i32
        %dma_start3A_59 = tpu.memref_slice %arg3[%arg0, %arg1, %while3A_39, %dma_start3A_57, %dma_start3A_58] : memref<2x16x158x2x128xi32, #tpu.memory_space<hbm>> -> memref<1x1x1x2x128xi32, #tpu.memory_space<hbm>>
        %dma_start3A_60 = tpu.memref_squeeze %dma_start3A_59 : memref<1x1x1x2x128xi32, #tpu.memory_space<hbm>> -> memref<2x128xi32, #tpu.memory_space<hbm>>
        tpu.enqueue_dma source(%dma_start3A_60 : memref<2x128xi32, #tpu.memory_space<hbm>>) target(%arg7 : memref<2x128xi32, #tpu.memory_space<vmem>>) target_semaphore(%run_scoped3A_52 : memref<!tpu.dma_semaphore, #tpu.memory_space<semaphore_mem>>)
        %dma_wait3A_61 = arith.constant 0 : i32
        %dma_wait3A_62 = arith.constant 0 : i32
        %dma_wait3A_63 = tpu.memref_slice %arg3[%arg0, %arg1, %while3A_39, %dma_wait3A_61, %dma_wait3A_62] : memref<2x16x158x2x128xi32, #tpu.memory_space<hbm>> -> memref<1x1x1x2x128xi32, #tpu.memory_space<hbm>>
        %dma_wait3A_64 = tpu.memref_squeeze %dma_wait3A_63 : memref<1x1x1x2x128xi32, #tpu.memory_space<hbm>> -> memref<2x128xi32, #tpu.memory_space<hbm>>
        %dma_wait3A_65 = arith.constant 0 : i32
        %dma_wait3A_66 = arith.constant 0 : i32
        %dma_wait3A_67 = tpu.memref_slice %arg3[%arg0, %arg1, %while3A_39, %dma_wait3A_65, %dma_wait3A_66] : memref<2x16x158x2x128xi32, #tpu.memory_space<hbm>> -> memref<1x1x1x2x128xi32, #tpu.memory_space<hbm>>
        %dma_wait3A_68 = tpu.memref_squeeze %dma_wait3A_67 : memref<1x1x1x2x128xi32, #tpu.memory_space<hbm>> -> memref<2x128xi32, #tpu.memory_space<hbm>>
        tpu.wait_dma2 semaphore(%run_scoped3A_52 : memref<!tpu.dma_semaphore, #tpu.memory_space<semaphore_mem>>) src(%dma_wait3A_68 : memref<2x128xi32, #tpu.memory_space<hbm>>) dst(%arg7 : memref<2x128xi32, #tpu.memory_space<vmem>>)
        tpu.yield
      }) : () -> ()
      %dma_start3A = arith.constant 0 : i32
      %dma_start3A_40 = arith.constant 0 : i32
      %dma_start3A_41 = tpu.memref_slice %arg7[%dma_start3A, %dma_start3A_40] : memref<2x128xi32, #tpu.memory_space<vmem>> -> memref<1x128xi32, #tpu.memory_space<vmem>>
      %dma_start3A_42 = tpu.memref_squeeze %dma_start3A_41 : memref<1x128xi32, #tpu.memory_space<vmem>> -> memref<128xi32, #tpu.memory_space<vmem>>
      %dma_start3A_43 = arith.constant 0 : i32
      %dma_start3A_44 = arith.constant 0 : i32
      %dma_start3A_45 = tpu.memref_slice %arg2[%dma_start3A_43, %dma_start3A_44] : memref<10000x128xf32, #tpu.memory_space<hbm>> -> memref<10000x128xf32, #tpu.memory_space<hbm>>
      tpu.enqueue_indirect_dma source(%dma_start3A_45 : memref<10000x128xf32, #tpu.memory_space<hbm>>) target(%arg8 : memref<128x128xf32, #tpu.memory_space<vmem>>) offsets(%dma_start3A_42 : memref<128xi32, #tpu.memory_space<vmem>>) semaphore(%arg12 : memref<!tpu.dma_semaphore, #tpu.memory_space<semaphore_mem>>)
      %dma_wait3A = arith.constant 0 : i32
      %dma_wait3A_46 = arith.constant 0 : i32
      %dma_wait3A_47 = tpu.memref_slice %arg7[%dma_wait3A, %dma_wait3A_46] : memref<2x128xi32, #tpu.memory_space<vmem>> -> memref<1x128xi32, #tpu.memory_space<vmem>>
      %dma_wait3A_48 = tpu.memref_squeeze %dma_wait3A_47 : memref<1x128xi32, #tpu.memory_space<vmem>> -> memref<128xi32, #tpu.memory_space<vmem>>
      %dma_wait3A_49 = arith.constant 0 : i32
      %dma_wait3A_50 = arith.constant 0 : i32
      %dma_wait3A_51 = tpu.memref_slice %arg2[%dma_wait3A_49, %dma_wait3A_50] : memref<10000x128xf32, #tpu.memory_space<hbm>> -> memref<10000x128xf32, #tpu.memory_space<hbm>>
      tpu.wait_indirect_dma semaphore(%arg12 : memref<!tpu.dma_semaphore, #tpu.memory_space<semaphore_mem>>) src(%dma_wait3A_51 : memref<10000x128xf32, #tpu.memory_space<hbm>>) dst(%arg8 : memref<128x128xf32, #tpu.memory_space<vmem>>)
      %run_scoped3A = arith.constant 1 : i32
      "tpu.region"() ({
        %run_scoped3A_52 = tpu.sem_alloc : memref<!tpu.dma_semaphore, #tpu.memory_space<semaphore_mem>>
        %dma_start3A_53 = arith.constant 0 : i32
        %dma_start3A_54 = tpu.memref_slice %arg7[%run_scoped3A, %dma_start3A_53] : memref<2x128xi32, #tpu.memory_space<vmem>> -> memref<1x128xi32, #tpu.memory_space<vmem>>
        %dma_start3A_55 = tpu.memref_squeeze %dma_start3A_54 : memref<1x128xi32, #tpu.memory_space<vmem>> -> memref<128xi32, #tpu.memory_space<vmem>>
        %dma_start3A_56 = arith.constant 0 : i32
        %dma_start3A_57 = arith.constant 0 : i32
        %dma_start3A_58 = tpu.memref_slice %arg11[%dma_start3A_56, %dma_start3A_57] : memref<6400x128xf32, #tpu.memory_space<vmem_shared>> -> memref<6400x128xf32, #tpu.memory_space<vmem_shared>>
        tpu.enqueue_indirect_dma source(%arg8 : memref<128x128xf32, #tpu.memory_space<vmem>>) target(%dma_start3A_58 : memref<6400x128xf32, #tpu.memory_space<vmem_shared>>) offsets(%dma_start3A_55 : memref<128xi32, #tpu.memory_space<vmem>>) semaphore(%run_scoped3A_52 : memref<!tpu.dma_semaphore, #tpu.memory_space<semaphore_mem>>) {add = true}
        %dma_wait3A_59 = arith.constant 0 : i32
        %dma_wait3A_60 = tpu.memref_slice %arg7[%run_scoped3A, %dma_wait3A_59] : memref<2x128xi32, #tpu.memory_space<vmem>> -> memref<1x128xi32, #tpu.memory_space<vmem>>
        %dma_wait3A_61 = tpu.memref_squeeze %dma_wait3A_60 : memref<1x128xi32, #tpu.memory_space<vmem>> -> memref<128xi32, #tpu.memory_space<vmem>>
        %dma_wait3A_62 = arith.constant 0 : i32
        %dma_wait3A_63 = arith.constant 0 : i32
        %dma_wait3A_64 = tpu.memref_slice %arg11[%dma_wait3A_62, %dma_wait3A_63] : memref<6400x128xf32, #tpu.memory_space<vmem_shared>> -> memref<6400x128xf32, #tpu.memory_space<vmem_shared>>
        tpu.wait_indirect_dma semaphore(%run_scoped3A_52 : memref<!tpu.dma_semaphore, #tpu.memory_space<semaphore_mem>>) src(%arg8 : memref<128x128xf32, #tpu.memory_space<vmem>>) dst(%dma_wait3A_64 : memref<6400x128xf32, #tpu.memory_space<vmem_shared>>)
        tpu.yield
      }) : () -> ()
    }
    %barrier3A_34 = arith.constant 0 : index
    tpu.barrier barrier_id(%barrier3A_34)
    %mul3A_35 = arith.constant 400 : i32
    %mul3A_36 = arith.muli %arg1, %mul3A_35 : i32
    %mul3A_37 = arith.constant 400 : i32
    %mul3A_38 = arith.muli %arg1, %mul3A_37 : i32
    "tpu.region"() ({
      %run_scoped3A = tpu.sem_alloc : memref<!tpu.dma_semaphore, #tpu.memory_space<semaphore_mem>>
      %dma_start3A = arith.constant 0 : i32
      %dma_start3A_39 = tpu.memref_slice %arg6[%arg0, %mul3A_38, %dma_start3A] : memref<2x6400x128xf32, #tpu.memory_space<hbm>> -> memref<1x400x128xf32, #tpu.memory_space<hbm>>
      %dma_start3A_40 = tpu.memref_squeeze %dma_start3A_39 : memref<1x400x128xf32, #tpu.memory_space<hbm>> -> memref<400x128xf32, #tpu.memory_space<hbm>>
      %dma_start3A_41 = arith.constant 0 : i32
      %dma_start3A_42 = tpu.memref_slice %arg11[%mul3A_36, %dma_start3A_41] : memref<6400x128xf32, #tpu.memory_space<vmem_shared>> -> memref<400x128xf32, #tpu.memory_space<vmem_shared>>
      tpu.enqueue_dma source(%dma_start3A_42 : memref<400x128xf32, #tpu.memory_space<vmem_shared>>) target(%dma_start3A_40 : memref<400x128xf32, #tpu.memory_space<hbm>>) target_semaphore(%run_scoped3A : memref<!tpu.dma_semaphore, #tpu.memory_space<semaphore_mem>>)
      %dma_wait3A = arith.constant 0 : i32
      %dma_wait3A_43 = tpu.memref_slice %arg6[%arg0, %mul3A_38, %dma_wait3A] : memref<2x6400x128xf32, #tpu.memory_space<hbm>> -> memref<1x400x128xf32, #tpu.memory_space<hbm>>
      %dma_wait3A_44 = tpu.memref_squeeze %dma_wait3A_43 : memref<1x400x128xf32, #tpu.memory_space<hbm>> -> memref<400x128xf32, #tpu.memory_space<hbm>>
      %dma_wait3A_45 = arith.constant 0 : i32
      %dma_wait3A_46 = tpu.memref_slice %arg11[%mul3A_36, %dma_wait3A_45] : memref<6400x128xf32, #tpu.memory_space<vmem_shared>> -> memref<400x128xf32, #tpu.memory_space<vmem_shared>>
      tpu.wait_dma2 semaphore(%run_scoped3A : memref<!tpu.dma_semaphore, #tpu.memory_space<semaphore_mem>>) src(%dma_wait3A_46 : memref<400x128xf32, #tpu.memory_space<vmem_shared>>) dst(%dma_wait3A_44 : memref<400x128xf32, #tpu.memory_space<hbm>>)
      tpu.yield
    }) : () -> ()
    return
  }
}

#map = affine_map<(d0, d1) -> (0, 0)>
#map1 = affine_map<(d0, d1) -> (0, 0, 0)>
module attributes {stable_mosaic.version = 14 : i64} {
  func.func @_route_body(%arg0: i32, %arg1: i32, %arg2: memref<16x20000xi32, #tpu.memory_space<hbm>>, %arg3: memref<16x20000xi32, #tpu.memory_space<hbm>>, %arg4: memref<2x16x40448xi32, #tpu.memory_space<hbm>>, %arg5: memref<2x16x128xi32, #tpu.memory_space<hbm>>, %arg6: memref<20000xi32, #tpu.memory_space<vmem>>, %arg7: memref<20000xi32, #tpu.memory_space<vmem>>, %arg8: memref<40448xi32, #tpu.memory_space<vmem>>, %arg9: memref<128xi32, #tpu.memory_space<vmem>>) attributes {dimension_semantics = [#tpu.dimension_semantics<core_parallel>, #tpu.dimension_semantics<subcore_parallel>], iteration_bounds = array<i64: 2, 16>, scalar_prefetch = 0 : i64, scratch_operands = 4 : i64, tpu.core_type = #tpu.core_type<sc_vector_subcore>, window_params = [{transform_indices = #map}, {transform_indices = #map}, {transform_indices = #map1}, {transform_indices = #map1}]} {
    "tpu.region"() ({
      %run_scoped3A = tpu.sem_alloc : memref<!tpu.dma_semaphore, #tpu.memory_space<semaphore_mem>>
      %dma_start3A = arith.constant 0 : i32
      %dma_start3A_52 = tpu.memref_slice %arg2[%arg1, %dma_start3A] : memref<16x20000xi32, #tpu.memory_space<hbm>> -> memref<1x20000xi32, #tpu.memory_space<hbm>>
      %dma_start3A_53 = tpu.memref_squeeze %dma_start3A_52 : memref<1x20000xi32, #tpu.memory_space<hbm>> -> memref<20000xi32, #tpu.memory_space<hbm>>
      %dma_start3A_54 = arith.constant 0 : i32
      %dma_start3A_55 = tpu.memref_slice %arg2[%arg1, %dma_start3A_54] : memref<16x20000xi32, #tpu.memory_space<hbm>> -> memref<1x20000xi32, #tpu.memory_space<hbm>>
      %dma_start3A_56 = tpu.memref_squeeze %dma_start3A_55 : memref<1x20000xi32, #tpu.memory_space<hbm>> -> memref<20000xi32, #tpu.memory_space<hbm>>
      tpu.enqueue_dma source(%dma_start3A_56 : memref<20000xi32, #tpu.memory_space<hbm>>) target(%arg6 : memref<20000xi32, #tpu.memory_space<vmem>>) target_semaphore(%run_scoped3A : memref<!tpu.dma_semaphore, #tpu.memory_space<semaphore_mem>>)
      %dma_wait3A = arith.constant 0 : i32
      %dma_wait3A_57 = tpu.memref_slice %arg2[%arg1, %dma_wait3A] : memref<16x20000xi32, #tpu.memory_space<hbm>> -> memref<1x20000xi32, #tpu.memory_space<hbm>>
      %dma_wait3A_58 = tpu.memref_squeeze %dma_wait3A_57 : memref<1x20000xi32, #tpu.memory_space<hbm>> -> memref<20000xi32, #tpu.memory_space<hbm>>
      %dma_wait3A_59 = arith.constant 0 : i32
      %dma_wait3A_60 = tpu.memref_slice %arg2[%arg1, %dma_wait3A_59] : memref<16x20000xi32, #tpu.memory_space<hbm>> -> memref<1x20000xi32, #tpu.memory_space<hbm>>
      %dma_wait3A_61 = tpu.memref_squeeze %dma_wait3A_60 : memref<1x20000xi32, #tpu.memory_space<hbm>> -> memref<20000xi32, #tpu.memory_space<hbm>>
      tpu.wait_dma2 semaphore(%run_scoped3A : memref<!tpu.dma_semaphore, #tpu.memory_space<semaphore_mem>>) src(%dma_wait3A_61 : memref<20000xi32, #tpu.memory_space<hbm>>) dst(%arg6 : memref<20000xi32, #tpu.memory_space<vmem>>)
      tpu.yield
    }) : () -> ()
    "tpu.region"() ({
      %run_scoped3A = tpu.sem_alloc : memref<!tpu.dma_semaphore, #tpu.memory_space<semaphore_mem>>
      %dma_start3A = arith.constant 0 : i32
      %dma_start3A_52 = tpu.memref_slice %arg3[%arg1, %dma_start3A] : memref<16x20000xi32, #tpu.memory_space<hbm>> -> memref<1x20000xi32, #tpu.memory_space<hbm>>
      %dma_start3A_53 = tpu.memref_squeeze %dma_start3A_52 : memref<1x20000xi32, #tpu.memory_space<hbm>> -> memref<20000xi32, #tpu.memory_space<hbm>>
      %dma_start3A_54 = arith.constant 0 : i32
      %dma_start3A_55 = tpu.memref_slice %arg3[%arg1, %dma_start3A_54] : memref<16x20000xi32, #tpu.memory_space<hbm>> -> memref<1x20000xi32, #tpu.memory_space<hbm>>
      %dma_start3A_56 = tpu.memref_squeeze %dma_start3A_55 : memref<1x20000xi32, #tpu.memory_space<hbm>> -> memref<20000xi32, #tpu.memory_space<hbm>>
      tpu.enqueue_dma source(%dma_start3A_56 : memref<20000xi32, #tpu.memory_space<hbm>>) target(%arg7 : memref<20000xi32, #tpu.memory_space<vmem>>) target_semaphore(%run_scoped3A : memref<!tpu.dma_semaphore, #tpu.memory_space<semaphore_mem>>)
      %dma_wait3A = arith.constant 0 : i32
      %dma_wait3A_57 = tpu.memref_slice %arg3[%arg1, %dma_wait3A] : memref<16x20000xi32, #tpu.memory_space<hbm>> -> memref<1x20000xi32, #tpu.memory_space<hbm>>
      %dma_wait3A_58 = tpu.memref_squeeze %dma_wait3A_57 : memref<1x20000xi32, #tpu.memory_space<hbm>> -> memref<20000xi32, #tpu.memory_space<hbm>>
      %dma_wait3A_59 = arith.constant 0 : i32
      %dma_wait3A_60 = tpu.memref_slice %arg3[%arg1, %dma_wait3A_59] : memref<16x20000xi32, #tpu.memory_space<hbm>> -> memref<1x20000xi32, #tpu.memory_space<hbm>>
      %dma_wait3A_61 = tpu.memref_squeeze %dma_wait3A_60 : memref<1x20000xi32, #tpu.memory_space<hbm>> -> memref<20000xi32, #tpu.memory_space<hbm>>
      tpu.wait_dma2 semaphore(%run_scoped3A : memref<!tpu.dma_semaphore, #tpu.memory_space<semaphore_mem>>) src(%dma_wait3A_61 : memref<20000xi32, #tpu.memory_space<hbm>>) dst(%arg7 : memref<20000xi32, #tpu.memory_space<vmem>>)
      tpu.yield
    }) : () -> ()
    %mul3A = arith.constant 5120 : i32
    %mul3A_0 = arith.muli %arg0, %mul3A : i32
    %broadcast_in_dim3A = arith.constant 5120 : i32
    %broadcast_in_dim3A_1 = vector.broadcast %broadcast_in_dim3A : i32 to vector<16xi32>
    %broadcast_in_dim3A_2 = arith.constant 0 : i32
    %broadcast_in_dim3A_3 = vector.broadcast %broadcast_in_dim3A_2 : i32 to vector<16xi32>
    %scan3A = arith.constant 0 : i32
    %scan3A_4 = arith.constant 0 : i32
    %scan3A_5 = arith.constant 2528 : i32
    %scan3A_6 = arith.addi %scan3A_4, %scan3A_5 : i32
    %scan3A_7 = arith.constant 1 : i32
    scf.for %scan3A_52 = %scan3A_4 to %scan3A_6 step %scan3A_7  : i32 {
      %shift_right_arithmetic3A = arith.constant 3 : i32
      %shift_right_arithmetic3A_53 = arith.shrsi %scan3A_52, %shift_right_arithmetic3A : i32
      %and3A_54 = arith.constant 1 : i32
      %and3A_55 = arith.andi %shift_right_arithmetic3A_53, %and3A_54 : i32
      %eq3A = arith.constant 0 : i32
      %eq3A_56 = arith.cmpi eq, %and3A_55, %eq3A : i32
      %select_n3A_57 = arith.select %eq3A_56, %broadcast_in_dim3A_3, %broadcast_in_dim3A_1 : vector<16xi32>
      %mul3A_58 = arith.constant 16 : i32
      %mul3A_59 = arith.muli %scan3A_52, %mul3A_58 : i32
      %swap3A_60 = arith.index_cast %mul3A_59 : i32 to index
      %swap3A_61 = tpu.vector_load %arg8[%swap3A_60] {strides = array<i32>} : memref<40448xi32, #tpu.memory_space<vmem>>, vector<16xi32>,
      tpu.vector_store %arg8[%swap3A_60], %select_n3A_57 {strides = array<i32>} : memref<40448xi32, #tpu.memory_space<vmem>>, vector<16xi32>,
    }
    %scan3A_8 = arith.constant 2528 : i32
    %scan3A_9 = arith.constant 0 : i32
    %scan3A_10 = arith.constant 0 : i32
    %scan3A_11 = arith.constant 1250 : i32
    %scan3A_12 = arith.addi %scan3A_10, %scan3A_11 : i32
    %scan3A_13 = arith.constant 1 : i32
    %scan3A_14 = scf.for %scan3A_52 = %scan3A_10 to %scan3A_12 step %scan3A_13 iter_args(%scan3A_53 = %scan3A_9) -> (i32)  : i32 {
      %mul3A_54 = arith.constant 16 : i32
      %mul3A_55 = arith.muli %scan3A_52, %mul3A_54 : i32
      %get3A = arith.index_cast %mul3A_55 : i32 to index
      %get3A_56 = tpu.vector_load %arg7[%get3A] {strides = array<i32>} : memref<20000xi32, #tpu.memory_space<vmem>>, vector<16xi32>,
      %mul3A_57 = arith.constant 16 : i32
      %mul3A_58 = arith.muli %scan3A_52, %mul3A_57 : i32
      %get3A_59 = arith.index_cast %mul3A_58 : i32 to index
      %get3A_60 = tpu.vector_load %arg6[%get3A_59] {strides = array<i32>} : memref<20000xi32, #tpu.memory_space<vmem>>, vector<16xi32>,
      %sub3A_61 = vector.broadcast %mul3A_0 : i32 to vector<16xi32>
      %sub3A_62 = arith.subi %get3A_56, %sub3A_61 : vector<16xi32>
      %ge3A = arith.constant 0 : i32
      %ge3A_63 = vector.broadcast %ge3A : i32 to vector<16xi32>
      %ge3A_64 = arith.cmpi sge, %sub3A_62, %ge3A_63 : vector<16xi32>
      %lt3A = arith.constant 5120 : i32
      %lt3A_65 = vector.broadcast %lt3A : i32 to vector<16xi32>
      %lt3A_66 = arith.cmpi slt, %sub3A_62, %lt3A_65 : vector<16xi32>
      %and3A_67 = arith.andi %ge3A_64, %lt3A_66 : vector<16xi1>
      %convert_element_type3A = arith.extui %and3A_67 : vector<16xi1> to vector<16xi32>
      %broadcast_in_dim3A_68 = arith.constant true
      %broadcast_in_dim3A_69 = vector.broadcast %broadcast_in_dim3A_68 : i1 to vector<16xi1>
      %masked_cumsum3A = tpu.scan <sum>, %convert_element_type3A masked %broadcast_in_dim3A_69 : vector<16xi32>, vector<16xi1> -> vector<16xi32>
      %sub3A_70 = arith.constant 1 : i32
      %sub3A_71 = arith.subi %scan3A_53, %sub3A_70 : i32
      %add3A_72 = vector.broadcast %sub3A_71 : i32 to vector<16xi32>
      %add3A_73 = arith.addi %masked_cumsum3A, %add3A_72 : vector<16xi32>
      %shift_right_arithmetic3A = arith.constant 7 : i32
      %shift_right_arithmetic3A_74 = vector.broadcast %shift_right_arithmetic3A : i32 to vector<16xi32>
      %shift_right_arithmetic3A_75 = arith.shrsi %add3A_73, %shift_right_arithmetic3A_74 : vector<16xi32>
      %shift_left3A = arith.constant 7 : i32
      %shift_left3A_76 = vector.broadcast %shift_left3A : i32 to vector<16xi32>
      %shift_left3A_77 = arith.shli %shift_right_arithmetic3A_75, %shift_left3A_76 : vector<16xi32>
      %add3A_78 = arith.addi %add3A_73, %shift_left3A_77 : vector<16xi32>
      tpu.vector_store_idx %arg8[%add3A_78], %get3A_60 masked %and3A_67 : memref<40448xi32, #tpu.memory_space<vmem>>[vector<16xi32>], vector<16xi32>, vector<16xi1>
      %add3A_79 = arith.constant 128 : i32
      %add3A_80 = vector.broadcast %add3A_79 : i32 to vector<16xi32>
      %add3A_81 = arith.addi %add3A_78, %add3A_80 : vector<16xi32>
      tpu.vector_store_idx %arg8[%add3A_81], %sub3A_62 masked %and3A_67 : memref<40448xi32, #tpu.memory_space<vmem>>[vector<16xi32>], vector<16xi32>, vector<16xi1>
      %reduce_max3A = arith.constant true
      %reduce_max3A_82 = vector.broadcast %reduce_max3A : i1 to vector<16xi1>
      %reduce_max3A_83 = arith.constant -2147483648 : i32
      %reduce_max3A_84 = vector.broadcast %reduce_max3A_83 : i32 to vector<16xi32>
      %reduce_max3A_85 = arith.xori %masked_cumsum3A, %reduce_max3A_84 : vector<16xi32>
      %reduce_max3A_86 = tpu.scan <max>, %reduce_max3A_85 masked %reduce_max3A_82 : vector<16xi32>, vector<16xi1> -> vector<16xi32>
      %reduce_max3A_87 = arith.xori %reduce_max3A_86, %reduce_max3A_84 : vector<16xi32>
      %reduce_max3A_88 = vector.extract %reduce_max3A_87[15] : i32 from vector<16xi32>
      %add3A_89 = arith.addi %scan3A_53, %reduce_max3A_88 : i32
      scf.yield %add3A_89 : i32
    }
    %scan3A_15 = arith.constant 1250 : i32
    %jit3A = arith.constant 128 : i32
    %div3A = arith.divsi %scan3A_14, %jit3A : i32
    %sign3A = arith.constant 0 : i32
    %sign3A_16 = arith.cmpi sgt, %scan3A_14, %sign3A : i32
    %sign3A_17 = arith.extui %sign3A_16 : i1 to i32
    %sign3A_18 = arith.constant 0 : i32
    %sign3A_19 = arith.cmpi slt, %scan3A_14, %sign3A_18 : i32
    %sign3A_20 = arith.extui %sign3A_19 : i1 to i32
    %sign3A_21 = arith.subi %sign3A_17, %sign3A_20 : i32
    %sign3A_22 = arith.constant 0 : i32
    %sign3A_23 = arith.cmpi sgt, %jit3A, %sign3A_22 : i32
    %sign3A_24 = arith.extui %sign3A_23 : i1 to i32
    %sign3A_25 = arith.constant 0 : i32
    %sign3A_26 = arith.cmpi slt, %jit3A, %sign3A_25 : i32
    %sign3A_27 = arith.extui %sign3A_26 : i1 to i32
    %sign3A_28 = arith.subi %sign3A_24, %sign3A_27 : i32
    %ne3A = arith.cmpi ne, %sign3A_21, %sign3A_28 : i32
    %rem3A = arith.remsi %scan3A_14, %jit3A : i32
    %ne3A_29 = arith.constant 0 : i32
    %ne3A_30 = arith.cmpi ne, %rem3A, %ne3A_29 : i32
    %and3A = arith.andi %ne3A, %ne3A_30 : i1
    %sub3A = arith.constant 1 : i32
    %sub3A_31 = arith.subi %div3A, %sub3A : i32
    %select_n3A = arith.select %and3A, %sub3A_31, %div3A : i32
    %add3A = arith.constant 1 : i32
    %add3A_32 = arith.addi %select_n3A, %add3A : i32
    %broadcast_in_dim3A_33 = arith.constant 0 : i32
    %broadcast_in_dim3A_34 = vector.broadcast %broadcast_in_dim3A_33 : i32 to vector<16xi32>
    %add3A_35 = vector.broadcast %add3A_32 : i32 to vector<16xi32>
    %add3A_36 = arith.addi %broadcast_in_dim3A_34, %add3A_35 : vector<16xi32>
    %swap3A = arith.constant 0 : index
    %swap3A_37 = tpu.vector_load %arg9[%swap3A] {strides = array<i32>} : memref<128xi32, #tpu.memory_space<vmem>>, vector<16xi32>,
    tpu.vector_store %arg9[%swap3A], %add3A_36 {strides = array<i32>} : memref<128xi32, #tpu.memory_space<vmem>>, vector<16xi32>,
    %swap3A_38 = arith.constant 16 : index
    %swap3A_39 = tpu.vector_load %arg9[%swap3A_38] {strides = array<i32>} : memref<128xi32, #tpu.memory_space<vmem>>, vector<16xi32>,
    tpu.vector_store %arg9[%swap3A_38], %add3A_36 {strides = array<i32>} : memref<128xi32, #tpu.memory_space<vmem>>, vector<16xi32>,
    %swap3A_40 = arith.constant 32 : index
    %swap3A_41 = tpu.vector_load %arg9[%swap3A_40] {strides = array<i32>} : memref<128xi32, #tpu.memory_space<vmem>>, vector<16xi32>,
    tpu.vector_store %arg9[%swap3A_40], %add3A_36 {strides = array<i32>} : memref<128xi32, #tpu.memory_space<vmem>>, vector<16xi32>,
    %swap3A_42 = arith.constant 48 : index
    %swap3A_43 = tpu.vector_load %arg9[%swap3A_42] {strides = array<i32>} : memref<128xi32, #tpu.memory_space<vmem>>, vector<16xi32>,
    tpu.vector_store %arg9[%swap3A_42], %add3A_36 {strides = array<i32>} : memref<128xi32, #tpu.memory_space<vmem>>, vector<16xi32>,
    %swap3A_44 = arith.constant 64 : index
    %swap3A_45 = tpu.vector_load %arg9[%swap3A_44] {strides = array<i32>} : memref<128xi32, #tpu.memory_space<vmem>>, vector<16xi32>,
    tpu.vector_store %arg9[%swap3A_44], %add3A_36 {strides = array<i32>} : memref<128xi32, #tpu.memory_space<vmem>>, vector<16xi32>,
    %swap3A_46 = arith.constant 80 : index
    %swap3A_47 = tpu.vector_load %arg9[%swap3A_46] {strides = array<i32>} : memref<128xi32, #tpu.memory_space<vmem>>, vector<16xi32>,
    tpu.vector_store %arg9[%swap3A_46], %add3A_36 {strides = array<i32>} : memref<128xi32, #tpu.memory_space<vmem>>, vector<16xi32>,
    %swap3A_48 = arith.constant 96 : index
    %swap3A_49 = tpu.vector_load %arg9[%swap3A_48] {strides = array<i32>} : memref<128xi32, #tpu.memory_space<vmem>>, vector<16xi32>,
    tpu.vector_store %arg9[%swap3A_48], %add3A_36 {strides = array<i32>} : memref<128xi32, #tpu.memory_space<vmem>>, vector<16xi32>,
    %swap3A_50 = arith.constant 112 : index
    %swap3A_51 = tpu.vector_load %arg9[%swap3A_50] {strides = array<i32>} : memref<128xi32, #tpu.memory_space<vmem>>, vector<16xi32>,
    tpu.vector_store %arg9[%swap3A_50], %add3A_36 {strides = array<i32>} : memref<128xi32, #tpu.memory_space<vmem>>, vector<16xi32>,
    "tpu.region"() ({
      %run_scoped3A = tpu.sem_alloc : memref<!tpu.dma_semaphore, #tpu.memory_space<semaphore_mem>>
      %dma_start3A = arith.constant 0 : i32
      %dma_start3A_52 = tpu.memref_slice %arg5[%arg0, %arg1, %dma_start3A] : memref<2x16x128xi32, #tpu.memory_space<hbm>> -> memref<1x1x128xi32, #tpu.memory_space<hbm>>
      %dma_start3A_53 = tpu.memref_squeeze %dma_start3A_52 : memref<1x1x128xi32, #tpu.memory_space<hbm>> -> memref<128xi32, #tpu.memory_space<hbm>>
      %dma_start3A_54 = arith.constant 0 : i32
      %dma_start3A_55 = tpu.memref_slice %arg5[%arg0, %arg1, %dma_start3A_54] : memref<2x16x128xi32, #tpu.memory_space<hbm>> -> memref<1x1x128xi32, #tpu.memory_space<hbm>>
      %dma_start3A_56 = tpu.memref_squeeze %dma_start3A_55 : memref<1x1x128xi32, #tpu.memory_space<hbm>> -> memref<128xi32, #tpu.memory_space<hbm>>
      tpu.enqueue_dma source(%arg9 : memref<128xi32, #tpu.memory_space<vmem>>) target(%dma_start3A_56 : memref<128xi32, #tpu.memory_space<hbm>>) target_semaphore(%run_scoped3A : memref<!tpu.dma_semaphore, #tpu.memory_space<semaphore_mem>>)
      %dma_wait3A = arith.constant 0 : i32
      %dma_wait3A_57 = tpu.memref_slice %arg5[%arg0, %arg1, %dma_wait3A] : memref<2x16x128xi32, #tpu.memory_space<hbm>> -> memref<1x1x128xi32, #tpu.memory_space<hbm>>
      %dma_wait3A_58 = tpu.memref_squeeze %dma_wait3A_57 : memref<1x1x128xi32, #tpu.memory_space<hbm>> -> memref<128xi32, #tpu.memory_space<hbm>>
      %dma_wait3A_59 = arith.constant 0 : i32
      %dma_wait3A_60 = tpu.memref_slice %arg5[%arg0, %arg1, %dma_wait3A_59] : memref<2x16x128xi32, #tpu.memory_space<hbm>> -> memref<1x1x128xi32, #tpu.memory_space<hbm>>
      %dma_wait3A_61 = tpu.memref_squeeze %dma_wait3A_60 : memref<1x1x128xi32, #tpu.memory_space<hbm>> -> memref<128xi32, #tpu.memory_space<hbm>>
      tpu.wait_dma2 semaphore(%run_scoped3A : memref<!tpu.dma_semaphore, #tpu.memory_space<semaphore_mem>>) src(%arg9 : memref<128xi32, #tpu.memory_space<vmem>>) dst(%dma_wait3A_61 : memref<128xi32, #tpu.memory_space<hbm>>)
      tpu.yield
    }) : () -> ()
    "tpu.region"() ({
      %run_scoped3A = tpu.sem_alloc : memref<!tpu.dma_semaphore, #tpu.memory_space<semaphore_mem>>
      %dma_start3A = arith.constant 0 : i32
      %dma_start3A_52 = tpu.memref_slice %arg4[%arg0, %arg1, %dma_start3A] : memref<2x16x40448xi32, #tpu.memory_space<hbm>> -> memref<1x1x40448xi32, #tpu.memory_space<hbm>>
      %dma_start3A_53 = tpu.memref_squeeze %dma_start3A_52 : memref<1x1x40448xi32, #tpu.memory_space<hbm>> -> memref<40448xi32, #tpu.memory_space<hbm>>
      %dma_start3A_54 = arith.constant 0 : i32
      %dma_start3A_55 = tpu.memref_slice %arg4[%arg0, %arg1, %dma_start3A_54] : memref<2x16x40448xi32, #tpu.memory_space<hbm>> -> memref<1x1x40448xi32, #tpu.memory_space<hbm>>
      %dma_start3A_56 = tpu.memref_squeeze %dma_start3A_55 : memref<1x1x40448xi32, #tpu.memory_space<hbm>> -> memref<40448xi32, #tpu.memory_space<hbm>>
      tpu.enqueue_dma source(%arg8 : memref<40448xi32, #tpu.memory_space<vmem>>) target(%dma_start3A_56 : memref<40448xi32, #tpu.memory_space<hbm>>) target_semaphore(%run_scoped3A : memref<!tpu.dma_semaphore, #tpu.memory_space<semaphore_mem>>)
      %dma_wait3A = arith.constant 0 : i32
      %dma_wait3A_57 = tpu.memref_slice %arg4[%arg0, %arg1, %dma_wait3A] : memref<2x16x40448xi32, #tpu.memory_space<hbm>> -> memref<1x1x40448xi32, #tpu.memory_space<hbm>>
      %dma_wait3A_58 = tpu.memref_squeeze %dma_wait3A_57 : memref<1x1x40448xi32, #tpu.memory_space<hbm>> -> memref<40448xi32, #tpu.memory_space<hbm>>
      %dma_wait3A_59 = arith.constant 0 : i32
      %dma_wait3A_60 = tpu.memref_slice %arg4[%arg0, %arg1, %dma_wait3A_59] : memref<2x16x40448xi32, #tpu.memory_space<hbm>> -> memref<1x1x40448xi32, #tpu.memory_space<hbm>>
      %dma_wait3A_61 = tpu.memref_squeeze %dma_wait3A_60 : memref<1x1x40448xi32, #tpu.memory_space<hbm>> -> memref<40448xi32, #tpu.memory_space<hbm>>
      tpu.wait_dma2 semaphore(%run_scoped3A : memref<!tpu.dma_semaphore, #tpu.memory_space<semaphore_mem>>) src(%arg8 : memref<40448xi32, #tpu.memory_space<vmem>>) dst(%dma_wait3A_61 : memref<40448xi32, #tpu.memory_space<hbm>>)
      tpu.yield
    }) : () -> ()
    return
  }
}

#map = affine_map<(d0, d1) -> (0, 0)>
#map1 = affine_map<(d0, d1) -> (0, 0, 0, 0, 0)>
#map2 = affine_map<(d0, d1) -> (0, 0, 0)>
module attributes {stable_mosaic.version = 14 : i64} {
  func.func @_agg_body(%arg0: i32, %arg1: i32, %arg2: memref<10000x128xf32, #tpu.memory_space<hbm>>, %arg3: memref<2x16x158x2x128xi32, #tpu.memory_space<hbm>>, %arg4: memref<2x16x128xi32, #tpu.memory_space<hbm>>, %arg5: memref<80x128xf32, #tpu.memory_space<hbm>>, %arg6: memref<2x6400x128xf32, #tpu.memory_space<hbm>>, %arg7: memref<2x128xi32, #tpu.memory_space<vmem>>, %arg8: memref<128x128xf32, #tpu.memory_space<vmem>>, %arg9: memref<80x128xf32, #tpu.memory_space<vmem>>, %arg10: memref<128xi32, #tpu.memory_space<vmem>>, %arg11: memref<6400x128xf32, #tpu.memory_space<vmem_shared>>, %arg12: memref<!tpu.dma_semaphore, #tpu.memory_space<semaphore_mem>>) attributes {dimension_semantics = [#tpu.dimension_semantics<core_parallel>, #tpu.dimension_semantics<subcore_parallel>], iteration_bounds = array<i64: 2, 16>, scalar_prefetch = 0 : i64, scratch_operands = 6 : i64, tpu.core_type = #tpu.core_type<sc_vector_subcore>, window_params = [{transform_indices = #map}, {transform_indices = #map1}, {transform_indices = #map2}, {transform_indices = #map}, {transform_indices = #map2}]} {
    "tpu.region"() ({
      %run_scoped3A = tpu.sem_alloc : memref<!tpu.dma_semaphore, #tpu.memory_space<semaphore_mem>>
      tpu.enqueue_dma source(%arg5 : memref<80x128xf32, #tpu.memory_space<hbm>>) target(%arg9 : memref<80x128xf32, #tpu.memory_space<vmem>>) target_semaphore(%run_scoped3A : memref<!tpu.dma_semaphore, #tpu.memory_space<semaphore_mem>>)
      tpu.wait_dma2 semaphore(%run_scoped3A : memref<!tpu.dma_semaphore, #tpu.memory_space<semaphore_mem>>) src(%arg5 : memref<80x128xf32, #tpu.memory_space<hbm>>) dst(%arg9 : memref<80x128xf32, #tpu.memory_space<vmem>>)
      tpu.yield
    }) : () -> ()
    %mul3A = arith.constant 400 : i32
    %mul3A_0 = arith.muli %arg1, %mul3A : i32
    %add3A = arith.constant 0 : i32
    %add3A_1 = arith.addi %mul3A_0, %add3A : i32
    "tpu.region"() ({
      %run_scoped3A = tpu.sem_alloc : memref<!tpu.dma_semaphore, #tpu.memory_space<semaphore_mem>>
      %dma_start3A = arith.constant 0 : i32
      %dma_start3A_39 = tpu.memref_slice %arg11[%add3A_1, %dma_start3A] : memref<6400x128xf32, #tpu.memory_space<vmem_shared>> -> memref<80x128xf32, #tpu.memory_space<vmem_shared>>
      %dma_start3A_40 = arith.constant 0 : i32
      %dma_start3A_41 = tpu.memref_slice %arg11[%add3A_1, %dma_start3A_40] : memref<6400x128xf32, #tpu.memory_space<vmem_shared>> -> memref<80x128xf32, #tpu.memory_space<vmem_shared>>
      tpu.enqueue_dma source(%arg9 : memref<80x128xf32, #tpu.memory_space<vmem>>) target(%dma_start3A_41 : memref<80x128xf32, #tpu.memory_space<vmem_shared>>) target_semaphore(%run_scoped3A : memref<!tpu.dma_semaphore, #tpu.memory_space<semaphore_mem>>)
      %dma_wait3A = arith.constant 0 : i32
      %dma_wait3A_42 = tpu.memref_slice %arg11[%add3A_1, %dma_wait3A] : memref<6400x128xf32, #tpu.memory_space<vmem_shared>> -> memref<80x128xf32, #tpu.memory_space<vmem_shared>>
      %dma_wait3A_43 = arith.constant 0 : i32
      %dma_wait3A_44 = tpu.memref_slice %arg11[%add3A_1, %dma_wait3A_43] : memref<6400x128xf32, #tpu.memory_space<vmem_shared>> -> memref<80x128xf32, #tpu.memory_space<vmem_shared>>
      tpu.wait_dma2 semaphore(%run_scoped3A : memref<!tpu.dma_semaphore, #tpu.memory_space<semaphore_mem>>) src(%arg9 : memref<80x128xf32, #tpu.memory_space<vmem>>) dst(%dma_wait3A_44 : memref<80x128xf32, #tpu.memory_space<vmem_shared>>)
      tpu.yield
    }) : () -> ()
    %mul3A_2 = arith.constant 400 : i32
    %mul3A_3 = arith.muli %arg1, %mul3A_2 : i32
    %add3A_4 = arith.constant 80 : i32
    %add3A_5 = arith.addi %mul3A_3, %add3A_4 : i32
    "tpu.region"() ({
      %run_scoped3A = tpu.sem_alloc : memref<!tpu.dma_semaphore, #tpu.memory_space<semaphore_mem>>
      %dma_start3A = arith.constant 0 : i32
      %dma_start3A_39 = tpu.memref_slice %arg11[%add3A_5, %dma_start3A] : memref<6400x128xf32, #tpu.memory_space<vmem_shared>> -> memref<80x128xf32, #tpu.memory_space<vmem_shared>>
      %dma_start3A_40 = arith.constant 0 : i32
      %dma_start3A_41 = tpu.memref_slice %arg11[%add3A_5, %dma_start3A_40] : memref<6400x128xf32, #tpu.memory_space<vmem_shared>> -> memref<80x128xf32, #tpu.memory_space<vmem_shared>>
      tpu.enqueue_dma source(%arg9 : memref<80x128xf32, #tpu.memory_space<vmem>>) target(%dma_start3A_41 : memref<80x128xf32, #tpu.memory_space<vmem_shared>>) target_semaphore(%run_scoped3A : memref<!tpu.dma_semaphore, #tpu.memory_space<semaphore_mem>>)
      %dma_wait3A = arith.constant 0 : i32
      %dma_wait3A_42 = tpu.memref_slice %arg11[%add3A_5, %dma_wait3A] : memref<6400x128xf32, #tpu.memory_space<vmem_shared>> -> memref<80x128xf32, #tpu.memory_space<vmem_shared>>
      %dma_wait3A_43 = arith.constant 0 : i32
      %dma_wait3A_44 = tpu.memref_slice %arg11[%add3A_5, %dma_wait3A_43] : memref<6400x128xf32, #tpu.memory_space<vmem_shared>> -> memref<80x128xf32, #tpu.memory_space<vmem_shared>>
      tpu.wait_dma2 semaphore(%run_scoped3A : memref<!tpu.dma_semaphore, #tpu.memory_space<semaphore_mem>>) src(%arg9 : memref<80x128xf32, #tpu.memory_space<vmem>>) dst(%dma_wait3A_44 : memref<80x128xf32, #tpu.memory_space<vmem_shared>>)
      tpu.yield
    }) : () -> ()
    %mul3A_6 = arith.constant 400 : i32
    %mul3A_7 = arith.muli %arg1, %mul3A_6 : i32
    %add3A_8 = arith.constant 160 : i32
    %add3A_9 = arith.addi %mul3A_7, %add3A_8 : i32
    "tpu.region"() ({
      %run_scoped3A = tpu.sem_alloc : memref<!tpu.dma_semaphore, #tpu.memory_space<semaphore_mem>>
      %dma_start3A = arith.constant 0 : i32
      %dma_start3A_39 = tpu.memref_slice %arg11[%add3A_9, %dma_start3A] : memref<6400x128xf32, #tpu.memory_space<vmem_shared>> -> memref<80x128xf32, #tpu.memory_space<vmem_shared>>
      %dma_start3A_40 = arith.constant 0 : i32
      %dma_start3A_41 = tpu.memref_slice %arg11[%add3A_9, %dma_start3A_40] : memref<6400x128xf32, #tpu.memory_space<vmem_shared>> -> memref<80x128xf32, #tpu.memory_space<vmem_shared>>
      tpu.enqueue_dma source(%arg9 : memref<80x128xf32, #tpu.memory_space<vmem>>) target(%dma_start3A_41 : memref<80x128xf32, #tpu.memory_space<vmem_shared>>) target_semaphore(%run_scoped3A : memref<!tpu.dma_semaphore, #tpu.memory_space<semaphore_mem>>)
      %dma_wait3A = arith.constant 0 : i32
      %dma_wait3A_42 = tpu.memref_slice %arg11[%add3A_9, %dma_wait3A] : memref<6400x128xf32, #tpu.memory_space<vmem_shared>> -> memref<80x128xf32, #tpu.memory_space<vmem_shared>>
      %dma_wait3A_43 = arith.constant 0 : i32
      %dma_wait3A_44 = tpu.memref_slice %arg11[%add3A_9, %dma_wait3A_43] : memref<6400x128xf32, #tpu.memory_space<vmem_shared>> -> memref<80x128xf32, #tpu.memory_space<vmem_shared>>
      tpu.wait_dma2 semaphore(%run_scoped3A : memref<!tpu.dma_semaphore, #tpu.memory_space<semaphore_mem>>) src(%arg9 : memref<80x128xf32, #tpu.memory_space<vmem>>) dst(%dma_wait3A_44 : memref<80x128xf32, #tpu.memory_space<vmem_shared>>)
      tpu.yield
    }) : () -> ()
    %mul3A_10 = arith.constant 400 : i32
    %mul3A_11 = arith.muli %arg1, %mul3A_10 : i32
    %add3A_12 = arith.constant 240 : i32
    %add3A_13 = arith.addi %mul3A_11, %add3A_12 : i32
    "tpu.region"() ({
      %run_scoped3A = tpu.sem_alloc : memref<!tpu.dma_semaphore, #tpu.memory_space<semaphore_mem>>
      %dma_start3A = arith.constant 0 : i32
      %dma_start3A_39 = tpu.memref_slice %arg11[%add3A_13, %dma_start3A] : memref<6400x128xf32, #tpu.memory_space<vmem_shared>> -> memref<80x128xf32, #tpu.memory_space<vmem_shared>>
      %dma_start3A_40 = arith.constant 0 : i32
      %dma_start3A_41 = tpu.memref_slice %arg11[%add3A_13, %dma_start3A_40] : memref<6400x128xf32, #tpu.memory_space<vmem_shared>> -> memref<80x128xf32, #tpu.memory_space<vmem_shared>>
      tpu.enqueue_dma source(%arg9 : memref<80x128xf32, #tpu.memory_space<vmem>>) target(%dma_start3A_41 : memref<80x128xf32, #tpu.memory_space<vmem_shared>>) target_semaphore(%run_scoped3A : memref<!tpu.dma_semaphore, #tpu.memory_space<semaphore_mem>>)
      %dma_wait3A = arith.constant 0 : i32
      %dma_wait3A_42 = tpu.memref_slice %arg11[%add3A_13, %dma_wait3A] : memref<6400x128xf32, #tpu.memory_space<vmem_shared>> -> memref<80x128xf32, #tpu.memory_space<vmem_shared>>
      %dma_wait3A_43 = arith.constant 0 : i32
      %dma_wait3A_44 = tpu.memref_slice %arg11[%add3A_13, %dma_wait3A_43] : memref<6400x128xf32, #tpu.memory_space<vmem_shared>> -> memref<80x128xf32, #tpu.memory_space<vmem_shared>>
      tpu.wait_dma2 semaphore(%run_scoped3A : memref<!tpu.dma_semaphore, #tpu.memory_space<semaphore_mem>>) src(%arg9 : memref<80x128xf32, #tpu.memory_space<vmem>>) dst(%dma_wait3A_44 : memref<80x128xf32, #tpu.memory_space<vmem_shared>>)
      tpu.yield
    }) : () -> ()
    %mul3A_14 = arith.constant 400 : i32
    %mul3A_15 = arith.muli %arg1, %mul3A_14 : i32
    %add3A_16 = arith.constant 320 : i32
    %add3A_17 = arith.addi %mul3A_15, %add3A_16 : i32
    "tpu.region"() ({
      %run_scoped3A = tpu.sem_alloc : memref<!tpu.dma_semaphore, #tpu.memory_space<semaphore_mem>>
      %dma_start3A = arith.constant 0 : i32
      %dma_start3A_39 = tpu.memref_slice %arg11[%add3A_17, %dma_start3A] : memref<6400x128xf32, #tpu.memory_space<vmem_shared>> -> memref<80x128xf32, #tpu.memory_space<vmem_shared>>
      %dma_start3A_40 = arith.constant 0 : i32
      %dma_start3A_41 = tpu.memref_slice %arg11[%add3A_17, %dma_start3A_40] : memref<6400x128xf32, #tpu.memory_space<vmem_shared>> -> memref<80x128xf32, #tpu.memory_space<vmem_shared>>
      tpu.enqueue_dma source(%arg9 : memref<80x128xf32, #tpu.memory_space<vmem>>) target(%dma_start3A_41 : memref<80x128xf32, #tpu.memory_space<vmem_shared>>) target_semaphore(%run_scoped3A : memref<!tpu.dma_semaphore, #tpu.memory_space<semaphore_mem>>)
      %dma_wait3A = arith.constant 0 : i32
      %dma_wait3A_42 = tpu.memref_slice %arg11[%add3A_17, %dma_wait3A] : memref<6400x128xf32, #tpu.memory_space<vmem_shared>> -> memref<80x128xf32, #tpu.memory_space<vmem_shared>>
      %dma_wait3A_43 = arith.constant 0 : i32
      %dma_wait3A_44 = tpu.memref_slice %arg11[%add3A_17, %dma_wait3A_43] : memref<6400x128xf32, #tpu.memory_space<vmem_shared>> -> memref<80x128xf32, #tpu.memory_space<vmem_shared>>
      tpu.wait_dma2 semaphore(%run_scoped3A : memref<!tpu.dma_semaphore, #tpu.memory_space<semaphore_mem>>) src(%arg9 : memref<80x128xf32, #tpu.memory_space<vmem>>) dst(%dma_wait3A_44 : memref<80x128xf32, #tpu.memory_space<vmem_shared>>)
      tpu.yield
    }) : () -> ()
    "tpu.region"() ({
      %run_scoped3A = tpu.sem_alloc : memref<!tpu.dma_semaphore, #tpu.memory_space<semaphore_mem>>
      %dma_start3A = arith.constant 0 : i32
      %dma_start3A_39 = tpu.memref_slice %arg4[%arg0, %arg1, %dma_start3A] : memref<2x16x128xi32, #tpu.memory_space<hbm>> -> memref<1x1x128xi32, #tpu.memory_space<hbm>>
      %dma_start3A_40 = tpu.memref_squeeze %dma_start3A_39 : memref<1x1x128xi32, #tpu.memory_space<hbm>> -> memref<128xi32, #tpu.memory_space<hbm>>
      %dma_start3A_41 = arith.constant 0 : i32
      %dma_start3A_42 = tpu.memref_slice %arg4[%arg0, %arg1, %dma_start3A_41] : memref<2x16x128xi32, #tpu.memory_space<hbm>> -> memref<1x1x128xi32, #tpu.memory_space<hbm>>
      %dma_start3A_43 = tpu.memref_squeeze %dma_start3A_42 : memref<1x1x128xi32, #tpu.memory_space<hbm>> -> memref<128xi32, #tpu.memory_space<hbm>>
      tpu.enqueue_dma source(%dma_start3A_43 : memref<128xi32, #tpu.memory_space<hbm>>) target(%arg10 : memref<128xi32, #tpu.memory_space<vmem>>) target_semaphore(%run_scoped3A : memref<!tpu.dma_semaphore, #tpu.memory_space<semaphore_mem>>)
      %dma_wait3A = arith.constant 0 : i32
      %dma_wait3A_44 = tpu.memref_slice %arg4[%arg0, %arg1, %dma_wait3A] : memref<2x16x128xi32, #tpu.memory_space<hbm>> -> memref<1x1x128xi32, #tpu.memory_space<hbm>>
      %dma_wait3A_45 = tpu.memref_squeeze %dma_wait3A_44 : memref<1x1x128xi32, #tpu.memory_space<hbm>> -> memref<128xi32, #tpu.memory_space<hbm>>
      %dma_wait3A_46 = arith.constant 0 : i32
      %dma_wait3A_47 = tpu.memref_slice %arg4[%arg0, %arg1, %dma_wait3A_46] : memref<2x16x128xi32, #tpu.memory_space<hbm>> -> memref<1x1x128xi32, #tpu.memory_space<hbm>>
      %dma_wait3A_48 = tpu.memref_squeeze %dma_wait3A_47 : memref<1x1x128xi32, #tpu.memory_space<hbm>> -> memref<128xi32, #tpu.memory_space<hbm>>
      tpu.wait_dma2 semaphore(%run_scoped3A : memref<!tpu.dma_semaphore, #tpu.memory_space<semaphore_mem>>) src(%dma_wait3A_48 : memref<128xi32, #tpu.memory_space<hbm>>) dst(%arg10 : memref<128xi32, #tpu.memory_space<vmem>>)
      tpu.yield
    }) : () -> ()
    %get3A = arith.constant 0 : index
    %get3A_18 = tpu.vector_load %arg10[%get3A] {strides = array<i32>} : memref<128xi32, #tpu.memory_space<vmem>>, vector<16xi32>,
    %reduce_max3A = arith.constant true
    %reduce_max3A_19 = vector.broadcast %reduce_max3A : i1 to vector<16xi1>
    %reduce_max3A_20 = arith.constant -2147483648 : i32
    %reduce_max3A_21 = vector.broadcast %reduce_max3A_20 : i32 to vector<16xi32>
    %reduce_max3A_22 = arith.xori %get3A_18, %reduce_max3A_21 : vector<16xi32>
    %reduce_max3A_23 = tpu.scan <max>, %reduce_max3A_22 masked %reduce_max3A_19 : vector<16xi32>, vector<16xi1> -> vector<16xi32>
    %reduce_max3A_24 = arith.xori %reduce_max3A_23, %reduce_max3A_21 : vector<16xi32>
    %reduce_max3A_25 = vector.extract %reduce_max3A_24[15] : i32 from vector<16xi32>
    %barrier3A = arith.constant 0 : index
    tpu.barrier barrier_id(%barrier3A)
    %while3A = arith.constant 0 : i32
    %while3A_26 = arith.subi %reduce_max3A_25, %while3A : i32
    %while3A_27 = arith.addi %while3A, %while3A_26 : i32
    %while3A_28 = arith.constant 1 : i32
    %while3A_29 = arith.divsi %while3A_26, %while3A_28 : i32
    %while3A_30 = arith.muli %while3A_29, %while3A_28 : i32
    %while3A_31 = arith.addi %while3A, %while3A_30 : i32
    %while3A_32 = arith.constant 1 : i32
    scf.for %while3A_39 = %while3A to %while3A_31 step %while3A_32  : i32 {
      "tpu.region"() ({
        %run_scoped3A_52 = tpu.sem_alloc : memref<!tpu.dma_semaphore, #tpu.memory_space<semaphore_mem>>
        %dma_start3A_53 = arith.constant 0 : i32
        %dma_start3A_54 = arith.constant 0 : i32
        %dma_start3A_55 = tpu.memref_slice %arg3[%arg0, %arg1, %while3A_39, %dma_start3A_53, %dma_start3A_54] : memref<2x16x158x2x128xi32, #tpu.memory_space<hbm>> -> memref<1x1x1x2x128xi32, #tpu.memory_space<hbm>>
        %dma_start3A_56 = tpu.memref_squeeze %dma_start3A_55 : memref<1x1x1x2x128xi32, #tpu.memory_space<hbm>> -> memref<2x128xi32, #tpu.memory_space<hbm>>
        %dma_start3A_57 = arith.constant 0 : i32
        %dma_start3A_58 = arith.constant 0 : i32
        %dma_start3A_59 = tpu.memref_slice %arg3[%arg0, %arg1, %while3A_39, %dma_start3A_57, %dma_start3A_58] : memref<2x16x158x2x128xi32, #tpu.memory_space<hbm>> -> memref<1x1x1x2x128xi32, #tpu.memory_space<hbm>>
        %dma_start3A_60 = tpu.memref_squeeze %dma_start3A_59 : memref<1x1x1x2x128xi32, #tpu.memory_space<hbm>> -> memref<2x128xi32, #tpu.memory_space<hbm>>
        tpu.enqueue_dma source(%dma_start3A_60 : memref<2x128xi32, #tpu.memory_space<hbm>>) target(%arg7 : memref<2x128xi32, #tpu.memory_space<vmem>>) target_semaphore(%run_scoped3A_52 : memref<!tpu.dma_semaphore, #tpu.memory_space<semaphore_mem>>)
        %dma_wait3A_61 = arith.constant 0 : i32
        %dma_wait3A_62 = arith.constant 0 : i32
        %dma_wait3A_63 = tpu.memref_slice %arg3[%arg0, %arg1, %while3A_39, %dma_wait3A_61, %dma_wait3A_62] : memref<2x16x158x2x128xi32, #tpu.memory_space<hbm>> -> memref<1x1x1x2x128xi32, #tpu.memory_space<hbm>>
        %dma_wait3A_64 = tpu.memref_squeeze %dma_wait3A_63 : memref<1x1x1x2x128xi32, #tpu.memory_space<hbm>> -> memref<2x128xi32, #tpu.memory_space<hbm>>
        %dma_wait3A_65 = arith.constant 0 : i32
        %dma_wait3A_66 = arith.constant 0 : i32
        %dma_wait3A_67 = tpu.memref_slice %arg3[%arg0, %arg1, %while3A_39, %dma_wait3A_65, %dma_wait3A_66] : memref<2x16x158x2x128xi32, #tpu.memory_space<hbm>> -> memref<1x1x1x2x128xi32, #tpu.memory_space<hbm>>
        %dma_wait3A_68 = tpu.memref_squeeze %dma_wait3A_67 : memref<1x1x1x2x128xi32, #tpu.memory_space<hbm>> -> memref<2x128xi32, #tpu.memory_space<hbm>>
        tpu.wait_dma2 semaphore(%run_scoped3A_52 : memref<!tpu.dma_semaphore, #tpu.memory_space<semaphore_mem>>) src(%dma_wait3A_68 : memref<2x128xi32, #tpu.memory_space<hbm>>) dst(%arg7 : memref<2x128xi32, #tpu.memory_space<vmem>>)
        tpu.yield
      }) : () -> ()
      %dma_start3A = arith.constant 0 : i32
      %dma_start3A_40 = arith.constant 0 : i32
      %dma_start3A_41 = tpu.memref_slice %arg7[%dma_start3A, %dma_start3A_40] : memref<2x128xi32, #tpu.memory_space<vmem>> -> memref<1x128xi32, #tpu.memory_space<vmem>>
      %dma_start3A_42 = tpu.memref_squeeze %dma_start3A_41 : memref<1x128xi32, #tpu.memory_space<vmem>> -> memref<128xi32, #tpu.memory_space<vmem>>
      %dma_start3A_43 = arith.constant 0 : i32
      %dma_start3A_44 = arith.constant 0 : i32
      %dma_start3A_45 = tpu.memref_slice %arg2[%dma_start3A_43, %dma_start3A_44] : memref<10000x128xf32, #tpu.memory_space<hbm>> -> memref<10000x128xf32, #tpu.memory_space<hbm>>
      tpu.enqueue_indirect_dma source(%dma_start3A_45 : memref<10000x128xf32, #tpu.memory_space<hbm>>) target(%arg8 : memref<128x128xf32, #tpu.memory_space<vmem>>) offsets(%dma_start3A_42 : memref<128xi32, #tpu.memory_space<vmem>>) semaphore(%arg12 : memref<!tpu.dma_semaphore, #tpu.memory_space<semaphore_mem>>)
      %dma_wait3A = arith.constant 0 : i32
      %dma_wait3A_46 = arith.constant 0 : i32
      %dma_wait3A_47 = tpu.memref_slice %arg7[%dma_wait3A, %dma_wait3A_46] : memref<2x128xi32, #tpu.memory_space<vmem>> -> memref<1x128xi32, #tpu.memory_space<vmem>>
      %dma_wait3A_48 = tpu.memref_squeeze %dma_wait3A_47 : memref<1x128xi32, #tpu.memory_space<vmem>> -> memref<128xi32, #tpu.memory_space<vmem>>
      %dma_wait3A_49 = arith.constant 0 : i32
      %dma_wait3A_50 = arith.constant 0 : i32
      %dma_wait3A_51 = tpu.memref_slice %arg2[%dma_wait3A_49, %dma_wait3A_50] : memref<10000x128xf32, #tpu.memory_space<hbm>> -> memref<10000x128xf32, #tpu.memory_space<hbm>>
      tpu.wait_indirect_dma semaphore(%arg12 : memref<!tpu.dma_semaphore, #tpu.memory_space<semaphore_mem>>) src(%dma_wait3A_51 : memref<10000x128xf32, #tpu.memory_space<hbm>>) dst(%arg8 : memref<128x128xf32, #tpu.memory_space<vmem>>)
      %run_scoped3A = arith.constant 1 : i32
      "tpu.region"() ({
        %run_scoped3A_52 = tpu.sem_alloc : memref<!tpu.dma_semaphore, #tpu.memory_space<semaphore_mem>>
        %dma_start3A_53 = arith.constant 0 : i32
        %dma_start3A_54 = tpu.memref_slice %arg7[%run_scoped3A, %dma_start3A_53] : memref<2x128xi32, #tpu.memory_space<vmem>> -> memref<1x128xi32, #tpu.memory_space<vmem>>
        %dma_start3A_55 = tpu.memref_squeeze %dma_start3A_54 : memref<1x128xi32, #tpu.memory_space<vmem>> -> memref<128xi32, #tpu.memory_space<vmem>>
        %dma_start3A_56 = arith.constant 0 : i32
        %dma_start3A_57 = arith.constant 0 : i32
        %dma_start3A_58 = tpu.memref_slice %arg11[%dma_start3A_56, %dma_start3A_57] : memref<6400x128xf32, #tpu.memory_space<vmem_shared>> -> memref<6400x128xf32, #tpu.memory_space<vmem_shared>>
        tpu.enqueue_indirect_dma source(%arg8 : memref<128x128xf32, #tpu.memory_space<vmem>>) target(%dma_start3A_58 : memref<6400x128xf32, #tpu.memory_space<vmem_shared>>) offsets(%dma_start3A_55 : memref<128xi32, #tpu.memory_space<vmem>>) semaphore(%run_scoped3A_52 : memref<!tpu.dma_semaphore, #tpu.memory_space<semaphore_mem>>) {add = true}
        %dma_wait3A_59 = arith.constant 0 : i32
        %dma_wait3A_60 = tpu.memref_slice %arg7[%run_scoped3A, %dma_wait3A_59] : memref<2x128xi32, #tpu.memory_space<vmem>> -> memref<1x128xi32, #tpu.memory_space<vmem>>
        %dma_wait3A_61 = tpu.memref_squeeze %dma_wait3A_60 : memref<1x128xi32, #tpu.memory_space<vmem>> -> memref<128xi32, #tpu.memory_space<vmem>>
        %dma_wait3A_62 = arith.constant 0 : i32
        %dma_wait3A_63 = arith.constant 0 : i32
        %dma_wait3A_64 = tpu.memref_slice %arg11[%dma_wait3A_62, %dma_wait3A_63] : memref<6400x128xf32, #tpu.memory_space<vmem_shared>> -> memref<6400x128xf32, #tpu.memory_space<vmem_shared>>
        tpu.wait_indirect_dma semaphore(%run_scoped3A_52 : memref<!tpu.dma_semaphore, #tpu.memory_space<semaphore_mem>>) src(%arg8 : memref<128x128xf32, #tpu.memory_space<vmem>>) dst(%dma_wait3A_64 : memref<6400x128xf32, #tpu.memory_space<vmem_shared>>)
        tpu.yield
      }) : () -> ()
    }
    %while3A_33 = arith.constant 1 : i32
    scf.for %while3A_39 = %while3A_31 to %while3A_27 step %while3A_33  : i32 {
      "tpu.region"() ({
        %run_scoped3A_52 = tpu.sem_alloc : memref<!tpu.dma_semaphore, #tpu.memory_space<semaphore_mem>>
        %dma_start3A_53 = arith.constant 0 : i32
        %dma_start3A_54 = arith.constant 0 : i32
        %dma_start3A_55 = tpu.memref_slice %arg3[%arg0, %arg1, %while3A_39, %dma_start3A_53, %dma_start3A_54] : memref<2x16x158x2x128xi32, #tpu.memory_space<hbm>> -> memref<1x1x1x2x128xi32, #tpu.memory_space<hbm>>
        %dma_start3A_56 = tpu.memref_squeeze %dma_start3A_55 : memref<1x1x1x2x128xi32, #tpu.memory_space<hbm>> -> memref<2x128xi32, #tpu.memory_space<hbm>>
        %dma_start3A_57 = arith.constant 0 : i32
        %dma_start3A_58 = arith.constant 0 : i32
        %dma_start3A_59 = tpu.memref_slice %arg3[%arg0, %arg1, %while3A_39, %dma_start3A_57, %dma_start3A_58] : memref<2x16x158x2x128xi32, #tpu.memory_space<hbm>> -> memref<1x1x1x2x128xi32, #tpu.memory_space<hbm>>
        %dma_start3A_60 = tpu.memref_squeeze %dma_start3A_59 : memref<1x1x1x2x128xi32, #tpu.memory_space<hbm>> -> memref<2x128xi32, #tpu.memory_space<hbm>>
        tpu.enqueue_dma source(%dma_start3A_60 : memref<2x128xi32, #tpu.memory_space<hbm>>) target(%arg7 : memref<2x128xi32, #tpu.memory_space<vmem>>) target_semaphore(%run_scoped3A_52 : memref<!tpu.dma_semaphore, #tpu.memory_space<semaphore_mem>>)
        %dma_wait3A_61 = arith.constant 0 : i32
        %dma_wait3A_62 = arith.constant 0 : i32
        %dma_wait3A_63 = tpu.memref_slice %arg3[%arg0, %arg1, %while3A_39, %dma_wait3A_61, %dma_wait3A_62] : memref<2x16x158x2x128xi32, #tpu.memory_space<hbm>> -> memref<1x1x1x2x128xi32, #tpu.memory_space<hbm>>
        %dma_wait3A_64 = tpu.memref_squeeze %dma_wait3A_63 : memref<1x1x1x2x128xi32, #tpu.memory_space<hbm>> -> memref<2x128xi32, #tpu.memory_space<hbm>>
        %dma_wait3A_65 = arith.constant 0 : i32
        %dma_wait3A_66 = arith.constant 0 : i32
        %dma_wait3A_67 = tpu.memref_slice %arg3[%arg0, %arg1, %while3A_39, %dma_wait3A_65, %dma_wait3A_66] : memref<2x16x158x2x128xi32, #tpu.memory_space<hbm>> -> memref<1x1x1x2x128xi32, #tpu.memory_space<hbm>>
        %dma_wait3A_68 = tpu.memref_squeeze %dma_wait3A_67 : memref<1x1x1x2x128xi32, #tpu.memory_space<hbm>> -> memref<2x128xi32, #tpu.memory_space<hbm>>
        tpu.wait_dma2 semaphore(%run_scoped3A_52 : memref<!tpu.dma_semaphore, #tpu.memory_space<semaphore_mem>>) src(%dma_wait3A_68 : memref<2x128xi32, #tpu.memory_space<hbm>>) dst(%arg7 : memref<2x128xi32, #tpu.memory_space<vmem>>)
        tpu.yield
      }) : () -> ()
      %dma_start3A = arith.constant 0 : i32
      %dma_start3A_40 = arith.constant 0 : i32
      %dma_start3A_41 = tpu.memref_slice %arg7[%dma_start3A, %dma_start3A_40] : memref<2x128xi32, #tpu.memory_space<vmem>> -> memref<1x128xi32, #tpu.memory_space<vmem>>
      %dma_start3A_42 = tpu.memref_squeeze %dma_start3A_41 : memref<1x128xi32, #tpu.memory_space<vmem>> -> memref<128xi32, #tpu.memory_space<vmem>>
      %dma_start3A_43 = arith.constant 0 : i32
      %dma_start3A_44 = arith.constant 0 : i32
      %dma_start3A_45 = tpu.memref_slice %arg2[%dma_start3A_43, %dma_start3A_44] : memref<10000x128xf32, #tpu.memory_space<hbm>> -> memref<10000x128xf32, #tpu.memory_space<hbm>>
      tpu.enqueue_indirect_dma source(%dma_start3A_45 : memref<10000x128xf32, #tpu.memory_space<hbm>>) target(%arg8 : memref<128x128xf32, #tpu.memory_space<vmem>>) offsets(%dma_start3A_42 : memref<128xi32, #tpu.memory_space<vmem>>) semaphore(%arg12 : memref<!tpu.dma_semaphore, #tpu.memory_space<semaphore_mem>>)
      %dma_wait3A = arith.constant 0 : i32
      %dma_wait3A_46 = arith.constant 0 : i32
      %dma_wait3A_47 = tpu.memref_slice %arg7[%dma_wait3A, %dma_wait3A_46] : memref<2x128xi32, #tpu.memory_space<vmem>> -> memref<1x128xi32, #tpu.memory_space<vmem>>
      %dma_wait3A_48 = tpu.memref_squeeze %dma_wait3A_47 : memref<1x128xi32, #tpu.memory_space<vmem>> -> memref<128xi32, #tpu.memory_space<vmem>>
      %dma_wait3A_49 = arith.constant 0 : i32
      %dma_wait3A_50 = arith.constant 0 : i32
      %dma_wait3A_51 = tpu.memref_slice %arg2[%dma_wait3A_49, %dma_wait3A_50] : memref<10000x128xf32, #tpu.memory_space<hbm>> -> memref<10000x128xf32, #tpu.memory_space<hbm>>
      tpu.wait_indirect_dma semaphore(%arg12 : memref<!tpu.dma_semaphore, #tpu.memory_space<semaphore_mem>>) src(%dma_wait3A_51 : memref<10000x128xf32, #tpu.memory_space<hbm>>) dst(%arg8 : memref<128x128xf32, #tpu.memory_space<vmem>>)
      %run_scoped3A = arith.constant 1 : i32
      "tpu.region"() ({
        %run_scoped3A_52 = tpu.sem_alloc : memref<!tpu.dma_semaphore, #tpu.memory_space<semaphore_mem>>
        %dma_start3A_53 = arith.constant 0 : i32
        %dma_start3A_54 = tpu.memref_slice %arg7[%run_scoped3A, %dma_start3A_53] : memref<2x128xi32, #tpu.memory_space<vmem>> -> memref<1x128xi32, #tpu.memory_space<vmem>>
        %dma_start3A_55 = tpu.memref_squeeze %dma_start3A_54 : memref<1x128xi32, #tpu.memory_space<vmem>> -> memref<128xi32, #tpu.memory_space<vmem>>
        %dma_start3A_56 = arith.constant 0 : i32
        %dma_start3A_57 = arith.constant 0 : i32
        %dma_start3A_58 = tpu.memref_slice %arg11[%dma_start3A_56, %dma_start3A_57] : memref<6400x128xf32, #tpu.memory_space<vmem_shared>> -> memref<6400x128xf32, #tpu.memory_space<vmem_shared>>
        tpu.enqueue_indirect_dma source(%arg8 : memref<128x128xf32, #tpu.memory_space<vmem>>) target(%dma_start3A_58 : memref<6400x128xf32, #tpu.memory_space<vmem_shared>>) offsets(%dma_start3A_55 : memref<128xi32, #tpu.memory_space<vmem>>) semaphore(%run_scoped3A_52 : memref<!tpu.dma_semaphore, #tpu.memory_space<semaphore_mem>>) {add = true}
        %dma_wait3A_59 = arith.constant 0 : i32
        %dma_wait3A_60 = tpu.memref_slice %arg7[%run_scoped3A, %dma_wait3A_59] : memref<2x128xi32, #tpu.memory_space<vmem>> -> memref<1x128xi32, #tpu.memory_space<vmem>>
        %dma_wait3A_61 = tpu.memref_squeeze %dma_wait3A_60 : memref<1x128xi32, #tpu.memory_space<vmem>> -> memref<128xi32, #tpu.memory_space<vmem>>
        %dma_wait3A_62 = arith.constant 0 : i32
        %dma_wait3A_63 = arith.constant 0 : i32
        %dma_wait3A_64 = tpu.memref_slice %arg11[%dma_wait3A_62, %dma_wait3A_63] : memref<6400x128xf32, #tpu.memory_space<vmem_shared>> -> memref<6400x128xf32, #tpu.memory_space<vmem_shared>>
        tpu.wait_indirect_dma semaphore(%run_scoped3A_52 : memref<!tpu.dma_semaphore, #tpu.memory_space<semaphore_mem>>) src(%arg8 : memref<128x128xf32, #tpu.memory_space<vmem>>) dst(%dma_wait3A_64 : memref<6400x128xf32, #tpu.memory_space<vmem_shared>>)
        tpu.yield
      }) : () -> ()
    }
    %barrier3A_34 = arith.constant 0 : index
    tpu.barrier barrier_id(%barrier3A_34)
    %mul3A_35 = arith.constant 400 : i32
    %mul3A_36 = arith.muli %arg1, %mul3A_35 : i32
    %mul3A_37 = arith.constant 400 : i32
    %mul3A_38 = arith.muli %arg1, %mul3A_37 : i32
    "tpu.region"() ({
      %run_scoped3A = tpu.sem_alloc : memref<!tpu.dma_semaphore, #tpu.memory_space<semaphore_mem>>
      %dma_start3A = arith.constant 0 : i32
      %dma_start3A_39 = tpu.memref_slice %arg6[%arg0, %mul3A_38, %dma_start3A] : memref<2x6400x128xf32, #tpu.memory_space<hbm>> -> memref<1x400x128xf32, #tpu.memory_space<hbm>>
      %dma_start3A_40 = tpu.memref_squeeze %dma_start3A_39 : memref<1x400x128xf32, #tpu.memory_space<hbm>> -> memref<400x128xf32, #tpu.memory_space<hbm>>
      %dma_start3A_41 = arith.constant 0 : i32
      %dma_start3A_42 = tpu.memref_slice %arg11[%mul3A_36, %dma_start3A_41] : memref<6400x128xf32, #tpu.memory_space<vmem_shared>> -> memref<400x128xf32, #tpu.memory_space<vmem_shared>>
      tpu.enqueue_dma source(%dma_start3A_42 : memref<400x128xf32, #tpu.memory_space<vmem_shared>>) target(%dma_start3A_40 : memref<400x128xf32, #tpu.memory_space<hbm>>) target_semaphore(%run_scoped3A : memref<!tpu.dma_semaphore, #tpu.memory_space<semaphore_mem>>)
      %dma_wait3A = arith.constant 0 : i32
      %dma_wait3A_43 = tpu.memref_slice %arg6[%arg0, %mul3A_38, %dma_wait3A] : memref<2x6400x128xf32, #tpu.memory_space<hbm>> -> memref<1x400x128xf32, #tpu.memory_space<hbm>>
      %dma_wait3A_44 = tpu.memref_squeeze %dma_wait3A_43 : memref<1x400x128xf32, #tpu.memory_space<hbm>> -> memref<400x128xf32, #tpu.memory_space<hbm>>
      %dma_wait3A_45 = arith.constant 0 : i32
      %dma_wait3A_46 = tpu.memref_slice %arg11[%mul3A_36, %dma_wait3A_45] : memref<6400x128xf32, #tpu.memory_space<vmem_shared>> -> memref<400x128xf32, #tpu.memory_space<vmem_shared>>
      tpu.wait_dma2 semaphore(%run_scoped3A : memref<!tpu.dma_semaphore, #tpu.memory_space<semaphore_mem>>) src(%dma_wait3A_46 : memref<400x128xf32, #tpu.memory_space<vmem_shared>>) dst(%dma_wait3A_44 : memref<400x128xf32, #tpu.memory_space<hbm>>)
      tpu.yield
    }) : () -> ()
    return
  }
}

#map = affine_map<(d0, d1) -> (0, 0, 0, 0, 0)>
#map1 = affine_map<(d0, d1) -> (0, 0, 0)>
#map2 = affine_map<(d0, d1) -> (0, 0)>
module attributes {stable_mosaic.version = 14 : i64} {
  func.func @_deg_body(%arg0: i32, %arg1: i32, %arg2: memref<2x16x158x2x128xi32, #tpu.memory_space<hbm>>, %arg3: memref<2x16x128xi32, #tpu.memory_space<hbm>>, %arg4: memref<80x128xf32, #tpu.memory_space<hbm>>, %arg5: memref<128x128xf32, #tpu.memory_space<hbm>>, %arg6: memref<2x6400x128xf32, #tpu.memory_space<hbm>>, %arg7: memref<2x2x128xi32, #tpu.memory_space<vmem>>, %arg8: memref<128x128xf32, #tpu.memory_space<vmem>>, %arg9: memref<80x128xf32, #tpu.memory_space<vmem>>, %arg10: memref<128xi32, #tpu.memory_space<vmem>>, %arg11: memref<6400x128xf32, #tpu.memory_space<vmem_shared>>) attributes {dimension_semantics = [#tpu.dimension_semantics<core_parallel>, #tpu.dimension_semantics<subcore_parallel>], iteration_bounds = array<i64: 2, 16>, scalar_prefetch = 0 : i64, scratch_operands = 5 : i64, tpu.core_type = #tpu.core_type<sc_vector_subcore>, window_params = [{transform_indices = #map}, {transform_indices = #map1}, {transform_indices = #map2}, {transform_indices = #map2}, {transform_indices = #map1}]} {
    "tpu.region"() ({
      %run_scoped3A = tpu.sem_alloc : memref<!tpu.dma_semaphore, #tpu.memory_space<semaphore_mem>>
      tpu.enqueue_dma source(%arg4 : memref<80x128xf32, #tpu.memory_space<hbm>>) target(%arg9 : memref<80x128xf32, #tpu.memory_space<vmem>>) target_semaphore(%run_scoped3A : memref<!tpu.dma_semaphore, #tpu.memory_space<semaphore_mem>>)
      tpu.wait_dma2 semaphore(%run_scoped3A : memref<!tpu.dma_semaphore, #tpu.memory_space<semaphore_mem>>) src(%arg4 : memref<80x128xf32, #tpu.memory_space<hbm>>) dst(%arg9 : memref<80x128xf32, #tpu.memory_space<vmem>>)
      tpu.yield
    }) : () -> ()
    %mul3A = arith.constant 400 : i32
    %mul3A_0 = arith.muli %arg1, %mul3A : i32
    %add3A = arith.constant 0 : i32
    %add3A_1 = arith.addi %mul3A_0, %add3A : i32
    "tpu.region"() ({
      %run_scoped3A = tpu.sem_alloc : memref<!tpu.dma_semaphore, #tpu.memory_space<semaphore_mem>>
      %dma_start3A = arith.constant 0 : i32
      %dma_start3A_57 = tpu.memref_slice %arg11[%add3A_1, %dma_start3A] : memref<6400x128xf32, #tpu.memory_space<vmem_shared>> -> memref<80x128xf32, #tpu.memory_space<vmem_shared>>
      %dma_start3A_58 = arith.constant 0 : i32
      %dma_start3A_59 = tpu.memref_slice %arg11[%add3A_1, %dma_start3A_58] : memref<6400x128xf32, #tpu.memory_space<vmem_shared>> -> memref<80x128xf32, #tpu.memory_space<vmem_shared>>
      tpu.enqueue_dma source(%arg9 : memref<80x128xf32, #tpu.memory_space<vmem>>) target(%dma_start3A_59 : memref<80x128xf32, #tpu.memory_space<vmem_shared>>) target_semaphore(%run_scoped3A : memref<!tpu.dma_semaphore, #tpu.memory_space<semaphore_mem>>)
      %dma_wait3A = arith.constant 0 : i32
      %dma_wait3A_60 = tpu.memref_slice %arg11[%add3A_1, %dma_wait3A] : memref<6400x128xf32, #tpu.memory_space<vmem_shared>> -> memref<80x128xf32, #tpu.memory_space<vmem_shared>>
      %dma_wait3A_61 = arith.constant 0 : i32
      %dma_wait3A_62 = tpu.memref_slice %arg11[%add3A_1, %dma_wait3A_61] : memref<6400x128xf32, #tpu.memory_space<vmem_shared>> -> memref<80x128xf32, #tpu.memory_space<vmem_shared>>
      tpu.wait_dma2 semaphore(%run_scoped3A : memref<!tpu.dma_semaphore, #tpu.memory_space<semaphore_mem>>) src(%arg9 : memref<80x128xf32, #tpu.memory_space<vmem>>) dst(%dma_wait3A_62 : memref<80x128xf32, #tpu.memory_space<vmem_shared>>)
      tpu.yield
    }) : () -> ()
    %mul3A_2 = arith.constant 400 : i32
    %mul3A_3 = arith.muli %arg1, %mul3A_2 : i32
    %add3A_4 = arith.constant 80 : i32
    %add3A_5 = arith.addi %mul3A_3, %add3A_4 : i32
    "tpu.region"() ({
      %run_scoped3A = tpu.sem_alloc : memref<!tpu.dma_semaphore, #tpu.memory_space<semaphore_mem>>
      %dma_start3A = arith.constant 0 : i32
      %dma_start3A_57 = tpu.memref_slice %arg11[%add3A_5, %dma_start3A] : memref<6400x128xf32, #tpu.memory_space<vmem_shared>> -> memref<80x128xf32, #tpu.memory_space<vmem_shared>>
      %dma_start3A_58 = arith.constant 0 : i32
      %dma_start3A_59 = tpu.memref_slice %arg11[%add3A_5, %dma_start3A_58] : memref<6400x128xf32, #tpu.memory_space<vmem_shared>> -> memref<80x128xf32, #tpu.memory_space<vmem_shared>>
      tpu.enqueue_dma source(%arg9 : memref<80x128xf32, #tpu.memory_space<vmem>>) target(%dma_start3A_59 : memref<80x128xf32, #tpu.memory_space<vmem_shared>>) target_semaphore(%run_scoped3A : memref<!tpu.dma_semaphore, #tpu.memory_space<semaphore_mem>>)
      %dma_wait3A = arith.constant 0 : i32
      %dma_wait3A_60 = tpu.memref_slice %arg11[%add3A_5, %dma_wait3A] : memref<6400x128xf32, #tpu.memory_space<vmem_shared>> -> memref<80x128xf32, #tpu.memory_space<vmem_shared>>
      %dma_wait3A_61 = arith.constant 0 : i32
      %dma_wait3A_62 = tpu.memref_slice %arg11[%add3A_5, %dma_wait3A_61] : memref<6400x128xf32, #tpu.memory_space<vmem_shared>> -> memref<80x128xf32, #tpu.memory_space<vmem_shared>>
      tpu.wait_dma2 semaphore(%run_scoped3A : memref<!tpu.dma_semaphore, #tpu.memory_space<semaphore_mem>>) src(%arg9 : memref<80x128xf32, #tpu.memory_space<vmem>>) dst(%dma_wait3A_62 : memref<80x128xf32, #tpu.memory_space<vmem_shared>>)
      tpu.yield
    }) : () -> ()
    %mul3A_6 = arith.constant 400 : i32
    %mul3A_7 = arith.muli %arg1, %mul3A_6 : i32
    %add3A_8 = arith.constant 160 : i32
    %add3A_9 = arith.addi %mul3A_7, %add3A_8 : i32
    "tpu.region"() ({
      %run_scoped3A = tpu.sem_alloc : memref<!tpu.dma_semaphore, #tpu.memory_space<semaphore_mem>>
      %dma_start3A = arith.constant 0 : i32
      %dma_start3A_57 = tpu.memref_slice %arg11[%add3A_9, %dma_start3A] : memref<6400x128xf32, #tpu.memory_space<vmem_shared>> -> memref<80x128xf32, #tpu.memory_space<vmem_shared>>
      %dma_start3A_58 = arith.constant 0 : i32
      %dma_start3A_59 = tpu.memref_slice %arg11[%add3A_9, %dma_start3A_58] : memref<6400x128xf32, #tpu.memory_space<vmem_shared>> -> memref<80x128xf32, #tpu.memory_space<vmem_shared>>
      tpu.enqueue_dma source(%arg9 : memref<80x128xf32, #tpu.memory_space<vmem>>) target(%dma_start3A_59 : memref<80x128xf32, #tpu.memory_space<vmem_shared>>) target_semaphore(%run_scoped3A : memref<!tpu.dma_semaphore, #tpu.memory_space<semaphore_mem>>)
      %dma_wait3A = arith.constant 0 : i32
      %dma_wait3A_60 = tpu.memref_slice %arg11[%add3A_9, %dma_wait3A] : memref<6400x128xf32, #tpu.memory_space<vmem_shared>> -> memref<80x128xf32, #tpu.memory_space<vmem_shared>>
      %dma_wait3A_61 = arith.constant 0 : i32
      %dma_wait3A_62 = tpu.memref_slice %arg11[%add3A_9, %dma_wait3A_61] : memref<6400x128xf32, #tpu.memory_space<vmem_shared>> -> memref<80x128xf32, #tpu.memory_space<vmem_shared>>
      tpu.wait_dma2 semaphore(%run_scoped3A : memref<!tpu.dma_semaphore, #tpu.memory_space<semaphore_mem>>) src(%arg9 : memref<80x128xf32, #tpu.memory_space<vmem>>) dst(%dma_wait3A_62 : memref<80x128xf32, #tpu.memory_space<vmem_shared>>)
      tpu.yield
    }) : () -> ()
    %mul3A_10 = arith.constant 400 : i32
    %mul3A_11 = arith.muli %arg1, %mul3A_10 : i32
    %add3A_12 = arith.constant 240 : i32
    %add3A_13 = arith.addi %mul3A_11, %add3A_12 : i32
    "tpu.region"() ({
      %run_scoped3A = tpu.sem_alloc : memref<!tpu.dma_semaphore, #tpu.memory_space<semaphore_mem>>
      %dma_start3A = arith.constant 0 : i32
      %dma_start3A_57 = tpu.memref_slice %arg11[%add3A_13, %dma_start3A] : memref<6400x128xf32, #tpu.memory_space<vmem_shared>> -> memref<80x128xf32, #tpu.memory_space<vmem_shared>>
      %dma_start3A_58 = arith.constant 0 : i32
      %dma_start3A_59 = tpu.memref_slice %arg11[%add3A_13, %dma_start3A_58] : memref<6400x128xf32, #tpu.memory_space<vmem_shared>> -> memref<80x128xf32, #tpu.memory_space<vmem_shared>>
      tpu.enqueue_dma source(%arg9 : memref<80x128xf32, #tpu.memory_space<vmem>>) target(%dma_start3A_59 : memref<80x128xf32, #tpu.memory_space<vmem_shared>>) target_semaphore(%run_scoped3A : memref<!tpu.dma_semaphore, #tpu.memory_space<semaphore_mem>>)
      %dma_wait3A = arith.constant 0 : i32
      %dma_wait3A_60 = tpu.memref_slice %arg11[%add3A_13, %dma_wait3A] : memref<6400x128xf32, #tpu.memory_space<vmem_shared>> -> memref<80x128xf32, #tpu.memory_space<vmem_shared>>
      %dma_wait3A_61 = arith.constant 0 : i32
      %dma_wait3A_62 = tpu.memref_slice %arg11[%add3A_13, %dma_wait3A_61] : memref<6400x128xf32, #tpu.memory_space<vmem_shared>> -> memref<80x128xf32, #tpu.memory_space<vmem_shared>>
      tpu.wait_dma2 semaphore(%run_scoped3A : memref<!tpu.dma_semaphore, #tpu.memory_space<semaphore_mem>>) src(%arg9 : memref<80x128xf32, #tpu.memory_space<vmem>>) dst(%dma_wait3A_62 : memref<80x128xf32, #tpu.memory_space<vmem_shared>>)
      tpu.yield
    }) : () -> ()
    %mul3A_14 = arith.constant 400 : i32
    %mul3A_15 = arith.muli %arg1, %mul3A_14 : i32
    %add3A_16 = arith.constant 320 : i32
    %add3A_17 = arith.addi %mul3A_15, %add3A_16 : i32
    "tpu.region"() ({
      %run_scoped3A = tpu.sem_alloc : memref<!tpu.dma_semaphore, #tpu.memory_space<semaphore_mem>>
      %dma_start3A = arith.constant 0 : i32
      %dma_start3A_57 = tpu.memref_slice %arg11[%add3A_17, %dma_start3A] : memref<6400x128xf32, #tpu.memory_space<vmem_shared>> -> memref<80x128xf32, #tpu.memory_space<vmem_shared>>
      %dma_start3A_58 = arith.constant 0 : i32
      %dma_start3A_59 = tpu.memref_slice %arg11[%add3A_17, %dma_start3A_58] : memref<6400x128xf32, #tpu.memory_space<vmem_shared>> -> memref<80x128xf32, #tpu.memory_space<vmem_shared>>
      tpu.enqueue_dma source(%arg9 : memref<80x128xf32, #tpu.memory_space<vmem>>) target(%dma_start3A_59 : memref<80x128xf32, #tpu.memory_space<vmem_shared>>) target_semaphore(%run_scoped3A : memref<!tpu.dma_semaphore, #tpu.memory_space<semaphore_mem>>)
      %dma_wait3A = arith.constant 0 : i32
      %dma_wait3A_60 = tpu.memref_slice %arg11[%add3A_17, %dma_wait3A] : memref<6400x128xf32, #tpu.memory_space<vmem_shared>> -> memref<80x128xf32, #tpu.memory_space<vmem_shared>>
      %dma_wait3A_61 = arith.constant 0 : i32
      %dma_wait3A_62 = tpu.memref_slice %arg11[%add3A_17, %dma_wait3A_61] : memref<6400x128xf32, #tpu.memory_space<vmem_shared>> -> memref<80x128xf32, #tpu.memory_space<vmem_shared>>
      tpu.wait_dma2 semaphore(%run_scoped3A : memref<!tpu.dma_semaphore, #tpu.memory_space<semaphore_mem>>) src(%arg9 : memref<80x128xf32, #tpu.memory_space<vmem>>) dst(%dma_wait3A_62 : memref<80x128xf32, #tpu.memory_space<vmem_shared>>)
      tpu.yield
    }) : () -> ()
    "tpu.region"() ({
      %run_scoped3A = tpu.sem_alloc : memref<!tpu.dma_semaphore, #tpu.memory_space<semaphore_mem>>
      tpu.enqueue_dma source(%arg5 : memref<128x128xf32, #tpu.memory_space<hbm>>) target(%arg8 : memref<128x128xf32, #tpu.memory_space<vmem>>) target_semaphore(%run_scoped3A : memref<!tpu.dma_semaphore, #tpu.memory_space<semaphore_mem>>)
      tpu.wait_dma2 semaphore(%run_scoped3A : memref<!tpu.dma_semaphore, #tpu.memory_space<semaphore_mem>>) src(%arg5 : memref<128x128xf32, #tpu.memory_space<hbm>>) dst(%arg8 : memref<128x128xf32, #tpu.memory_space<vmem>>)
      tpu.yield
    }) : () -> ()
    "tpu.region"() ({
      %run_scoped3A = tpu.sem_alloc : memref<!tpu.dma_semaphore, #tpu.memory_space<semaphore_mem>>
      %dma_start3A = arith.constant 0 : i32
      %dma_start3A_57 = tpu.memref_slice %arg3[%arg0, %arg1, %dma_start3A] : memref<2x16x128xi32, #tpu.memory_space<hbm>> -> memref<1x1x128xi32, #tpu.memory_space<hbm>>
      %dma_start3A_58 = tpu.memref_squeeze %dma_start3A_57 : memref<1x1x128xi32, #tpu.memory_space<hbm>> -> memref<128xi32, #tpu.memory_space<hbm>>
      %dma_start3A_59 = arith.constant 0 : i32
      %dma_start3A_60 = tpu.memref_slice %arg3[%arg0, %arg1, %dma_start3A_59] : memref<2x16x128xi32, #tpu.memory_space<hbm>> -> memref<1x1x128xi32, #tpu.memory_space<hbm>>
      %dma_start3A_61 = tpu.memref_squeeze %dma_start3A_60 : memref<1x1x128xi32, #tpu.memory_space<hbm>> -> memref<128xi32, #tpu.memory_space<hbm>>
      tpu.enqueue_dma source(%dma_start3A_61 : memref<128xi32, #tpu.memory_space<hbm>>) target(%arg10 : memref<128xi32, #tpu.memory_space<vmem>>) target_semaphore(%run_scoped3A : memref<!tpu.dma_semaphore, #tpu.memory_space<semaphore_mem>>)
      %dma_wait3A = arith.constant 0 : i32
      %dma_wait3A_62 = tpu.memref_slice %arg3[%arg0, %arg1, %dma_wait3A] : memref<2x16x128xi32, #tpu.memory_space<hbm>> -> memref<1x1x128xi32, #tpu.memory_space<hbm>>
      %dma_wait3A_63 = tpu.memref_squeeze %dma_wait3A_62 : memref<1x1x128xi32, #tpu.memory_space<hbm>> -> memref<128xi32, #tpu.memory_space<hbm>>
      %dma_wait3A_64 = arith.constant 0 : i32
      %dma_wait3A_65 = tpu.memref_slice %arg3[%arg0, %arg1, %dma_wait3A_64] : memref<2x16x128xi32, #tpu.memory_space<hbm>> -> memref<1x1x128xi32, #tpu.memory_space<hbm>>
      %dma_wait3A_66 = tpu.memref_squeeze %dma_wait3A_65 : memref<1x1x128xi32, #tpu.memory_space<hbm>> -> memref<128xi32, #tpu.memory_space<hbm>>
      tpu.wait_dma2 semaphore(%run_scoped3A : memref<!tpu.dma_semaphore, #tpu.memory_space<semaphore_mem>>) src(%dma_wait3A_66 : memref<128xi32, #tpu.memory_space<hbm>>) dst(%arg10 : memref<128xi32, #tpu.memory_space<vmem>>)
      tpu.yield
    }) : () -> ()
    %get3A = arith.constant 0 : index
    %get3A_18 = tpu.vector_load %arg10[%get3A] {strides = array<i32>} : memref<128xi32, #tpu.memory_space<vmem>>, vector<16xi32>,
    %reduce_max3A = arith.constant true
    %reduce_max3A_19 = vector.broadcast %reduce_max3A : i1 to vector<16xi1>
    %reduce_max3A_20 = arith.constant -2147483648 : i32
    %reduce_max3A_21 = vector.broadcast %reduce_max3A_20 : i32 to vector<16xi32>
    %reduce_max3A_22 = arith.xori %get3A_18, %reduce_max3A_21 : vector<16xi32>
    %reduce_max3A_23 = tpu.scan <max>, %reduce_max3A_22 masked %reduce_max3A_19 : vector<16xi32>, vector<16xi1> -> vector<16xi32>
    %reduce_max3A_24 = arith.xori %reduce_max3A_23, %reduce_max3A_21 : vector<16xi32>
    %reduce_max3A_25 = vector.extract %reduce_max3A_24[15] : i32 from vector<16xi32>
    %barrier3A = arith.constant 0 : index
    tpu.barrier barrier_id(%barrier3A)
    %add3A_26 = arith.constant 1 : i32
    %add3A_27 = arith.addi %reduce_max3A_25, %add3A_26 : i32
    %jit3A = arith.constant 2 : i32
    %div3A = arith.divsi %add3A_27, %jit3A : i32
    %sign3A = arith.constant 0 : i32
    %sign3A_28 = arith.cmpi sgt, %add3A_27, %sign3A : i32
    %sign3A_29 = arith.extui %sign3A_28 : i1 to i32
    %sign3A_30 = arith.constant 0 : i32
    %sign3A_31 = arith.cmpi slt, %add3A_27, %sign3A_30 : i32
    %sign3A_32 = arith.extui %sign3A_31 : i1 to i32
    %sign3A_33 = arith.subi %sign3A_29, %sign3A_32 : i32
    %sign3A_34 = arith.constant 0 : i32
    %sign3A_35 = arith.cmpi sgt, %jit3A, %sign3A_34 : i32
    %sign3A_36 = arith.extui %sign3A_35 : i1 to i32
    %sign3A_37 = arith.constant 0 : i32
    %sign3A_38 = arith.cmpi slt, %jit3A, %sign3A_37 : i32
    %sign3A_39 = arith.extui %sign3A_38 : i1 to i32
    %sign3A_40 = arith.subi %sign3A_36, %sign3A_39 : i32
    %ne3A = arith.cmpi ne, %sign3A_33, %sign3A_40 : i32
    %rem3A = arith.remsi %add3A_27, %jit3A : i32
    %ne3A_41 = arith.constant 0 : i32
    %ne3A_42 = arith.cmpi ne, %rem3A, %ne3A_41 : i32
    %and3A = arith.andi %ne3A, %ne3A_42 : i1
    %sub3A = arith.constant 1 : i32
    %sub3A_43 = arith.subi %div3A, %sub3A : i32
    %select_n3A = arith.select %and3A, %sub3A_43, %div3A : i32
    %while3A = arith.constant 0 : i32
    %while3A_44 = arith.subi %select_n3A, %while3A : i32
    %while3A_45 = arith.addi %while3A, %while3A_44 : i32
    %while3A_46 = arith.constant 1 : i32
    %while3A_47 = arith.divsi %while3A_44, %while3A_46 : i32
    %while3A_48 = arith.muli %while3A_47, %while3A_46 : i32
    %while3A_49 = arith.addi %while3A, %while3A_48 : i32
    %while3A_50 = arith.constant 1 : i32
    scf.for %while3A_57 = %while3A to %while3A_49 step %while3A_50  : i32 {
      %mul3A_58 = arith.constant 2 : i32
      %mul3A_59 = arith.muli %mul3A_58, %while3A_57 : i32
      "tpu.region"() ({
        %run_scoped3A_63 = tpu.sem_alloc : memref<!tpu.dma_semaphore, #tpu.memory_space<semaphore_mem>>
        %dma_start3A = arith.constant 0 : i32
        %dma_start3A_64 = arith.constant 0 : i32
        %dma_start3A_65 = tpu.memref_slice %arg2[%arg0, %arg1, %mul3A_59, %dma_start3A, %dma_start3A_64] : memref<2x16x158x2x128xi32, #tpu.memory_space<hbm>> -> memref<1x1x2x2x128xi32, #tpu.memory_space<hbm>>
        %dma_start3A_66 = tpu.memref_squeeze %dma_start3A_65 : memref<1x1x2x2x128xi32, #tpu.memory_space<hbm>> -> memref<2x2x128xi32, #tpu.memory_space<hbm>>
        %dma_start3A_67 = arith.constant 0 : i32
        %dma_start3A_68 = arith.constant 0 : i32
        %dma_start3A_69 = tpu.memref_slice %arg2[%arg0, %arg1, %mul3A_59, %dma_start3A_67, %dma_start3A_68] : memref<2x16x158x2x128xi32, #tpu.memory_space<hbm>> -> memref<1x1x2x2x128xi32, #tpu.memory_space<hbm>>
        %dma_start3A_70 = tpu.memref_squeeze %dma_start3A_69 : memref<1x1x2x2x128xi32, #tpu.memory_space<hbm>> -> memref<2x2x128xi32, #tpu.memory_space<hbm>>
        tpu.enqueue_dma source(%dma_start3A_70 : memref<2x2x128xi32, #tpu.memory_space<hbm>>) target(%arg7 : memref<2x2x128xi32, #tpu.memory_space<vmem>>) target_semaphore(%run_scoped3A_63 : memref<!tpu.dma_semaphore, #tpu.memory_space<semaphore_mem>>)
        %dma_wait3A = arith.constant 0 : i32
        %dma_wait3A_71 = arith.constant 0 : i32
        %dma_wait3A_72 = tpu.memref_slice %arg2[%arg0, %arg1, %mul3A_59, %dma_wait3A, %dma_wait3A_71] : memref<2x16x158x2x128xi32, #tpu.memory_space<hbm>> -> memref<1x1x2x2x128xi32, #tpu.memory_space<hbm>>
        %dma_wait3A_73 = tpu.memref_squeeze %dma_wait3A_72 : memref<1x1x2x2x128xi32, #tpu.memory_space<hbm>> -> memref<2x2x128xi32, #tpu.memory_space<hbm>>
        %dma_wait3A_74 = arith.constant 0 : i32
        %dma_wait3A_75 = arith.constant 0 : i32
        %dma_wait3A_76 = tpu.memref_slice %arg2[%arg0, %arg1, %mul3A_59, %dma_wait3A_74, %dma_wait3A_75] : memref<2x16x158x2x128xi32, #tpu.memory_space<hbm>> -> memref<1x1x2x2x128xi32, #tpu.memory_space<hbm>>
        %dma_wait3A_77 = tpu.memref_squeeze %dma_wait3A_76 : memref<1x1x2x2x128xi32, #tpu.memory_space<hbm>> -> memref<2x2x128xi32, #tpu.memory_space<hbm>>
        tpu.wait_dma2 semaphore(%run_scoped3A_63 : memref<!tpu.dma_semaphore, #tpu.memory_space<semaphore_mem>>) src(%dma_wait3A_77 : memref<2x2x128xi32, #tpu.memory_space<hbm>>) dst(%arg7 : memref<2x2x128xi32, #tpu.memory_space<vmem>>)
        tpu.yield
      }) : () -> ()
      %run_scoped3A = arith.constant 0 : i32
      %run_scoped3A_60 = arith.constant 1 : i32
      "tpu.region"() ({
        %run_scoped3A_63 = tpu.sem_alloc : memref<!tpu.dma_semaphore, #tpu.memory_space<semaphore_mem>>
        %dma_start3A = arith.constant 0 : i32
        %dma_start3A_64 = tpu.memref_slice %arg7[%run_scoped3A, %run_scoped3A_60, %dma_start3A] : memref<2x2x128xi32, #tpu.memory_space<vmem>> -> memref<1x1x128xi32, #tpu.memory_space<vmem>>
        %dma_start3A_65 = tpu.memref_squeeze %dma_start3A_64 : memref<1x1x128xi32, #tpu.memory_space<vmem>> -> memref<128xi32, #tpu.memory_space<vmem>>
        %dma_start3A_66 = arith.constant 0 : i32
        %dma_start3A_67 = arith.constant 0 : i32
        %dma_start3A_68 = tpu.memref_slice %arg11[%dma_start3A_66, %dma_start3A_67] : memref<6400x128xf32, #tpu.memory_space<vmem_shared>> -> memref<6400x128xf32, #tpu.memory_space<vmem_shared>>
        tpu.enqueue_indirect_dma source(%arg8 : memref<128x128xf32, #tpu.memory_space<vmem>>) target(%dma_start3A_68 : memref<6400x128xf32, #tpu.memory_space<vmem_shared>>) offsets(%dma_start3A_65 : memref<128xi32, #tpu.memory_space<vmem>>) semaphore(%run_scoped3A_63 : memref<!tpu.dma_semaphore, #tpu.memory_space<semaphore_mem>>) {add = true}
        %dma_wait3A = arith.constant 0 : i32
        %dma_wait3A_69 = tpu.memref_slice %arg7[%run_scoped3A, %run_scoped3A_60, %dma_wait3A] : memref<2x2x128xi32, #tpu.memory_space<vmem>> -> memref<1x1x128xi32, #tpu.memory_space<vmem>>
        %dma_wait3A_70 = tpu.memref_squeeze %dma_wait3A_69 : memref<1x1x128xi32, #tpu.memory_space<vmem>> -> memref<128xi32, #tpu.memory_space<vmem>>
        %dma_wait3A_71 = arith.constant 0 : i32
        %dma_wait3A_72 = arith.constant 0 : i32
        %dma_wait3A_73 = tpu.memref_slice %arg11[%dma_wait3A_71, %dma_wait3A_72] : memref<6400x128xf32, #tpu.memory_space<vmem_shared>> -> memref<6400x128xf32, #tpu.memory_space<vmem_shared>>
        tpu.wait_indirect_dma semaphore(%run_scoped3A_63 : memref<!tpu.dma_semaphore, #tpu.memory_space<semaphore_mem>>) src(%arg8 : memref<128x128xf32, #tpu.memory_space<vmem>>) dst(%dma_wait3A_73 : memref<6400x128xf32, #tpu.memory_space<vmem_shared>>)
        tpu.yield
      }) : () -> ()
      %run_scoped3A_61 = arith.constant 1 : i32
      %run_scoped3A_62 = arith.constant 1 : i32
      "tpu.region"() ({
        %run_scoped3A_63 = tpu.sem_alloc : memref<!tpu.dma_semaphore, #tpu.memory_space<semaphore_mem>>
        %dma_start3A = arith.constant 0 : i32
        %dma_start3A_64 = tpu.memref_slice %arg7[%run_scoped3A_61, %run_scoped3A_62, %dma_start3A] : memref<2x2x128xi32, #tpu.memory_space<vmem>> -> memref<1x1x128xi32, #tpu.memory_space<vmem>>
        %dma_start3A_65 = tpu.memref_squeeze %dma_start3A_64 : memref<1x1x128xi32, #tpu.memory_space<vmem>> -> memref<128xi32, #tpu.memory_space<vmem>>
        %dma_start3A_66 = arith.constant 0 : i32
        %dma_start3A_67 = arith.constant 0 : i32
        %dma_start3A_68 = tpu.memref_slice %arg11[%dma_start3A_66, %dma_start3A_67] : memref<6400x128xf32, #tpu.memory_space<vmem_shared>> -> memref<6400x128xf32, #tpu.memory_space<vmem_shared>>
        tpu.enqueue_indirect_dma source(%arg8 : memref<128x128xf32, #tpu.memory_space<vmem>>) target(%dma_start3A_68 : memref<6400x128xf32, #tpu.memory_space<vmem_shared>>) offsets(%dma_start3A_65 : memref<128xi32, #tpu.memory_space<vmem>>) semaphore(%run_scoped3A_63 : memref<!tpu.dma_semaphore, #tpu.memory_space<semaphore_mem>>) {add = true}
        %dma_wait3A = arith.constant 0 : i32
        %dma_wait3A_69 = tpu.memref_slice %arg7[%run_scoped3A_61, %run_scoped3A_62, %dma_wait3A] : memref<2x2x128xi32, #tpu.memory_space<vmem>> -> memref<1x1x128xi32, #tpu.memory_space<vmem>>
        %dma_wait3A_70 = tpu.memref_squeeze %dma_wait3A_69 : memref<1x1x128xi32, #tpu.memory_space<vmem>> -> memref<128xi32, #tpu.memory_space<vmem>>
        %dma_wait3A_71 = arith.constant 0 : i32
        %dma_wait3A_72 = arith.constant 0 : i32
        %dma_wait3A_73 = tpu.memref_slice %arg11[%dma_wait3A_71, %dma_wait3A_72] : memref<6400x128xf32, #tpu.memory_space<vmem_shared>> -> memref<6400x128xf32, #tpu.memory_space<vmem_shared>>
        tpu.wait_indirect_dma semaphore(%run_scoped3A_63 : memref<!tpu.dma_semaphore, #tpu.memory_space<semaphore_mem>>) src(%arg8 : memref<128x128xf32, #tpu.memory_space<vmem>>) dst(%dma_wait3A_73 : memref<6400x128xf32, #tpu.memory_space<vmem_shared>>)
        tpu.yield
      }) : () -> ()
    }
    %while3A_51 = arith.constant 1 : i32
    scf.for %while3A_57 = %while3A_49 to %while3A_45 step %while3A_51  : i32 {
      %mul3A_58 = arith.constant 2 : i32
      %mul3A_59 = arith.muli %mul3A_58, %while3A_57 : i32
      "tpu.region"() ({
        %run_scoped3A_63 = tpu.sem_alloc : memref<!tpu.dma_semaphore, #tpu.memory_space<semaphore_mem>>
        %dma_start3A = arith.constant 0 : i32
        %dma_start3A_64 = arith.constant 0 : i32
        %dma_start3A_65 = tpu.memref_slice %arg2[%arg0, %arg1, %mul3A_59, %dma_start3A, %dma_start3A_64] : memref<2x16x158x2x128xi32, #tpu.memory_space<hbm>> -> memref<1x1x2x2x128xi32, #tpu.memory_space<hbm>>
        %dma_start3A_66 = tpu.memref_squeeze %dma_start3A_65 : memref<1x1x2x2x128xi32, #tpu.memory_space<hbm>> -> memref<2x2x128xi32, #tpu.memory_space<hbm>>
        %dma_start3A_67 = arith.constant 0 : i32
        %dma_start3A_68 = arith.constant 0 : i32
        %dma_start3A_69 = tpu.memref_slice %arg2[%arg0, %arg1, %mul3A_59, %dma_start3A_67, %dma_start3A_68] : memref<2x16x158x2x128xi32, #tpu.memory_space<hbm>> -> memref<1x1x2x2x128xi32, #tpu.memory_space<hbm>>
        %dma_start3A_70 = tpu.memref_squeeze %dma_start3A_69 : memref<1x1x2x2x128xi32, #tpu.memory_space<hbm>> -> memref<2x2x128xi32, #tpu.memory_space<hbm>>
        tpu.enqueue_dma source(%dma_start3A_70 : memref<2x2x128xi32, #tpu.memory_space<hbm>>) target(%arg7 : memref<2x2x128xi32, #tpu.memory_space<vmem>>) target_semaphore(%run_scoped3A_63 : memref<!tpu.dma_semaphore, #tpu.memory_space<semaphore_mem>>)
        %dma_wait3A = arith.constant 0 : i32
        %dma_wait3A_71 = arith.constant 0 : i32
        %dma_wait3A_72 = tpu.memref_slice %arg2[%arg0, %arg1, %mul3A_59, %dma_wait3A, %dma_wait3A_71] : memref<2x16x158x2x128xi32, #tpu.memory_space<hbm>> -> memref<1x1x2x2x128xi32, #tpu.memory_space<hbm>>
        %dma_wait3A_73 = tpu.memref_squeeze %dma_wait3A_72 : memref<1x1x2x2x128xi32, #tpu.memory_space<hbm>> -> memref<2x2x128xi32, #tpu.memory_space<hbm>>
        %dma_wait3A_74 = arith.constant 0 : i32
        %dma_wait3A_75 = arith.constant 0 : i32
        %dma_wait3A_76 = tpu.memref_slice %arg2[%arg0, %arg1, %mul3A_59, %dma_wait3A_74, %dma_wait3A_75] : memref<2x16x158x2x128xi32, #tpu.memory_space<hbm>> -> memref<1x1x2x2x128xi32, #tpu.memory_space<hbm>>
        %dma_wait3A_77 = tpu.memref_squeeze %dma_wait3A_76 : memref<1x1x2x2x128xi32, #tpu.memory_space<hbm>> -> memref<2x2x128xi32, #tpu.memory_space<hbm>>
        tpu.wait_dma2 semaphore(%run_scoped3A_63 : memref<!tpu.dma_semaphore, #tpu.memory_space<semaphore_mem>>) src(%dma_wait3A_77 : memref<2x2x128xi32, #tpu.memory_space<hbm>>) dst(%arg7 : memref<2x2x128xi32, #tpu.memory_space<vmem>>)
        tpu.yield
      }) : () -> ()
      %run_scoped3A = arith.constant 0 : i32
      %run_scoped3A_60 = arith.constant 1 : i32
      "tpu.region"() ({
        %run_scoped3A_63 = tpu.sem_alloc : memref<!tpu.dma_semaphore, #tpu.memory_space<semaphore_mem>>
        %dma_start3A = arith.constant 0 : i32
        %dma_start3A_64 = tpu.memref_slice %arg7[%run_scoped3A, %run_scoped3A_60, %dma_start3A] : memref<2x2x128xi32, #tpu.memory_space<vmem>> -> memref<1x1x128xi32, #tpu.memory_space<vmem>>
        %dma_start3A_65 = tpu.memref_squeeze %dma_start3A_64 : memref<1x1x128xi32, #tpu.memory_space<vmem>> -> memref<128xi32, #tpu.memory_space<vmem>>
        %dma_start3A_66 = arith.constant 0 : i32
        %dma_start3A_67 = arith.constant 0 : i32
        %dma_start3A_68 = tpu.memref_slice %arg11[%dma_start3A_66, %dma_start3A_67] : memref<6400x128xf32, #tpu.memory_space<vmem_shared>> -> memref<6400x128xf32, #tpu.memory_space<vmem_shared>>
        tpu.enqueue_indirect_dma source(%arg8 : memref<128x128xf32, #tpu.memory_space<vmem>>) target(%dma_start3A_68 : memref<6400x128xf32, #tpu.memory_space<vmem_shared>>) offsets(%dma_start3A_65 : memref<128xi32, #tpu.memory_space<vmem>>) semaphore(%run_scoped3A_63 : memref<!tpu.dma_semaphore, #tpu.memory_space<semaphore_mem>>) {add = true}
        %dma_wait3A = arith.constant 0 : i32
        %dma_wait3A_69 = tpu.memref_slice %arg7[%run_scoped3A, %run_scoped3A_60, %dma_wait3A] : memref<2x2x128xi32, #tpu.memory_space<vmem>> -> memref<1x1x128xi32, #tpu.memory_space<vmem>>
        %dma_wait3A_70 = tpu.memref_squeeze %dma_wait3A_69 : memref<1x1x128xi32, #tpu.memory_space<vmem>> -> memref<128xi32, #tpu.memory_space<vmem>>
        %dma_wait3A_71 = arith.constant 0 : i32
        %dma_wait3A_72 = arith.constant 0 : i32
        %dma_wait3A_73 = tpu.memref_slice %arg11[%dma_wait3A_71, %dma_wait3A_72] : memref<6400x128xf32, #tpu.memory_space<vmem_shared>> -> memref<6400x128xf32, #tpu.memory_space<vmem_shared>>
        tpu.wait_indirect_dma semaphore(%run_scoped3A_63 : memref<!tpu.dma_semaphore, #tpu.memory_space<semaphore_mem>>) src(%arg8 : memref<128x128xf32, #tpu.memory_space<vmem>>) dst(%dma_wait3A_73 : memref<6400x128xf32, #tpu.memory_space<vmem_shared>>)
        tpu.yield
      }) : () -> ()
      %run_scoped3A_61 = arith.constant 1 : i32
      %run_scoped3A_62 = arith.constant 1 : i32
      "tpu.region"() ({
        %run_scoped3A_63 = tpu.sem_alloc : memref<!tpu.dma_semaphore, #tpu.memory_space<semaphore_mem>>
        %dma_start3A = arith.constant 0 : i32
        %dma_start3A_64 = tpu.memref_slice %arg7[%run_scoped3A_61, %run_scoped3A_62, %dma_start3A] : memref<2x2x128xi32, #tpu.memory_space<vmem>> -> memref<1x1x128xi32, #tpu.memory_space<vmem>>
        %dma_start3A_65 = tpu.memref_squeeze %dma_start3A_64 : memref<1x1x128xi32, #tpu.memory_space<vmem>> -> memref<128xi32, #tpu.memory_space<vmem>>
        %dma_start3A_66 = arith.constant 0 : i32
        %dma_start3A_67 = arith.constant 0 : i32
        %dma_start3A_68 = tpu.memref_slice %arg11[%dma_start3A_66, %dma_start3A_67] : memref<6400x128xf32, #tpu.memory_space<vmem_shared>> -> memref<6400x128xf32, #tpu.memory_space<vmem_shared>>
        tpu.enqueue_indirect_dma source(%arg8 : memref<128x128xf32, #tpu.memory_space<vmem>>) target(%dma_start3A_68 : memref<6400x128xf32, #tpu.memory_space<vmem_shared>>) offsets(%dma_start3A_65 : memref<128xi32, #tpu.memory_space<vmem>>) semaphore(%run_scoped3A_63 : memref<!tpu.dma_semaphore, #tpu.memory_space<semaphore_mem>>) {add = true}
        %dma_wait3A = arith.constant 0 : i32
        %dma_wait3A_69 = tpu.memref_slice %arg7[%run_scoped3A_61, %run_scoped3A_62, %dma_wait3A] : memref<2x2x128xi32, #tpu.memory_space<vmem>> -> memref<1x1x128xi32, #tpu.memory_space<vmem>>
        %dma_wait3A_70 = tpu.memref_squeeze %dma_wait3A_69 : memref<1x1x128xi32, #tpu.memory_space<vmem>> -> memref<128xi32, #tpu.memory_space<vmem>>
        %dma_wait3A_71 = arith.constant 0 : i32
        %dma_wait3A_72 = arith.constant 0 : i32
        %dma_wait3A_73 = tpu.memref_slice %arg11[%dma_wait3A_71, %dma_wait3A_72] : memref<6400x128xf32, #tpu.memory_space<vmem_shared>> -> memref<6400x128xf32, #tpu.memory_space<vmem_shared>>
        tpu.wait_indirect_dma semaphore(%run_scoped3A_63 : memref<!tpu.dma_semaphore, #tpu.memory_space<semaphore_mem>>) src(%arg8 : memref<128x128xf32, #tpu.memory_space<vmem>>) dst(%dma_wait3A_73 : memref<6400x128xf32, #tpu.memory_space<vmem_shared>>)
        tpu.yield
      }) : () -> ()
    }
    %barrier3A_52 = arith.constant 0 : index
    tpu.barrier barrier_id(%barrier3A_52)
    %mul3A_53 = arith.constant 400 : i32
    %mul3A_54 = arith.muli %arg1, %mul3A_53 : i32
    %mul3A_55 = arith.constant 400 : i32
    %mul3A_56 = arith.muli %arg1, %mul3A_55 : i32
    "tpu.region"() ({
      %run_scoped3A = tpu.sem_alloc : memref<!tpu.dma_semaphore, #tpu.memory_space<semaphore_mem>>
      %dma_start3A = arith.constant 0 : i32
      %dma_start3A_57 = tpu.memref_slice %arg6[%arg0, %mul3A_56, %dma_start3A] : memref<2x6400x128xf32, #tpu.memory_space<hbm>> -> memref<1x400x128xf32, #tpu.memory_space<hbm>>
      %dma_start3A_58 = tpu.memref_squeeze %dma_start3A_57 : memref<1x400x128xf32, #tpu.memory_space<hbm>> -> memref<400x128xf32, #tpu.memory_space<hbm>>
      %dma_start3A_59 = arith.constant 0 : i32
      %dma_start3A_60 = tpu.memref_slice %arg11[%mul3A_54, %dma_start3A_59] : memref<6400x128xf32, #tpu.memory_space<vmem_shared>> -> memref<400x128xf32, #tpu.memory_space<vmem_shared>>
      tpu.enqueue_dma source(%dma_start3A_60 : memref<400x128xf32, #tpu.memory_space<vmem_shared>>) target(%dma_start3A_58 : memref<400x128xf32, #tpu.memory_space<hbm>>) target_semaphore(%run_scoped3A : memref<!tpu.dma_semaphore, #tpu.memory_space<semaphore_mem>>)
      %dma_wait3A = arith.constant 0 : i32
      %dma_wait3A_61 = tpu.memref_slice %arg6[%arg0, %mul3A_56, %dma_wait3A] : memref<2x6400x128xf32, #tpu.memory_space<hbm>> -> memref<1x400x128xf32, #tpu.memory_space<hbm>>
      %dma_wait3A_62 = tpu.memref_squeeze %dma_wait3A_61 : memref<1x400x128xf32, #tpu.memory_space<hbm>> -> memref<400x128xf32, #tpu.memory_space<hbm>>
      %dma_wait3A_63 = arith.constant 0 : i32
      %dma_wait3A_64 = tpu.memref_slice %arg11[%mul3A_54, %dma_wait3A_63] : memref<6400x128xf32, #tpu.memory_space<vmem_shared>> -> memref<400x128xf32, #tpu.memory_space<vmem_shared>>
      tpu.wait_dma2 semaphore(%run_scoped3A : memref<!tpu.dma_semaphore, #tpu.memory_space<semaphore_mem>>) src(%dma_wait3A_64 : memref<400x128xf32, #tpu.memory_space<vmem_shared>>) dst(%dma_wait3A_62 : memref<400x128xf32, #tpu.memory_space<hbm>>)
      tpu.yield
    }) : () -> ()
    return
  }
}

#map = affine_map<(d0, d1) -> (0, 0)>
#map1 = affine_map<(d0, d1) -> (0, 0, 0, 0, 0)>
#map2 = affine_map<(d0, d1) -> (0, 0, 0)>
module attributes {stable_mosaic.version = 14 : i64} {
  func.func @_agg_body(%arg0: i32, %arg1: i32, %arg2: memref<10000x128xf32, #tpu.memory_space<hbm>>, %arg3: memref<2x16x158x2x128xi32, #tpu.memory_space<hbm>>, %arg4: memref<2x16x128xi32, #tpu.memory_space<hbm>>, %arg5: memref<80x128xf32, #tpu.memory_space<hbm>>, %arg6: memref<2x6400x128xf32, #tpu.memory_space<hbm>>, %arg7: memref<2x128xi32, #tpu.memory_space<vmem>>, %arg8: memref<128x128xf32, #tpu.memory_space<vmem>>, %arg9: memref<80x128xf32, #tpu.memory_space<vmem>>, %arg10: memref<128xi32, #tpu.memory_space<vmem>>, %arg11: memref<6400x128xf32, #tpu.memory_space<vmem_shared>>, %arg12: memref<!tpu.dma_semaphore, #tpu.memory_space<semaphore_mem>>) attributes {dimension_semantics = [#tpu.dimension_semantics<core_parallel>, #tpu.dimension_semantics<subcore_parallel>], iteration_bounds = array<i64: 2, 16>, scalar_prefetch = 0 : i64, scratch_operands = 6 : i64, tpu.core_type = #tpu.core_type<sc_vector_subcore>, window_params = [{transform_indices = #map}, {transform_indices = #map1}, {transform_indices = #map2}, {transform_indices = #map}, {transform_indices = #map2}]} {
    "tpu.region"() ({
      %run_scoped3A = tpu.sem_alloc : memref<!tpu.dma_semaphore, #tpu.memory_space<semaphore_mem>>
      tpu.enqueue_dma source(%arg5 : memref<80x128xf32, #tpu.memory_space<hbm>>) target(%arg9 : memref<80x128xf32, #tpu.memory_space<vmem>>) target_semaphore(%run_scoped3A : memref<!tpu.dma_semaphore, #tpu.memory_space<semaphore_mem>>)
      tpu.wait_dma2 semaphore(%run_scoped3A : memref<!tpu.dma_semaphore, #tpu.memory_space<semaphore_mem>>) src(%arg5 : memref<80x128xf32, #tpu.memory_space<hbm>>) dst(%arg9 : memref<80x128xf32, #tpu.memory_space<vmem>>)
      tpu.yield
    }) : () -> ()
    %mul3A = arith.constant 400 : i32
    %mul3A_0 = arith.muli %arg1, %mul3A : i32
    %add3A = arith.constant 0 : i32
    %add3A_1 = arith.addi %mul3A_0, %add3A : i32
    "tpu.region"() ({
      %run_scoped3A = tpu.sem_alloc : memref<!tpu.dma_semaphore, #tpu.memory_space<semaphore_mem>>
      %dma_start3A = arith.constant 0 : i32
      %dma_start3A_39 = tpu.memref_slice %arg11[%add3A_1, %dma_start3A] : memref<6400x128xf32, #tpu.memory_space<vmem_shared>> -> memref<80x128xf32, #tpu.memory_space<vmem_shared>>
      %dma_start3A_40 = arith.constant 0 : i32
      %dma_start3A_41 = tpu.memref_slice %arg11[%add3A_1, %dma_start3A_40] : memref<6400x128xf32, #tpu.memory_space<vmem_shared>> -> memref<80x128xf32, #tpu.memory_space<vmem_shared>>
      tpu.enqueue_dma source(%arg9 : memref<80x128xf32, #tpu.memory_space<vmem>>) target(%dma_start3A_41 : memref<80x128xf32, #tpu.memory_space<vmem_shared>>) target_semaphore(%run_scoped3A : memref<!tpu.dma_semaphore, #tpu.memory_space<semaphore_mem>>)
      %dma_wait3A = arith.constant 0 : i32
      %dma_wait3A_42 = tpu.memref_slice %arg11[%add3A_1, %dma_wait3A] : memref<6400x128xf32, #tpu.memory_space<vmem_shared>> -> memref<80x128xf32, #tpu.memory_space<vmem_shared>>
      %dma_wait3A_43 = arith.constant 0 : i32
      %dma_wait3A_44 = tpu.memref_slice %arg11[%add3A_1, %dma_wait3A_43] : memref<6400x128xf32, #tpu.memory_space<vmem_shared>> -> memref<80x128xf32, #tpu.memory_space<vmem_shared>>
      tpu.wait_dma2 semaphore(%run_scoped3A : memref<!tpu.dma_semaphore, #tpu.memory_space<semaphore_mem>>) src(%arg9 : memref<80x128xf32, #tpu.memory_space<vmem>>) dst(%dma_wait3A_44 : memref<80x128xf32, #tpu.memory_space<vmem_shared>>)
      tpu.yield
    }) : () -> ()
    %mul3A_2 = arith.constant 400 : i32
    %mul3A_3 = arith.muli %arg1, %mul3A_2 : i32
    %add3A_4 = arith.constant 80 : i32
    %add3A_5 = arith.addi %mul3A_3, %add3A_4 : i32
    "tpu.region"() ({
      %run_scoped3A = tpu.sem_alloc : memref<!tpu.dma_semaphore, #tpu.memory_space<semaphore_mem>>
      %dma_start3A = arith.constant 0 : i32
      %dma_start3A_39 = tpu.memref_slice %arg11[%add3A_5, %dma_start3A] : memref<6400x128xf32, #tpu.memory_space<vmem_shared>> -> memref<80x128xf32, #tpu.memory_space<vmem_shared>>
      %dma_start3A_40 = arith.constant 0 : i32
      %dma_start3A_41 = tpu.memref_slice %arg11[%add3A_5, %dma_start3A_40] : memref<6400x128xf32, #tpu.memory_space<vmem_shared>> -> memref<80x128xf32, #tpu.memory_space<vmem_shared>>
      tpu.enqueue_dma source(%arg9 : memref<80x128xf32, #tpu.memory_space<vmem>>) target(%dma_start3A_41 : memref<80x128xf32, #tpu.memory_space<vmem_shared>>) target_semaphore(%run_scoped3A : memref<!tpu.dma_semaphore, #tpu.memory_space<semaphore_mem>>)
      %dma_wait3A = arith.constant 0 : i32
      %dma_wait3A_42 = tpu.memref_slice %arg11[%add3A_5, %dma_wait3A] : memref<6400x128xf32, #tpu.memory_space<vmem_shared>> -> memref<80x128xf32, #tpu.memory_space<vmem_shared>>
      %dma_wait3A_43 = arith.constant 0 : i32
      %dma_wait3A_44 = tpu.memref_slice %arg11[%add3A_5, %dma_wait3A_43] : memref<6400x128xf32, #tpu.memory_space<vmem_shared>> -> memref<80x128xf32, #tpu.memory_space<vmem_shared>>
      tpu.wait_dma2 semaphore(%run_scoped3A : memref<!tpu.dma_semaphore, #tpu.memory_space<semaphore_mem>>) src(%arg9 : memref<80x128xf32, #tpu.memory_space<vmem>>) dst(%dma_wait3A_44 : memref<80x128xf32, #tpu.memory_space<vmem_shared>>)
      tpu.yield
    }) : () -> ()
    %mul3A_6 = arith.constant 400 : i32
    %mul3A_7 = arith.muli %arg1, %mul3A_6 : i32
    %add3A_8 = arith.constant 160 : i32
    %add3A_9 = arith.addi %mul3A_7, %add3A_8 : i32
    "tpu.region"() ({
      %run_scoped3A = tpu.sem_alloc : memref<!tpu.dma_semaphore, #tpu.memory_space<semaphore_mem>>
      %dma_start3A = arith.constant 0 : i32
      %dma_start3A_39 = tpu.memref_slice %arg11[%add3A_9, %dma_start3A] : memref<6400x128xf32, #tpu.memory_space<vmem_shared>> -> memref<80x128xf32, #tpu.memory_space<vmem_shared>>
      %dma_start3A_40 = arith.constant 0 : i32
      %dma_start3A_41 = tpu.memref_slice %arg11[%add3A_9, %dma_start3A_40] : memref<6400x128xf32, #tpu.memory_space<vmem_shared>> -> memref<80x128xf32, #tpu.memory_space<vmem_shared>>
      tpu.enqueue_dma source(%arg9 : memref<80x128xf32, #tpu.memory_space<vmem>>) target(%dma_start3A_41 : memref<80x128xf32, #tpu.memory_space<vmem_shared>>) target_semaphore(%run_scoped3A : memref<!tpu.dma_semaphore, #tpu.memory_space<semaphore_mem>>)
      %dma_wait3A = arith.constant 0 : i32
      %dma_wait3A_42 = tpu.memref_slice %arg11[%add3A_9, %dma_wait3A] : memref<6400x128xf32, #tpu.memory_space<vmem_shared>> -> memref<80x128xf32, #tpu.memory_space<vmem_shared>>
      %dma_wait3A_43 = arith.constant 0 : i32
      %dma_wait3A_44 = tpu.memref_slice %arg11[%add3A_9, %dma_wait3A_43] : memref<6400x128xf32, #tpu.memory_space<vmem_shared>> -> memref<80x128xf32, #tpu.memory_space<vmem_shared>>
      tpu.wait_dma2 semaphore(%run_scoped3A : memref<!tpu.dma_semaphore, #tpu.memory_space<semaphore_mem>>) src(%arg9 : memref<80x128xf32, #tpu.memory_space<vmem>>) dst(%dma_wait3A_44 : memref<80x128xf32, #tpu.memory_space<vmem_shared>>)
      tpu.yield
    }) : () -> ()
    %mul3A_10 = arith.constant 400 : i32
    %mul3A_11 = arith.muli %arg1, %mul3A_10 : i32
    %add3A_12 = arith.constant 240 : i32
    %add3A_13 = arith.addi %mul3A_11, %add3A_12 : i32
    "tpu.region"() ({
      %run_scoped3A = tpu.sem_alloc : memref<!tpu.dma_semaphore, #tpu.memory_space<semaphore_mem>>
      %dma_start3A = arith.constant 0 : i32
      %dma_start3A_39 = tpu.memref_slice %arg11[%add3A_13, %dma_start3A] : memref<6400x128xf32, #tpu.memory_space<vmem_shared>> -> memref<80x128xf32, #tpu.memory_space<vmem_shared>>
      %dma_start3A_40 = arith.constant 0 : i32
      %dma_start3A_41 = tpu.memref_slice %arg11[%add3A_13, %dma_start3A_40] : memref<6400x128xf32, #tpu.memory_space<vmem_shared>> -> memref<80x128xf32, #tpu.memory_space<vmem_shared>>
      tpu.enqueue_dma source(%arg9 : memref<80x128xf32, #tpu.memory_space<vmem>>) target(%dma_start3A_41 : memref<80x128xf32, #tpu.memory_space<vmem_shared>>) target_semaphore(%run_scoped3A : memref<!tpu.dma_semaphore, #tpu.memory_space<semaphore_mem>>)
      %dma_wait3A = arith.constant 0 : i32
      %dma_wait3A_42 = tpu.memref_slice %arg11[%add3A_13, %dma_wait3A] : memref<6400x128xf32, #tpu.memory_space<vmem_shared>> -> memref<80x128xf32, #tpu.memory_space<vmem_shared>>
      %dma_wait3A_43 = arith.constant 0 : i32
      %dma_wait3A_44 = tpu.memref_slice %arg11[%add3A_13, %dma_wait3A_43] : memref<6400x128xf32, #tpu.memory_space<vmem_shared>> -> memref<80x128xf32, #tpu.memory_space<vmem_shared>>
      tpu.wait_dma2 semaphore(%run_scoped3A : memref<!tpu.dma_semaphore, #tpu.memory_space<semaphore_mem>>) src(%arg9 : memref<80x128xf32, #tpu.memory_space<vmem>>) dst(%dma_wait3A_44 : memref<80x128xf32, #tpu.memory_space<vmem_shared>>)
      tpu.yield
    }) : () -> ()
    %mul3A_14 = arith.constant 400 : i32
    %mul3A_15 = arith.muli %arg1, %mul3A_14 : i32
    %add3A_16 = arith.constant 320 : i32
    %add3A_17 = arith.addi %mul3A_15, %add3A_16 : i32
    "tpu.region"() ({
      %run_scoped3A = tpu.sem_alloc : memref<!tpu.dma_semaphore, #tpu.memory_space<semaphore_mem>>
      %dma_start3A = arith.constant 0 : i32
      %dma_start3A_39 = tpu.memref_slice %arg11[%add3A_17, %dma_start3A] : memref<6400x128xf32, #tpu.memory_space<vmem_shared>> -> memref<80x128xf32, #tpu.memory_space<vmem_shared>>
      %dma_start3A_40 = arith.constant 0 : i32
      %dma_start3A_41 = tpu.memref_slice %arg11[%add3A_17, %dma_start3A_40] : memref<6400x128xf32, #tpu.memory_space<vmem_shared>> -> memref<80x128xf32, #tpu.memory_space<vmem_shared>>
      tpu.enqueue_dma source(%arg9 : memref<80x128xf32, #tpu.memory_space<vmem>>) target(%dma_start3A_41 : memref<80x128xf32, #tpu.memory_space<vmem_shared>>) target_semaphore(%run_scoped3A : memref<!tpu.dma_semaphore, #tpu.memory_space<semaphore_mem>>)
      %dma_wait3A = arith.constant 0 : i32
      %dma_wait3A_42 = tpu.memref_slice %arg11[%add3A_17, %dma_wait3A] : memref<6400x128xf32, #tpu.memory_space<vmem_shared>> -> memref<80x128xf32, #tpu.memory_space<vmem_shared>>
      %dma_wait3A_43 = arith.constant 0 : i32
      %dma_wait3A_44 = tpu.memref_slice %arg11[%add3A_17, %dma_wait3A_43] : memref<6400x128xf32, #tpu.memory_space<vmem_shared>> -> memref<80x128xf32, #tpu.memory_space<vmem_shared>>
      tpu.wait_dma2 semaphore(%run_scoped3A : memref<!tpu.dma_semaphore, #tpu.memory_space<semaphore_mem>>) src(%arg9 : memref<80x128xf32, #tpu.memory_space<vmem>>) dst(%dma_wait3A_44 : memref<80x128xf32, #tpu.memory_space<vmem_shared>>)
      tpu.yield
    }) : () -> ()
    "tpu.region"() ({
      %run_scoped3A = tpu.sem_alloc : memref<!tpu.dma_semaphore, #tpu.memory_space<semaphore_mem>>
      %dma_start3A = arith.constant 0 : i32
      %dma_start3A_39 = tpu.memref_slice %arg4[%arg0, %arg1, %dma_start3A] : memref<2x16x128xi32, #tpu.memory_space<hbm>> -> memref<1x1x128xi32, #tpu.memory_space<hbm>>
      %dma_start3A_40 = tpu.memref_squeeze %dma_start3A_39 : memref<1x1x128xi32, #tpu.memory_space<hbm>> -> memref<128xi32, #tpu.memory_space<hbm>>
      %dma_start3A_41 = arith.constant 0 : i32
      %dma_start3A_42 = tpu.memref_slice %arg4[%arg0, %arg1, %dma_start3A_41] : memref<2x16x128xi32, #tpu.memory_space<hbm>> -> memref<1x1x128xi32, #tpu.memory_space<hbm>>
      %dma_start3A_43 = tpu.memref_squeeze %dma_start3A_42 : memref<1x1x128xi32, #tpu.memory_space<hbm>> -> memref<128xi32, #tpu.memory_space<hbm>>
      tpu.enqueue_dma source(%dma_start3A_43 : memref<128xi32, #tpu.memory_space<hbm>>) target(%arg10 : memref<128xi32, #tpu.memory_space<vmem>>) target_semaphore(%run_scoped3A : memref<!tpu.dma_semaphore, #tpu.memory_space<semaphore_mem>>)
      %dma_wait3A = arith.constant 0 : i32
      %dma_wait3A_44 = tpu.memref_slice %arg4[%arg0, %arg1, %dma_wait3A] : memref<2x16x128xi32, #tpu.memory_space<hbm>> -> memref<1x1x128xi32, #tpu.memory_space<hbm>>
      %dma_wait3A_45 = tpu.memref_squeeze %dma_wait3A_44 : memref<1x1x128xi32, #tpu.memory_space<hbm>> -> memref<128xi32, #tpu.memory_space<hbm>>
      %dma_wait3A_46 = arith.constant 0 : i32
      %dma_wait3A_47 = tpu.memref_slice %arg4[%arg0, %arg1, %dma_wait3A_46] : memref<2x16x128xi32, #tpu.memory_space<hbm>> -> memref<1x1x128xi32, #tpu.memory_space<hbm>>
      %dma_wait3A_48 = tpu.memref_squeeze %dma_wait3A_47 : memref<1x1x128xi32, #tpu.memory_space<hbm>> -> memref<128xi32, #tpu.memory_space<hbm>>
      tpu.wait_dma2 semaphore(%run_scoped3A : memref<!tpu.dma_semaphore, #tpu.memory_space<semaphore_mem>>) src(%dma_wait3A_48 : memref<128xi32, #tpu.memory_space<hbm>>) dst(%arg10 : memref<128xi32, #tpu.memory_space<vmem>>)
      tpu.yield
    }) : () -> ()
    %get3A = arith.constant 0 : index
    %get3A_18 = tpu.vector_load %arg10[%get3A] {strides = array<i32>} : memref<128xi32, #tpu.memory_space<vmem>>, vector<16xi32>,
    %reduce_max3A = arith.constant true
    %reduce_max3A_19 = vector.broadcast %reduce_max3A : i1 to vector<16xi1>
    %reduce_max3A_20 = arith.constant -2147483648 : i32
    %reduce_max3A_21 = vector.broadcast %reduce_max3A_20 : i32 to vector<16xi32>
    %reduce_max3A_22 = arith.xori %get3A_18, %reduce_max3A_21 : vector<16xi32>
    %reduce_max3A_23 = tpu.scan <max>, %reduce_max3A_22 masked %reduce_max3A_19 : vector<16xi32>, vector<16xi1> -> vector<16xi32>
    %reduce_max3A_24 = arith.xori %reduce_max3A_23, %reduce_max3A_21 : vector<16xi32>
    %reduce_max3A_25 = vector.extract %reduce_max3A_24[15] : i32 from vector<16xi32>
    %barrier3A = arith.constant 0 : index
    tpu.barrier barrier_id(%barrier3A)
    %while3A = arith.constant 0 : i32
    %while3A_26 = arith.subi %reduce_max3A_25, %while3A : i32
    %while3A_27 = arith.addi %while3A, %while3A_26 : i32
    %while3A_28 = arith.constant 1 : i32
    %while3A_29 = arith.divsi %while3A_26, %while3A_28 : i32
    %while3A_30 = arith.muli %while3A_29, %while3A_28 : i32
    %while3A_31 = arith.addi %while3A, %while3A_30 : i32
    %while3A_32 = arith.constant 1 : i32
    scf.for %while3A_39 = %while3A to %while3A_31 step %while3A_32  : i32 {
      "tpu.region"() ({
        %run_scoped3A_52 = tpu.sem_alloc : memref<!tpu.dma_semaphore, #tpu.memory_space<semaphore_mem>>
        %dma_start3A_53 = arith.constant 0 : i32
        %dma_start3A_54 = arith.constant 0 : i32
        %dma_start3A_55 = tpu.memref_slice %arg3[%arg0, %arg1, %while3A_39, %dma_start3A_53, %dma_start3A_54] : memref<2x16x158x2x128xi32, #tpu.memory_space<hbm>> -> memref<1x1x1x2x128xi32, #tpu.memory_space<hbm>>
        %dma_start3A_56 = tpu.memref_squeeze %dma_start3A_55 : memref<1x1x1x2x128xi32, #tpu.memory_space<hbm>> -> memref<2x128xi32, #tpu.memory_space<hbm>>
        %dma_start3A_57 = arith.constant 0 : i32
        %dma_start3A_58 = arith.constant 0 : i32
        %dma_start3A_59 = tpu.memref_slice %arg3[%arg0, %arg1, %while3A_39, %dma_start3A_57, %dma_start3A_58] : memref<2x16x158x2x128xi32, #tpu.memory_space<hbm>> -> memref<1x1x1x2x128xi32, #tpu.memory_space<hbm>>
        %dma_start3A_60 = tpu.memref_squeeze %dma_start3A_59 : memref<1x1x1x2x128xi32, #tpu.memory_space<hbm>> -> memref<2x128xi32, #tpu.memory_space<hbm>>
        tpu.enqueue_dma source(%dma_start3A_60 : memref<2x128xi32, #tpu.memory_space<hbm>>) target(%arg7 : memref<2x128xi32, #tpu.memory_space<vmem>>) target_semaphore(%run_scoped3A_52 : memref<!tpu.dma_semaphore, #tpu.memory_space<semaphore_mem>>)
        %dma_wait3A_61 = arith.constant 0 : i32
        %dma_wait3A_62 = arith.constant 0 : i32
        %dma_wait3A_63 = tpu.memref_slice %arg3[%arg0, %arg1, %while3A_39, %dma_wait3A_61, %dma_wait3A_62] : memref<2x16x158x2x128xi32, #tpu.memory_space<hbm>> -> memref<1x1x1x2x128xi32, #tpu.memory_space<hbm>>
        %dma_wait3A_64 = tpu.memref_squeeze %dma_wait3A_63 : memref<1x1x1x2x128xi32, #tpu.memory_space<hbm>> -> memref<2x128xi32, #tpu.memory_space<hbm>>
        %dma_wait3A_65 = arith.constant 0 : i32
        %dma_wait3A_66 = arith.constant 0 : i32
        %dma_wait3A_67 = tpu.memref_slice %arg3[%arg0, %arg1, %while3A_39, %dma_wait3A_65, %dma_wait3A_66] : memref<2x16x158x2x128xi32, #tpu.memory_space<hbm>> -> memref<1x1x1x2x128xi32, #tpu.memory_space<hbm>>
        %dma_wait3A_68 = tpu.memref_squeeze %dma_wait3A_67 : memref<1x1x1x2x128xi32, #tpu.memory_space<hbm>> -> memref<2x128xi32, #tpu.memory_space<hbm>>
        tpu.wait_dma2 semaphore(%run_scoped3A_52 : memref<!tpu.dma_semaphore, #tpu.memory_space<semaphore_mem>>) src(%dma_wait3A_68 : memref<2x128xi32, #tpu.memory_space<hbm>>) dst(%arg7 : memref<2x128xi32, #tpu.memory_space<vmem>>)
        tpu.yield
      }) : () -> ()
      %dma_start3A = arith.constant 0 : i32
      %dma_start3A_40 = arith.constant 0 : i32
      %dma_start3A_41 = tpu.memref_slice %arg7[%dma_start3A, %dma_start3A_40] : memref<2x128xi32, #tpu.memory_space<vmem>> -> memref<1x128xi32, #tpu.memory_space<vmem>>
      %dma_start3A_42 = tpu.memref_squeeze %dma_start3A_41 : memref<1x128xi32, #tpu.memory_space<vmem>> -> memref<128xi32, #tpu.memory_space<vmem>>
      %dma_start3A_43 = arith.constant 0 : i32
      %dma_start3A_44 = arith.constant 0 : i32
      %dma_start3A_45 = tpu.memref_slice %arg2[%dma_start3A_43, %dma_start3A_44] : memref<10000x128xf32, #tpu.memory_space<hbm>> -> memref<10000x128xf32, #tpu.memory_space<hbm>>
      tpu.enqueue_indirect_dma source(%dma_start3A_45 : memref<10000x128xf32, #tpu.memory_space<hbm>>) target(%arg8 : memref<128x128xf32, #tpu.memory_space<vmem>>) offsets(%dma_start3A_42 : memref<128xi32, #tpu.memory_space<vmem>>) semaphore(%arg12 : memref<!tpu.dma_semaphore, #tpu.memory_space<semaphore_mem>>)
      %dma_wait3A = arith.constant 0 : i32
      %dma_wait3A_46 = arith.constant 0 : i32
      %dma_wait3A_47 = tpu.memref_slice %arg7[%dma_wait3A, %dma_wait3A_46] : memref<2x128xi32, #tpu.memory_space<vmem>> -> memref<1x128xi32, #tpu.memory_space<vmem>>
      %dma_wait3A_48 = tpu.memref_squeeze %dma_wait3A_47 : memref<1x128xi32, #tpu.memory_space<vmem>> -> memref<128xi32, #tpu.memory_space<vmem>>
      %dma_wait3A_49 = arith.constant 0 : i32
      %dma_wait3A_50 = arith.constant 0 : i32
      %dma_wait3A_51 = tpu.memref_slice %arg2[%dma_wait3A_49, %dma_wait3A_50] : memref<10000x128xf32, #tpu.memory_space<hbm>> -> memref<10000x128xf32, #tpu.memory_space<hbm>>
      tpu.wait_indirect_dma semaphore(%arg12 : memref<!tpu.dma_semaphore, #tpu.memory_space<semaphore_mem>>) src(%dma_wait3A_51 : memref<10000x128xf32, #tpu.memory_space<hbm>>) dst(%arg8 : memref<128x128xf32, #tpu.memory_space<vmem>>)
      %run_scoped3A = arith.constant 1 : i32
      "tpu.region"() ({
        %run_scoped3A_52 = tpu.sem_alloc : memref<!tpu.dma_semaphore, #tpu.memory_space<semaphore_mem>>
        %dma_start3A_53 = arith.constant 0 : i32
        %dma_start3A_54 = tpu.memref_slice %arg7[%run_scoped3A, %dma_start3A_53] : memref<2x128xi32, #tpu.memory_space<vmem>> -> memref<1x128xi32, #tpu.memory_space<vmem>>
        %dma_start3A_55 = tpu.memref_squeeze %dma_start3A_54 : memref<1x128xi32, #tpu.memory_space<vmem>> -> memref<128xi32, #tpu.memory_space<vmem>>
        %dma_start3A_56 = arith.constant 0 : i32
        %dma_start3A_57 = arith.constant 0 : i32
        %dma_start3A_58 = tpu.memref_slice %arg11[%dma_start3A_56, %dma_start3A_57] : memref<6400x128xf32, #tpu.memory_space<vmem_shared>> -> memref<6400x128xf32, #tpu.memory_space<vmem_shared>>
        tpu.enqueue_indirect_dma source(%arg8 : memref<128x128xf32, #tpu.memory_space<vmem>>) target(%dma_start3A_58 : memref<6400x128xf32, #tpu.memory_space<vmem_shared>>) offsets(%dma_start3A_55 : memref<128xi32, #tpu.memory_space<vmem>>) semaphore(%run_scoped3A_52 : memref<!tpu.dma_semaphore, #tpu.memory_space<semaphore_mem>>) {add = true}
        %dma_wait3A_59 = arith.constant 0 : i32
        %dma_wait3A_60 = tpu.memref_slice %arg7[%run_scoped3A, %dma_wait3A_59] : memref<2x128xi32, #tpu.memory_space<vmem>> -> memref<1x128xi32, #tpu.memory_space<vmem>>
        %dma_wait3A_61 = tpu.memref_squeeze %dma_wait3A_60 : memref<1x128xi32, #tpu.memory_space<vmem>> -> memref<128xi32, #tpu.memory_space<vmem>>
        %dma_wait3A_62 = arith.constant 0 : i32
        %dma_wait3A_63 = arith.constant 0 : i32
        %dma_wait3A_64 = tpu.memref_slice %arg11[%dma_wait3A_62, %dma_wait3A_63] : memref<6400x128xf32, #tpu.memory_space<vmem_shared>> -> memref<6400x128xf32, #tpu.memory_space<vmem_shared>>
        tpu.wait_indirect_dma semaphore(%run_scoped3A_52 : memref<!tpu.dma_semaphore, #tpu.memory_space<semaphore_mem>>) src(%arg8 : memref<128x128xf32, #tpu.memory_space<vmem>>) dst(%dma_wait3A_64 : memref<6400x128xf32, #tpu.memory_space<vmem_shared>>)
        tpu.yield
      }) : () -> ()
    }
    %while3A_33 = arith.constant 1 : i32
    scf.for %while3A_39 = %while3A_31 to %while3A_27 step %while3A_33  : i32 {
      "tpu.region"() ({
        %run_scoped3A_52 = tpu.sem_alloc : memref<!tpu.dma_semaphore, #tpu.memory_space<semaphore_mem>>
        %dma_start3A_53 = arith.constant 0 : i32
        %dma_start3A_54 = arith.constant 0 : i32
        %dma_start3A_55 = tpu.memref_slice %arg3[%arg0, %arg1, %while3A_39, %dma_start3A_53, %dma_start3A_54] : memref<2x16x158x2x128xi32, #tpu.memory_space<hbm>> -> memref<1x1x1x2x128xi32, #tpu.memory_space<hbm>>
        %dma_start3A_56 = tpu.memref_squeeze %dma_start3A_55 : memref<1x1x1x2x128xi32, #tpu.memory_space<hbm>> -> memref<2x128xi32, #tpu.memory_space<hbm>>
        %dma_start3A_57 = arith.constant 0 : i32
        %dma_start3A_58 = arith.constant 0 : i32
        %dma_start3A_59 = tpu.memref_slice %arg3[%arg0, %arg1, %while3A_39, %dma_start3A_57, %dma_start3A_58] : memref<2x16x158x2x128xi32, #tpu.memory_space<hbm>> -> memref<1x1x1x2x128xi32, #tpu.memory_space<hbm>>
        %dma_start3A_60 = tpu.memref_squeeze %dma_start3A_59 : memref<1x1x1x2x128xi32, #tpu.memory_space<hbm>> -> memref<2x128xi32, #tpu.memory_space<hbm>>
        tpu.enqueue_dma source(%dma_start3A_60 : memref<2x128xi32, #tpu.memory_space<hbm>>) target(%arg7 : memref<2x128xi32, #tpu.memory_space<vmem>>) target_semaphore(%run_scoped3A_52 : memref<!tpu.dma_semaphore, #tpu.memory_space<semaphore_mem>>)
        %dma_wait3A_61 = arith.constant 0 : i32
        %dma_wait3A_62 = arith.constant 0 : i32
        %dma_wait3A_63 = tpu.memref_slice %arg3[%arg0, %arg1, %while3A_39, %dma_wait3A_61, %dma_wait3A_62] : memref<2x16x158x2x128xi32, #tpu.memory_space<hbm>> -> memref<1x1x1x2x128xi32, #tpu.memory_space<hbm>>
        %dma_wait3A_64 = tpu.memref_squeeze %dma_wait3A_63 : memref<1x1x1x2x128xi32, #tpu.memory_space<hbm>> -> memref<2x128xi32, #tpu.memory_space<hbm>>
        %dma_wait3A_65 = arith.constant 0 : i32
        %dma_wait3A_66 = arith.constant 0 : i32
        %dma_wait3A_67 = tpu.memref_slice %arg3[%arg0, %arg1, %while3A_39, %dma_wait3A_65, %dma_wait3A_66] : memref<2x16x158x2x128xi32, #tpu.memory_space<hbm>> -> memref<1x1x1x2x128xi32, #tpu.memory_space<hbm>>
        %dma_wait3A_68 = tpu.memref_squeeze %dma_wait3A_67 : memref<1x1x1x2x128xi32, #tpu.memory_space<hbm>> -> memref<2x128xi32, #tpu.memory_space<hbm>>
        tpu.wait_dma2 semaphore(%run_scoped3A_52 : memref<!tpu.dma_semaphore, #tpu.memory_space<semaphore_mem>>) src(%dma_wait3A_68 : memref<2x128xi32, #tpu.memory_space<hbm>>) dst(%arg7 : memref<2x128xi32, #tpu.memory_space<vmem>>)
        tpu.yield
      }) : () -> ()
      %dma_start3A = arith.constant 0 : i32
      %dma_start3A_40 = arith.constant 0 : i32
      %dma_start3A_41 = tpu.memref_slice %arg7[%dma_start3A, %dma_start3A_40] : memref<2x128xi32, #tpu.memory_space<vmem>> -> memref<1x128xi32, #tpu.memory_space<vmem>>
      %dma_start3A_42 = tpu.memref_squeeze %dma_start3A_41 : memref<1x128xi32, #tpu.memory_space<vmem>> -> memref<128xi32, #tpu.memory_space<vmem>>
      %dma_start3A_43 = arith.constant 0 : i32
      %dma_start3A_44 = arith.constant 0 : i32
      %dma_start3A_45 = tpu.memref_slice %arg2[%dma_start3A_43, %dma_start3A_44] : memref<10000x128xf32, #tpu.memory_space<hbm>> -> memref<10000x128xf32, #tpu.memory_space<hbm>>
      tpu.enqueue_indirect_dma source(%dma_start3A_45 : memref<10000x128xf32, #tpu.memory_space<hbm>>) target(%arg8 : memref<128x128xf32, #tpu.memory_space<vmem>>) offsets(%dma_start3A_42 : memref<128xi32, #tpu.memory_space<vmem>>) semaphore(%arg12 : memref<!tpu.dma_semaphore, #tpu.memory_space<semaphore_mem>>)
      %dma_wait3A = arith.constant 0 : i32
      %dma_wait3A_46 = arith.constant 0 : i32
      %dma_wait3A_47 = tpu.memref_slice %arg7[%dma_wait3A, %dma_wait3A_46] : memref<2x128xi32, #tpu.memory_space<vmem>> -> memref<1x128xi32, #tpu.memory_space<vmem>>
      %dma_wait3A_48 = tpu.memref_squeeze %dma_wait3A_47 : memref<1x128xi32, #tpu.memory_space<vmem>> -> memref<128xi32, #tpu.memory_space<vmem>>
      %dma_wait3A_49 = arith.constant 0 : i32
      %dma_wait3A_50 = arith.constant 0 : i32
      %dma_wait3A_51 = tpu.memref_slice %arg2[%dma_wait3A_49, %dma_wait3A_50] : memref<10000x128xf32, #tpu.memory_space<hbm>> -> memref<10000x128xf32, #tpu.memory_space<hbm>>
      tpu.wait_indirect_dma semaphore(%arg12 : memref<!tpu.dma_semaphore, #tpu.memory_space<semaphore_mem>>) src(%dma_wait3A_51 : memref<10000x128xf32, #tpu.memory_space<hbm>>) dst(%arg8 : memref<128x128xf32, #tpu.memory_space<vmem>>)
      %run_scoped3A = arith.constant 1 : i32
      "tpu.region"() ({
        %run_scoped3A_52 = tpu.sem_alloc : memref<!tpu.dma_semaphore, #tpu.memory_space<semaphore_mem>>
        %dma_start3A_53 = arith.constant 0 : i32
        %dma_start3A_54 = tpu.memref_slice %arg7[%run_scoped3A, %dma_start3A_53] : memref<2x128xi32, #tpu.memory_space<vmem>> -> memref<1x128xi32, #tpu.memory_space<vmem>>
        %dma_start3A_55 = tpu.memref_squeeze %dma_start3A_54 : memref<1x128xi32, #tpu.memory_space<vmem>> -> memref<128xi32, #tpu.memory_space<vmem>>
        %dma_start3A_56 = arith.constant 0 : i32
        %dma_start3A_57 = arith.constant 0 : i32
        %dma_start3A_58 = tpu.memref_slice %arg11[%dma_start3A_56, %dma_start3A_57] : memref<6400x128xf32, #tpu.memory_space<vmem_shared>> -> memref<6400x128xf32, #tpu.memory_space<vmem_shared>>
        tpu.enqueue_indirect_dma source(%arg8 : memref<128x128xf32, #tpu.memory_space<vmem>>) target(%dma_start3A_58 : memref<6400x128xf32, #tpu.memory_space<vmem_shared>>) offsets(%dma_start3A_55 : memref<128xi32, #tpu.memory_space<vmem>>) semaphore(%run_scoped3A_52 : memref<!tpu.dma_semaphore, #tpu.memory_space<semaphore_mem>>) {add = true}
        %dma_wait3A_59 = arith.constant 0 : i32
        %dma_wait3A_60 = tpu.memref_slice %arg7[%run_scoped3A, %dma_wait3A_59] : memref<2x128xi32, #tpu.memory_space<vmem>> -> memref<1x128xi32, #tpu.memory_space<vmem>>
        %dma_wait3A_61 = tpu.memref_squeeze %dma_wait3A_60 : memref<1x128xi32, #tpu.memory_space<vmem>> -> memref<128xi32, #tpu.memory_space<vmem>>
        %dma_wait3A_62 = arith.constant 0 : i32
        %dma_wait3A_63 = arith.constant 0 : i32
        %dma_wait3A_64 = tpu.memref_slice %arg11[%dma_wait3A_62, %dma_wait3A_63] : memref<6400x128xf32, #tpu.memory_space<vmem_shared>> -> memref<6400x128xf32, #tpu.memory_space<vmem_shared>>
        tpu.wait_indirect_dma semaphore(%run_scoped3A_52 : memref<!tpu.dma_semaphore, #tpu.memory_space<semaphore_mem>>) src(%arg8 : memref<128x128xf32, #tpu.memory_space<vmem>>) dst(%dma_wait3A_64 : memref<6400x128xf32, #tpu.memory_space<vmem_shared>>)
        tpu.yield
      }) : () -> ()
    }
    %barrier3A_34 = arith.constant 0 : index
    tpu.barrier barrier_id(%barrier3A_34)
    %mul3A_35 = arith.constant 400 : i32
    %mul3A_36 = arith.muli %arg1, %mul3A_35 : i32
    %mul3A_37 = arith.constant 400 : i32
    %mul3A_38 = arith.muli %arg1, %mul3A_37 : i32
    "tpu.region"() ({
      %run_scoped3A = tpu.sem_alloc : memref<!tpu.dma_semaphore, #tpu.memory_space<semaphore_mem>>
      %dma_start3A = arith.constant 0 : i32
      %dma_start3A_39 = tpu.memref_slice %arg6[%arg0, %mul3A_38, %dma_start3A] : memref<2x6400x128xf32, #tpu.memory_space<hbm>> -> memref<1x400x128xf32, #tpu.memory_space<hbm>>
      %dma_start3A_40 = tpu.memref_squeeze %dma_start3A_39 : memref<1x400x128xf32, #tpu.memory_space<hbm>> -> memref<400x128xf32, #tpu.memory_space<hbm>>
      %dma_start3A_41 = arith.constant 0 : i32
      %dma_start3A_42 = tpu.memref_slice %arg11[%mul3A_36, %dma_start3A_41] : memref<6400x128xf32, #tpu.memory_space<vmem_shared>> -> memref<400x128xf32, #tpu.memory_space<vmem_shared>>
      tpu.enqueue_dma source(%dma_start3A_42 : memref<400x128xf32, #tpu.memory_space<vmem_shared>>) target(%dma_start3A_40 : memref<400x128xf32, #tpu.memory_space<hbm>>) target_semaphore(%run_scoped3A : memref<!tpu.dma_semaphore, #tpu.memory_space<semaphore_mem>>)
      %dma_wait3A = arith.constant 0 : i32
      %dma_wait3A_43 = tpu.memref_slice %arg6[%arg0, %mul3A_38, %dma_wait3A] : memref<2x6400x128xf32, #tpu.memory_space<hbm>> -> memref<1x400x128xf32, #tpu.memory_space<hbm>>
      %dma_wait3A_44 = tpu.memref_squeeze %dma_wait3A_43 : memref<1x400x128xf32, #tpu.memory_space<hbm>> -> memref<400x128xf32, #tpu.memory_space<hbm>>
      %dma_wait3A_45 = arith.constant 0 : i32
      %dma_wait3A_46 = tpu.memref_slice %arg11[%mul3A_36, %dma_wait3A_45] : memref<6400x128xf32, #tpu.memory_space<vmem_shared>> -> memref<400x128xf32, #tpu.memory_space<vmem_shared>>
      tpu.wait_dma2 semaphore(%run_scoped3A : memref<!tpu.dma_semaphore, #tpu.memory_space<semaphore_mem>>) src(%dma_wait3A_46 : memref<400x128xf32, #tpu.memory_space<vmem_shared>>) dst(%dma_wait3A_44 : memref<400x128xf32, #tpu.memory_space<hbm>>)
      tpu.yield
    }) : () -> ()
    return
  }
}

module attributes {stable_mosaic.version = 14 : i64} {
  func.func @_t1_body(%arg0: memref<2x6400x128xf32, #tpu.memory_space<vmem>>, %arg1: memref<10000x128xf32, #tpu.memory_space<vmem>>, %arg2: memref<128x128xf32, #tpu.memory_space<vmem>>, %arg3: memref<10000x128xf32, #tpu.memory_space<vmem>>, %arg4: memref<10000x128xf32, #tpu.memory_space<vmem>>) attributes {dimension_semantics = [], scalar_prefetch = 0 : i64, scratch_operands = 0 : i64, tpu.core_type = #tpu.core_type<tc>} {
    %get3A = arith.constant 0 : index
    %get3A_0 = arith.constant 0 : index
    %get3A_1 = arith.constant 0 : index
    %get3A_2 = vector.load %arg0[%get3A, %get3A_0, %get3A_1] : memref<2x6400x128xf32, #tpu.memory_space<vmem>>, vector<2x6400x128xf32>
    %slice3A = vector.extract_strided_slice %get3A_2 {offsets = [0, 0, 0], sizes = [1, 5120, 1], strides = [1, 1, 1]} : vector<2x6400x128xf32> to vector<1x5120x1xf32>
    %squeeze3A = vector.shape_cast %slice3A : vector<1x5120x1xf32> to vector<5120x1xf32>
    %slice3A_3 = vector.extract_strided_slice %get3A_2 {offsets = [1, 0, 0], sizes = [1, 4880, 1], strides = [1, 1, 1]} : vector<2x6400x128xf32> to vector<1x4880x1xf32>
    %squeeze3A_4 = vector.shape_cast %slice3A_3 : vector<1x4880x1xf32> to vector<4880x1xf32>
    %concatenate3A = tpu.concatenate %squeeze3A, %squeeze3A_4 in 0 : vector<5120x1xf32>, vector<4880x1xf32> -> vector<10000x1xf32>
    %add3A = arith.constant 1.000000e+00 : f32
    %add3A_5 = vector.broadcast %add3A : f32 to vector<10000x1xf32>
    %add3A_6 = arith.addf %concatenate3A, %add3A_5 : vector<10000x1xf32>
    %rsqrt3A = math.rsqrt %add3A_6 : vector<10000x1xf32>
    %broadcast_in_dim3A = vector.shape_cast %rsqrt3A : vector<10000x1xf32> to vector<10000x1xf32>
    %broadcast_in_dim3A_7 = vector.broadcast %broadcast_in_dim3A : vector<10000x1xf32> to vector<10000x128xf32>
    %swap3A = arith.constant 0 : index
    %swap3A_8 = arith.constant 0 : index
    %swap3A_9 = vector.load %arg3[%swap3A, %swap3A_8] : memref<10000x128xf32, #tpu.memory_space<vmem>>, vector<10000x128xf32>
    tpu.vector_store %arg3[%swap3A, %swap3A_8], %broadcast_in_dim3A_7 {strides = array<i32>} : memref<10000x128xf32, #tpu.memory_space<vmem>>, vector<10000x128xf32>,
    %get3A_10 = arith.constant 0 : index
    %get3A_11 = arith.constant 0 : index
    %get3A_12 = vector.load %arg1[%get3A_10, %get3A_11] : memref<10000x128xf32, #tpu.memory_space<vmem>>, vector<10000x128xf32>
    %get3A_13 = arith.constant 0 : index
    %get3A_14 = arith.constant 0 : index
    %get3A_15 = vector.load %arg2[%get3A_13, %get3A_14] : memref<128x128xf32, #tpu.memory_space<vmem>>, vector<128x128xf32>
    %dot_general3A = arith.constant dense<0.000000e+00> : vector<10000x128xf32>
    %dot_general3A_16 = tpu.matmul %get3A_12, %get3A_15, %dot_general3A {dimension_numbers = #tpu.dot_dimension_numbers<[1], [0], [0], [1], [0, 0, 1, 1], [], []>, transpose_lhs_hint = false} : vector<10000x128xf32>, vector<128x128xf32>, vector<10000x128xf32> -> vector<10000x128xf32>
    %mul3A = arith.mulf %dot_general3A_16, %broadcast_in_dim3A_7 : vector<10000x128xf32>
    %swap3A_17 = arith.constant 0 : index
    %swap3A_18 = arith.constant 0 : index
    %swap3A_19 = vector.load %arg4[%swap3A_17, %swap3A_18] : memref<10000x128xf32, #tpu.memory_space<vmem>>, vector<10000x128xf32>
    tpu.vector_store %arg4[%swap3A_17, %swap3A_18], %mul3A {strides = array<i32>} : memref<10000x128xf32, #tpu.memory_space<vmem>>, vector<10000x128xf32>,
    return
  }
}

module attributes {stable_mosaic.version = 14 : i64} {
  func.func @_t2_body(%arg0: memref<2x6400x128xf32, #tpu.memory_space<vmem>>, %arg1: memref<10000x128xf32, #tpu.memory_space<vmem>>, %arg2: memref<10000x128xf32, #tpu.memory_space<vmem>>, %arg3: memref<10000x128xf32, #tpu.memory_space<vmem>>, %arg4: memref<1x128xf32, #tpu.memory_space<vmem>>, %arg5: memref<1x128xf32, #tpu.memory_space<vmem>>, %arg6: memref<1x128xf32, #tpu.memory_space<vmem>>, %arg7: memref<128x128xf32, #tpu.memory_space<vmem>>, %arg8: memref<10000x128xf32, #tpu.memory_space<vmem>>, %arg9: memref<10000x128xf32, #tpu.memory_space<vmem>>) attributes {dimension_semantics = [], scalar_prefetch = 0 : i64, scratch_operands = 0 : i64, tpu.core_type = #tpu.core_type<tc>} {
    %get3A = arith.constant 0 : index
    %get3A_0 = arith.constant 0 : index
    %get3A_1 = arith.constant 0 : index
    %get3A_2 = vector.load %arg0[%get3A, %get3A_0, %get3A_1] : memref<2x6400x128xf32, #tpu.memory_space<vmem>>, vector<2x6400x128xf32>
    %slice3A = vector.extract_strided_slice %get3A_2 {offsets = [0, 0, 0], sizes = [1, 5120, 128], strides = [1, 1, 1]} : vector<2x6400x128xf32> to vector<1x5120x128xf32>
    %squeeze3A = vector.shape_cast %slice3A : vector<1x5120x128xf32> to vector<5120x128xf32>
    %slice3A_3 = vector.extract_strided_slice %get3A_2 {offsets = [1, 0, 0], sizes = [1, 4880, 128], strides = [1, 1, 1]} : vector<2x6400x128xf32> to vector<1x4880x128xf32>
    %squeeze3A_4 = vector.shape_cast %slice3A_3 : vector<1x4880x128xf32> to vector<4880x128xf32>
    %concatenate3A = tpu.concatenate %squeeze3A, %squeeze3A_4 in 0 : vector<5120x128xf32>, vector<4880x128xf32> -> vector<10000x128xf32>
    %get3A_5 = arith.constant 0 : index
    %get3A_6 = arith.constant 0 : index
    %get3A_7 = vector.load %arg3[%get3A_5, %get3A_6] : memref<10000x128xf32, #tpu.memory_space<vmem>>, vector<10000x128xf32>
    %get3A_8 = arith.constant 0 : index
    %get3A_9 = arith.constant 0 : index
    %get3A_10 = vector.load %arg1[%get3A_8, %get3A_9] : memref<10000x128xf32, #tpu.memory_space<vmem>>, vector<10000x128xf32>
    %add3A = arith.addf %concatenate3A, %get3A_10 : vector<10000x128xf32>
    %mul3A = arith.mulf %get3A_7, %add3A : vector<10000x128xf32>
    %get3A_11 = arith.constant 0 : index
    %get3A_12 = arith.constant 0 : index
    %get3A_13 = vector.load %arg4[%get3A_11, %get3A_12] : memref<1x128xf32, #tpu.memory_space<vmem>>, vector<1x128xf32>
    %add3A_14 = vector.broadcast %get3A_13 : vector<1x128xf32> to vector<10000x128xf32>
    %add3A_15 = arith.addf %mul3A, %add3A_14 : vector<10000x128xf32>
    %get3A_16 = arith.constant 0 : index
    %get3A_17 = arith.constant 0 : index
    %get3A_18 = vector.load %arg5[%get3A_16, %get3A_17] : memref<1x128xf32, #tpu.memory_space<vmem>>, vector<1x128xf32>
    %get3A_19 = arith.constant 0 : index
    %get3A_20 = arith.constant 0 : index
    %get3A_21 = vector.load %arg6[%get3A_19, %get3A_20] : memref<1x128xf32, #tpu.memory_space<vmem>>, vector<1x128xf32>
    %reduce_sum3A = arith.constant dense<0.000000e+00> : vector<10000xf32>
    %reduce_sum3A_22 = vector.multi_reduction <add>, %add3A_15, %reduce_sum3A [1] : vector<10000x128xf32> to vector<10000xf32>
    %broadcast_in_dim3A = vector.shape_cast %reduce_sum3A_22 : vector<10000xf32> to vector<10000x1xf32>
    %div3A = arith.constant 1.280000e+02 : f32
    %div3A_23 = vector.broadcast %div3A : f32 to vector<10000x1xf32>
    %div3A_24 = arith.divf %broadcast_in_dim3A, %div3A_23 : vector<10000x1xf32>
    %sub3A = vector.broadcast %div3A_24 : vector<10000x1xf32> to vector<10000x128xf32>
    %sub3A_25 = arith.subf %add3A_15, %sub3A : vector<10000x128xf32>
    %integer_pow3A = arith.mulf %sub3A_25, %sub3A_25 : vector<10000x128xf32>
    %reduce_sum3A_26 = arith.constant dense<0.000000e+00> : vector<10000xf32>
    %reduce_sum3A_27 = vector.multi_reduction <add>, %integer_pow3A, %reduce_sum3A_26 [1] : vector<10000x128xf32> to vector<10000xf32>
    %broadcast_in_dim3A_28 = vector.shape_cast %reduce_sum3A_27 : vector<10000xf32> to vector<10000x1xf32>
    %div3A_29 = arith.constant 1.280000e+02 : f32
    %div3A_30 = vector.broadcast %div3A_29 : f32 to vector<10000x1xf32>
    %div3A_31 = arith.divf %broadcast_in_dim3A_28, %div3A_30 : vector<10000x1xf32>
    %sub3A_32 = vector.broadcast %div3A_24 : vector<10000x1xf32> to vector<10000x128xf32>
    %sub3A_33 = arith.subf %add3A_15, %sub3A_32 : vector<10000x128xf32>
    %add3A_34 = arith.constant 9.99999974E-6 : f32
    %add3A_35 = vector.broadcast %add3A_34 : f32 to vector<10000x1xf32>
    %add3A_36 = arith.addf %div3A_31, %add3A_35 : vector<10000x1xf32>
    %rsqrt3A = math.rsqrt %add3A_36 : vector<10000x1xf32>
    %mul3A_37 = vector.broadcast %rsqrt3A : vector<10000x1xf32> to vector<10000x128xf32>
    %mul3A_38 = arith.mulf %sub3A_33, %mul3A_37 : vector<10000x128xf32>
    %mul3A_39 = vector.broadcast %get3A_18 : vector<1x128xf32> to vector<10000x128xf32>
    %mul3A_40 = arith.mulf %mul3A_38, %mul3A_39 : vector<10000x128xf32>
    %add3A_41 = vector.broadcast %get3A_21 : vector<1x128xf32> to vector<10000x128xf32>
    %add3A_42 = arith.addf %mul3A_40, %add3A_41 : vector<10000x128xf32>
    %max3A = arith.constant 0.000000e+00 : f32
    %max3A_43 = vector.broadcast %max3A : f32 to vector<10000x128xf32>
    %max3A_44 = arith.maximumf %add3A_42, %max3A_43 : vector<10000x128xf32>
    %get3A_45 = arith.constant 0 : index
    %get3A_46 = arith.constant 0 : index
    %get3A_47 = vector.load %arg2[%get3A_45, %get3A_46] : memref<10000x128xf32, #tpu.memory_space<vmem>>, vector<10000x128xf32>
    %add3A_48 = arith.addf %max3A_44, %get3A_47 : vector<10000x128xf32>
    %swap3A = arith.constant 0 : index
    %swap3A_49 = arith.constant 0 : index
    %swap3A_50 = vector.load %arg8[%swap3A, %swap3A_49] : memref<10000x128xf32, #tpu.memory_space<vmem>>, vector<10000x128xf32>
    tpu.vector_store %arg8[%swap3A, %swap3A_49], %add3A_48 {strides = array<i32>} : memref<10000x128xf32, #tpu.memory_space<vmem>>, vector<10000x128xf32>,
    %get3A_51 = arith.constant 0 : index
    %get3A_52 = arith.constant 0 : index
    %get3A_53 = vector.load %arg7[%get3A_51, %get3A_52] : memref<128x128xf32, #tpu.memory_space<vmem>>, vector<128x128xf32>
    %dot_general3A = arith.constant dense<0.000000e+00> : vector<10000x128xf32>
    %dot_general3A_54 = tpu.matmul %add3A_48, %get3A_53, %dot_general3A {dimension_numbers = #tpu.dot_dimension_numbers<[1], [0], [0], [1], [0, 0, 1, 1], [], []>, transpose_lhs_hint = false} : vector<10000x128xf32>, vector<128x128xf32>, vector<10000x128xf32> -> vector<10000x128xf32>
    %get3A_55 = arith.constant 0 : index
    %get3A_56 = arith.constant 0 : index
    %get3A_57 = vector.load %arg3[%get3A_55, %get3A_56] : memref<10000x128xf32, #tpu.memory_space<vmem>>, vector<10000x128xf32>
    %mul3A_58 = arith.mulf %dot_general3A_54, %get3A_57 : vector<10000x128xf32>
    %swap3A_59 = arith.constant 0 : index
    %swap3A_60 = arith.constant 0 : index
    %swap3A_61 = vector.load %arg9[%swap3A_59, %swap3A_60] : memref<10000x128xf32, #tpu.memory_space<vmem>>, vector<10000x128xf32>
    tpu.vector_store %arg9[%swap3A_59, %swap3A_60], %mul3A_58 {strides = array<i32>} : memref<10000x128xf32, #tpu.memory_space<vmem>>, vector<10000x128xf32>,
    return
  }
}

module attributes {stable_mosaic.version = 14 : i64} {
  func.func @_t2_body(%arg0: memref<2x6400x128xf32, #tpu.memory_space<vmem>>, %arg1: memref<10000x128xf32, #tpu.memory_space<vmem>>, %arg2: memref<10000x128xf32, #tpu.memory_space<vmem>>, %arg3: memref<10000x128xf32, #tpu.memory_space<vmem>>, %arg4: memref<1x128xf32, #tpu.memory_space<vmem>>, %arg5: memref<1x128xf32, #tpu.memory_space<vmem>>, %arg6: memref<1x128xf32, #tpu.memory_space<vmem>>, %arg7: memref<128x128xf32, #tpu.memory_space<vmem>>, %arg8: memref<10000x128xf32, #tpu.memory_space<vmem>>, %arg9: memref<10000x128xf32, #tpu.memory_space<vmem>>) attributes {dimension_semantics = [], scalar_prefetch = 0 : i64, scratch_operands = 0 : i64, tpu.core_type = #tpu.core_type<tc>} {
    %get3A = arith.constant 0 : index
    %get3A_0 = arith.constant 0 : index
    %get3A_1 = arith.constant 0 : index
    %get3A_2 = vector.load %arg0[%get3A, %get3A_0, %get3A_1] : memref<2x6400x128xf32, #tpu.memory_space<vmem>>, vector<2x6400x128xf32>
    %slice3A = vector.extract_strided_slice %get3A_2 {offsets = [0, 0, 0], sizes = [1, 5120, 128], strides = [1, 1, 1]} : vector<2x6400x128xf32> to vector<1x5120x128xf32>
    %squeeze3A = vector.shape_cast %slice3A : vector<1x5120x128xf32> to vector<5120x128xf32>
    %slice3A_3 = vector.extract_strided_slice %get3A_2 {offsets = [1, 0, 0], sizes = [1, 4880, 128], strides = [1, 1, 1]} : vector<2x6400x128xf32> to vector<1x4880x128xf32>
    %squeeze3A_4 = vector.shape_cast %slice3A_3 : vector<1x4880x128xf32> to vector<4880x128xf32>
    %concatenate3A = tpu.concatenate %squeeze3A, %squeeze3A_4 in 0 : vector<5120x128xf32>, vector<4880x128xf32> -> vector<10000x128xf32>
    %get3A_5 = arith.constant 0 : index
    %get3A_6 = arith.constant 0 : index
    %get3A_7 = vector.load %arg3[%get3A_5, %get3A_6] : memref<10000x128xf32, #tpu.memory_space<vmem>>, vector<10000x128xf32>
    %get3A_8 = arith.constant 0 : index
    %get3A_9 = arith.constant 0 : index
    %get3A_10 = vector.load %arg1[%get3A_8, %get3A_9] : memref<10000x128xf32, #tpu.memory_space<vmem>>, vector<10000x128xf32>
    %add3A = arith.addf %concatenate3A, %get3A_10 : vector<10000x128xf32>
    %mul3A = arith.mulf %get3A_7, %add3A : vector<10000x128xf32>
    %get3A_11 = arith.constant 0 : index
    %get3A_12 = arith.constant 0 : index
    %get3A_13 = vector.load %arg4[%get3A_11, %get3A_12] : memref<1x128xf32, #tpu.memory_space<vmem>>, vector<1x128xf32>
    %add3A_14 = vector.broadcast %get3A_13 : vector<1x128xf32> to vector<10000x128xf32>
    %add3A_15 = arith.addf %mul3A, %add3A_14 : vector<10000x128xf32>
    %get3A_16 = arith.constant 0 : index
    %get3A_17 = arith.constant 0 : index
    %get3A_18 = vector.load %arg5[%get3A_16, %get3A_17] : memref<1x128xf32, #tpu.memory_space<vmem>>, vector<1x128xf32>
    %get3A_19 = arith.constant 0 : index
    %get3A_20 = arith.constant 0 : index
    %get3A_21 = vector.load %arg6[%get3A_19, %get3A_20] : memref<1x128xf32, #tpu.memory_space<vmem>>, vector<1x128xf32>
    %reduce_sum3A = arith.constant dense<0.000000e+00> : vector<10000xf32>
    %reduce_sum3A_22 = vector.multi_reduction <add>, %add3A_15, %reduce_sum3A [1] : vector<10000x128xf32> to vector<10000xf32>
    %broadcast_in_dim3A = vector.shape_cast %reduce_sum3A_22 : vector<10000xf32> to vector<10000x1xf32>
    %div3A = arith.constant 1.280000e+02 : f32
    %div3A_23 = vector.broadcast %div3A : f32 to vector<10000x1xf32>
    %div3A_24 = arith.divf %broadcast_in_dim3A, %div3A_23 : vector<10000x1xf32>
    %sub3A = vector.broadcast %div3A_24 : vector<10000x1xf32> to vector<10000x128xf32>
    %sub3A_25 = arith.subf %add3A_15, %sub3A : vector<10000x128xf32>
    %integer_pow3A = arith.mulf %sub3A_25, %sub3A_25 : vector<10000x128xf32>
    %reduce_sum3A_26 = arith.constant dense<0.000000e+00> : vector<10000xf32>
    %reduce_sum3A_27 = vector.multi_reduction <add>, %integer_pow3A, %reduce_sum3A_26 [1] : vector<10000x128xf32> to vector<10000xf32>
    %broadcast_in_dim3A_28 = vector.shape_cast %reduce_sum3A_27 : vector<10000xf32> to vector<10000x1xf32>
    %div3A_29 = arith.constant 1.280000e+02 : f32
    %div3A_30 = vector.broadcast %div3A_29 : f32 to vector<10000x1xf32>
    %div3A_31 = arith.divf %broadcast_in_dim3A_28, %div3A_30 : vector<10000x1xf32>
    %sub3A_32 = vector.broadcast %div3A_24 : vector<10000x1xf32> to vector<10000x128xf32>
    %sub3A_33 = arith.subf %add3A_15, %sub3A_32 : vector<10000x128xf32>
    %add3A_34 = arith.constant 9.99999974E-6 : f32
    %add3A_35 = vector.broadcast %add3A_34 : f32 to vector<10000x1xf32>
    %add3A_36 = arith.addf %div3A_31, %add3A_35 : vector<10000x1xf32>
    %rsqrt3A = math.rsqrt %add3A_36 : vector<10000x1xf32>
    %mul3A_37 = vector.broadcast %rsqrt3A : vector<10000x1xf32> to vector<10000x128xf32>
    %mul3A_38 = arith.mulf %sub3A_33, %mul3A_37 : vector<10000x128xf32>
    %mul3A_39 = vector.broadcast %get3A_18 : vector<1x128xf32> to vector<10000x128xf32>
    %mul3A_40 = arith.mulf %mul3A_38, %mul3A_39 : vector<10000x128xf32>
    %add3A_41 = vector.broadcast %get3A_21 : vector<1x128xf32> to vector<10000x128xf32>
    %add3A_42 = arith.addf %mul3A_40, %add3A_41 : vector<10000x128xf32>
    %max3A = arith.constant 0.000000e+00 : f32
    %max3A_43 = vector.broadcast %max3A : f32 to vector<10000x128xf32>
    %max3A_44 = arith.maximumf %add3A_42, %max3A_43 : vector<10000x128xf32>
    %get3A_45 = arith.constant 0 : index
    %get3A_46 = arith.constant 0 : index
    %get3A_47 = vector.load %arg2[%get3A_45, %get3A_46] : memref<10000x128xf32, #tpu.memory_space<vmem>>, vector<10000x128xf32>
    %add3A_48 = arith.addf %max3A_44, %get3A_47 : vector<10000x128xf32>
    %swap3A = arith.constant 0 : index
    %swap3A_49 = arith.constant 0 : index
    %swap3A_50 = vector.load %arg8[%swap3A, %swap3A_49] : memref<10000x128xf32, #tpu.memory_space<vmem>>, vector<10000x128xf32>
    tpu.vector_store %arg8[%swap3A, %swap3A_49], %add3A_48 {strides = array<i32>} : memref<10000x128xf32, #tpu.memory_space<vmem>>, vector<10000x128xf32>,
    %get3A_51 = arith.constant 0 : index
    %get3A_52 = arith.constant 0 : index
    %get3A_53 = vector.load %arg7[%get3A_51, %get3A_52] : memref<128x128xf32, #tpu.memory_space<vmem>>, vector<128x128xf32>
    %dot_general3A = arith.constant dense<0.000000e+00> : vector<10000x128xf32>
    %dot_general3A_54 = tpu.matmul %add3A_48, %get3A_53, %dot_general3A {dimension_numbers = #tpu.dot_dimension_numbers<[1], [0], [0], [1], [0, 0, 1, 1], [], []>, transpose_lhs_hint = false} : vector<10000x128xf32>, vector<128x128xf32>, vector<10000x128xf32> -> vector<10000x128xf32>
    %get3A_55 = arith.constant 0 : index
    %get3A_56 = arith.constant 0 : index
    %get3A_57 = vector.load %arg3[%get3A_55, %get3A_56] : memref<10000x128xf32, #tpu.memory_space<vmem>>, vector<10000x128xf32>
    %mul3A_58 = arith.mulf %dot_general3A_54, %get3A_57 : vector<10000x128xf32>
    %swap3A_59 = arith.constant 0 : index
    %swap3A_60 = arith.constant 0 : index
    %swap3A_61 = vector.load %arg9[%swap3A_59, %swap3A_60] : memref<10000x128xf32, #tpu.memory_space<vmem>>, vector<10000x128xf32>
    tpu.vector_store %arg9[%swap3A_59, %swap3A_60], %mul3A_58 {strides = array<i32>} : memref<10000x128xf32, #tpu.memory_space<vmem>>, vector<10000x128xf32>,
    return
  }
}

module attributes {stable_mosaic.version = 14 : i64} {
  func.func @_t3_body(%arg0: memref<2x6400x128xf32, #tpu.memory_space<vmem>>, %arg1: memref<10000x128xf32, #tpu.memory_space<vmem>>, %arg2: memref<10000x128xf32, #tpu.memory_space<vmem>>, %arg3: memref<1x128xf32, #tpu.memory_space<vmem>>, %arg4: memref<1x128xf32, #tpu.memory_space<vmem>>, %arg5: memref<1x128xf32, #tpu.memory_space<vmem>>, %arg6: memref<10000x1xi32, #tpu.memory_space<vmem>>, %arg7: memref<64x128xf32, #tpu.memory_space<vmem>>) attributes {dimension_semantics = [], scalar_prefetch = 0 : i64, scratch_operands = 0 : i64, tpu.core_type = #tpu.core_type<tc>} {
    %get3A = arith.constant 0 : index
    %get3A_0 = arith.constant 0 : index
    %get3A_1 = arith.constant 0 : index
    %get3A_2 = vector.load %arg0[%get3A, %get3A_0, %get3A_1] : memref<2x6400x128xf32, #tpu.memory_space<vmem>>, vector<2x6400x128xf32>
    %slice3A = vector.extract_strided_slice %get3A_2 {offsets = [0, 0, 0], sizes = [1, 5120, 128], strides = [1, 1, 1]} : vector<2x6400x128xf32> to vector<1x5120x128xf32>
    %squeeze3A = vector.shape_cast %slice3A : vector<1x5120x128xf32> to vector<5120x128xf32>
    %slice3A_3 = vector.extract_strided_slice %get3A_2 {offsets = [1, 0, 0], sizes = [1, 4880, 128], strides = [1, 1, 1]} : vector<2x6400x128xf32> to vector<1x4880x128xf32>
    %squeeze3A_4 = vector.shape_cast %slice3A_3 : vector<1x4880x128xf32> to vector<4880x128xf32>
    %concatenate3A = tpu.concatenate %squeeze3A, %squeeze3A_4 in 0 : vector<5120x128xf32>, vector<4880x128xf32> -> vector<10000x128xf32>
    %get3A_5 = arith.constant 0 : index
    %get3A_6 = arith.constant 0 : index
    %get3A_7 = vector.load %arg2[%get3A_5, %get3A_6] : memref<10000x128xf32, #tpu.memory_space<vmem>>, vector<10000x128xf32>
    %get3A_8 = arith.constant 0 : index
    %get3A_9 = arith.constant 0 : index
    %get3A_10 = vector.load %arg1[%get3A_8, %get3A_9] : memref<10000x128xf32, #tpu.memory_space<vmem>>, vector<10000x128xf32>
    %add3A = arith.addf %concatenate3A, %get3A_10 : vector<10000x128xf32>
    %mul3A = arith.mulf %get3A_7, %add3A : vector<10000x128xf32>
    %get3A_11 = arith.constant 0 : index
    %get3A_12 = arith.constant 0 : index
    %get3A_13 = vector.load %arg3[%get3A_11, %get3A_12] : memref<1x128xf32, #tpu.memory_space<vmem>>, vector<1x128xf32>
    %add3A_14 = vector.broadcast %get3A_13 : vector<1x128xf32> to vector<10000x128xf32>
    %add3A_15 = arith.addf %mul3A, %add3A_14 : vector<10000x128xf32>
    %get3A_16 = arith.constant 0 : index
    %get3A_17 = arith.constant 0 : index
    %get3A_18 = vector.load %arg4[%get3A_16, %get3A_17] : memref<1x128xf32, #tpu.memory_space<vmem>>, vector<1x128xf32>
    %get3A_19 = arith.constant 0 : index
    %get3A_20 = arith.constant 0 : index
    %get3A_21 = vector.load %arg5[%get3A_19, %get3A_20] : memref<1x128xf32, #tpu.memory_space<vmem>>, vector<1x128xf32>
    %reduce_sum3A = arith.constant dense<0.000000e+00> : vector<10000xf32>
    %reduce_sum3A_22 = vector.multi_reduction <add>, %add3A_15, %reduce_sum3A [1] : vector<10000x128xf32> to vector<10000xf32>
    %broadcast_in_dim3A = vector.shape_cast %reduce_sum3A_22 : vector<10000xf32> to vector<10000x1xf32>
    %div3A = arith.constant 1.280000e+02 : f32
    %div3A_23 = vector.broadcast %div3A : f32 to vector<10000x1xf32>
    %div3A_24 = arith.divf %broadcast_in_dim3A, %div3A_23 : vector<10000x1xf32>
    %sub3A = vector.broadcast %div3A_24 : vector<10000x1xf32> to vector<10000x128xf32>
    %sub3A_25 = arith.subf %add3A_15, %sub3A : vector<10000x128xf32>
    %integer_pow3A = arith.mulf %sub3A_25, %sub3A_25 : vector<10000x128xf32>
    %reduce_sum3A_26 = arith.constant dense<0.000000e+00> : vector<10000xf32>
    %reduce_sum3A_27 = vector.multi_reduction <add>, %integer_pow3A, %reduce_sum3A_26 [1] : vector<10000x128xf32> to vector<10000xf32>
    %broadcast_in_dim3A_28 = vector.shape_cast %reduce_sum3A_27 : vector<10000xf32> to vector<10000x1xf32>
    %div3A_29 = arith.constant 1.280000e+02 : f32
    %div3A_30 = vector.broadcast %div3A_29 : f32 to vector<10000x1xf32>
    %div3A_31 = arith.divf %broadcast_in_dim3A_28, %div3A_30 : vector<10000x1xf32>
    %sub3A_32 = vector.broadcast %div3A_24 : vector<10000x1xf32> to vector<10000x128xf32>
    %sub3A_33 = arith.subf %add3A_15, %sub3A_32 : vector<10000x128xf32>
    %add3A_34 = arith.constant 9.99999974E-6 : f32
    %add3A_35 = vector.broadcast %add3A_34 : f32 to vector<10000x1xf32>
    %add3A_36 = arith.addf %div3A_31, %add3A_35 : vector<10000x1xf32>
    %rsqrt3A = math.rsqrt %add3A_36 : vector<10000x1xf32>
    %mul3A_37 = vector.broadcast %rsqrt3A : vector<10000x1xf32> to vector<10000x128xf32>
    %mul3A_38 = arith.mulf %sub3A_33, %mul3A_37 : vector<10000x128xf32>
    %mul3A_39 = vector.broadcast %get3A_18 : vector<1x128xf32> to vector<10000x128xf32>
    %mul3A_40 = arith.mulf %mul3A_38, %mul3A_39 : vector<10000x128xf32>
    %add3A_41 = vector.broadcast %get3A_21 : vector<1x128xf32> to vector<10000x128xf32>
    %add3A_42 = arith.addf %mul3A_40, %add3A_41 : vector<10000x128xf32>
    %get3A_43 = arith.constant 0 : index
    %get3A_44 = arith.constant 0 : index
    %get3A_45 = vector.load %arg6[%get3A_43, %get3A_44] : memref<10000x1xi32, #tpu.memory_space<vmem>>, vector<10000x1xi32>
    %iota3A = tpu.iota {dimensions = array<i32: 1>} : vector<10000x64xi32>
    %eq3A = vector.broadcast %get3A_45 : vector<10000x1xi32> to vector<10000x64xi32>
    %eq3A_46 = arith.cmpi eq, %eq3A, %iota3A : vector<10000x64xi32>
    %convert_element_type3A = arith.extui %eq3A_46 : vector<10000x64xi1> to vector<10000x64xi32>
    %convert_element_type3A_47 = arith.sitofp %convert_element_type3A : vector<10000x64xi32> to vector<10000x64xf32>
    %dot_general3A = arith.constant dense<0.000000e+00> : vector<64x128xf32>
    %dot_general3A_48 = tpu.matmul %convert_element_type3A_47, %add3A_42, %dot_general3A {dimension_numbers = #tpu.dot_dimension_numbers<[0], [0], [1], [1], [0, 1, 1, 1], [], []>, transpose_lhs_hint = false} : vector<10000x64xf32>, vector<10000x128xf32>, vector<64x128xf32> -> vector<64x128xf32>
    %broadcast_in_dim3A_49 = arith.constant 1.000000e+00 : f32
    %broadcast_in_dim3A_50 = vector.broadcast %broadcast_in_dim3A_49 : f32 to vector<10000x1xf32>
    %dot_general3A_51 = arith.constant dense<0.000000e+00> : vector<64x1xf32>
    %dot_general3A_52 = tpu.matmul %convert_element_type3A_47, %broadcast_in_dim3A_50, %dot_general3A_51 {dimension_numbers = #tpu.dot_dimension_numbers<[0], [0], [1], [1], [0, 1, 1, 1], [], []>, transpose_lhs_hint = false} : vector<10000x64xf32>, vector<10000x1xf32>, vector<64x1xf32> -> vector<64x1xf32>
    %max3A = arith.constant 1.000000e+00 : f32
    %max3A_53 = vector.broadcast %max3A : f32 to vector<64x1xf32>
    %max3A_54 = arith.maximumf %dot_general3A_52, %max3A_53 : vector<64x1xf32>
    %div3A_55 = vector.broadcast %max3A_54 : vector<64x1xf32> to vector<64x128xf32>
    %div3A_56 = arith.divf %dot_general3A_48, %div3A_55 : vector<64x128xf32>
    %swap3A = arith.constant 0 : index
    %swap3A_57 = arith.constant 0 : index
    %swap3A_58 = vector.load %arg7[%swap3A, %swap3A_57] : memref<64x128xf32, #tpu.memory_space<vmem>>, vector<64x128xf32>
    tpu.vector_store %arg7[%swap3A, %swap3A_57], %div3A_56 {strides = array<i32>} : memref<64x128xf32, #tpu.memory_space<vmem>>, vector<64x128xf32>,
    return
  }
}

</mosaic_0001>

<sc_bundles>
// kernel: kernel.11.cloned.1.call-start
scs
__scs_entry_jumppad:
0x0: {  	(pc) =	sbr.rel $0x88, $3  }
0x1: {  	(tag) =	ssettag $0x0;
	lr =	simm.s32 $0x1  }
0x2: {  	[smem:$0x3F92] =	sst lr;
	_ =	strace $0xD0000000  }
0x3: {  	_ = 	snop  }
0x4: {  	_ = 	snop  }
0x5: {  	_ = 	snop  }
0x6: {  	_ = 	snop  }
0x7: {  	_ = 	snop  }
__scs_overlays_trampoline_lowered:
0x8: {  	[smem:$0x3FA1] =	sst s0  }
0x9: {  	[smem:$0x3FA2] =	sst s1  }
0xa: {  	[smem:$0x3FA3] =	sst s2  }
0xb: {  	[smem:$0x3FA4] =	sst s3  }
0xc: {  	[smem:$0x3FA5] =	sst s4  }
0xd: {  	[smem:$0x3FA6] =	sst s5  }
0xe: {  	[smem:$0x3FA7] =	sst s6  }
0xf: {  	[smem:$0x3FA8] =	sst s7  }
0x10: {  	[smem:$0x3FA9] =	sst s8  }
0x11: {  	[smem:$0x3FAA] =	sst s9;
	s0 =	simm.s32 @!p0 $0x0  }
0x12: {  	s1 =	sld [smem:$0x3F90];
	s0 =	simm.s32 @p0 $0x1  }
0x13: {  	[smem:$0x3FAB] =	sst s0;
	s0 =	simm.s32 @!p1 $0x0  }
0x14: {  	s2 =	sld [smem:$0x3F8F];
	s0 =	simm.s32 @p1 $0x1  }
0x15: {  	[smem:$0x3FAC] =	sst s0;
	s0 =	simm.s32 @!p2 $0x0  }
0x16: {  	s3 =	sld [smem:$0x3FDB];
	s0 =	simm.s32 @p2 $0x1  }
0x17: {  	s4 =	simm.s32 $0x1BF5;
	[smem:$0x3FAE] =	sst s0  }
0x18: {  	s0 =	sld [smem:$0x3F91];
	_ =	swait.ge [sflag:s4], $0x0  }
0x19: {  	s7 =	sld [smem:$0x3F92]  }
0x1a: {  	s8 =	sadd.s32 $0xFFFFE003, lr  }
0x1b: {  	s9 =	sadd.s32 $0xFFFFFEF7, lr;
	s5 =	simm.s32 $0xFFFFFFFF;
	p2 =	slt.u32 s8, $0xFFFFF086  }
0x1c: {  	p1 =	slt.u32 s9, $0xF7A;
	s5 =	simm.s32 @!p2 $0x0  }
0x1d: {  	s5 =	simm.s32 @p1 $0x1;
	p0 =	seq.s32 s7, s2  }
0x1e: {  	s7 =	smul.u32 @!p0 $0xF7A, s2;
	p2 =	seq.s32 @!p0 s5, $0x0  }
0x1f: {  	s9 =	smul.u32 $0xF7A, s1;
	s8 =	simm.s32 @!p0 $0x1BF5;
	p2 =	por !p2, p0  }
0x20: {  	[sflag:s8] =	ssyncset.s32 @!p0 $0xFFFFF086;
	s6 =	sadd.s32 @!p0 s3, s7;
	s7 =	simm.s32 @!p0 $0x108  }
0x21: {  	s3 =	sadd.s32 s3, s9;
	s6 =	sadd.s32 @!p0 $0x88, s6;
	s7 =	simm.s32 @p2 $0x1082  }
0x22: {  	[simem:s7], [sflag:s8] =	dma.local @!p0 [hbm:s6], $0xF7A  }
0x23: {  	s9 =	sor.u32 $0xD0000000, s2;
	s6 =	simm.s32 $0x108;
	_ =	swait.ge @!p0 [sflag:s8], $0x0  }
0x24: {  	s3 =	sadd.s32 $0x88, s3;
	s6 =	simm.s32 @!p1 $0x1082;
	[sflag:s4] =	ssyncset.s32 $0xFFFFF086  }
0x25: {  	[simem:s6], [sflag:s4] =	dma.local [hbm:s3], $0xF7A  }
0x26: {  	[smem:$0x3F92] =	sst s1;
	(tag) =	ssettag s2;
	_ =	strace s9  }
0x27: {  	s1 =	sld [smem:$0x3FA2]  }
0x28: {  	s2 =	sld [smem:$0x3FA3]  }
0x29: {  	s4 =	sld [smem:$0x3FA5]  }
0x2a: {  	p0 =	seq.s32 s5, $0x0;
	s5 =	sld [smem:$0x3FA6]  }
0x2b: {  	s6 =	sld [smem:$0x3FA7]  }
0x2c: {  	s7 =	sld [smem:$0x3FA8]  }
0x2d: {  	s3 =	simm.s32 $0x108;
	s8 =	sld [smem:$0x3FA9]  }
0x2e: {  	s3 =	simm.s32 @!p0 $0x1082;
	s9 =	sld [smem:$0x3FAA]  }
0x2f: {  	lr =	sadd.s32 s0, s3;
	s0 =	sld [smem:$0x3FA1]  }
0x30: {  	s3 =	sld [smem:$0x3FA4]  }
0x31: {  	[smem:$0x3FAD] =	sst s10  }
0x32: {  	s10 =	sld [smem:$0x3FAB];
	_ =	sdelay $0x3  }
0x33: {  	p0 =	seq.s32 s10, $0x1;
	s10 =	sld [smem:$0x3FAD];
	_ =	sdelay $0x3  }
0x34: {  	[smem:$0x3FAD] =	sst s10  }
0x35: {  	s10 =	sld [smem:$0x3FAC];
	_ =	sdelay $0x3  }
0x36: {  	p1 =	seq.s32 s10, $0x1;
	s10 =	sld [smem:$0x3FAD];
	_ =	sdelay $0x3  }
0x37: {  	[smem:$0x3FAD] =	sst s10  }
0x38: {  	s10 =	sld [smem:$0x3FAE]  }
0x39: {  	_ = 	snop;
	(pc) =	sbr.ind lr, $3  }
0x3a: {  	_ = 	snop  }
0x3b: {  	_ = 	snop  }
0x3c: {  	p2 =	seq.s32 s10, $0x1;
	s10 =	sld [smem:$0x3FAD]  }
0x3d: {  	_ =	shalt  }
0x3e: {  	_ =	shalt  }
0x3f: {  	_ =	shalt  }
0x40: {  	_ =	shalt  }
0x41: {  	_ =	shalt  }
0x42: {  	_ =	shalt  }
0x43: {  	_ =	shalt  }
0x44: {  	_ =	shalt  }
0x45: {  	_ =	shalt  }
0x46: {  	_ =	shalt  }
0x47: {  	_ =	shalt  }
0x48: {  	_ =	shalt  }
0x49: {  	_ =	shalt  }
0x4a: {  	_ =	shalt  }
0x4b: {  	_ =	shalt  }
0x4c: {  	_ =	shalt  }
0x4d: {  	_ =	shalt  }
0x4e: {  	_ =	shalt  }
0x4f: {  	_ =	shalt  }
0x50: {  	_ =	shalt  }
0x51: {  	_ =	shalt  }
0x52: {  	_ =	shalt  }
0x53: {  	_ =	shalt  }
0x54: {  	_ =	shalt  }
0x55: {  	_ =	shalt  }
0x56: {  	_ =	shalt  }
0x57: {  	_ =	shalt  }
0x58: {  	_ =	shalt  }
0x59: {  	_ =	shalt  }
0x5a: {  	_ =	shalt  }
0x5b: {  	_ =	shalt  }
0x5c: {  	_ =	shalt  }
0x5d: {  	_ =	shalt  }
0x5e: {  	_ =	shalt  }
0x5f: {  	_ =	shalt  }
0x60: {  	_ =	shalt  }
0x61: {  	_ =	shalt  }
0x62: {  	_ =	shalt  }
0x63: {  	_ =	shalt  }
0x64: {  	_ =	shalt  }
0x65: {  	_ =	shalt  }
0x66: {  	_ =	shalt  }
0x67: {  	_ =	shalt  }
0x68: {  	_ =	shalt  }
0x69: {  	_ =	shalt  }
0x6a: {  	_ =	shalt  }
0x6b: {  	_ =	shalt  }
0x6c: {  	_ =	shalt  }
0x6d: {  	_ =	shalt  }
0x6e: {  	_ =	shalt  }
0x6f: {  	_ =	shalt  }
0x70: {  	_ =	shalt  }
0x71: {  	_ =	shalt  }
0x72: {  	_ =	shalt  }
0x73: {  	_ =	shalt  }
0x74: {  	_ =	shalt  }
0x75: {  	_ =	shalt  }
0x76: {  	_ =	shalt  }
0x77: {  	_ =	shalt  }
0x78: {  	_ =	shalt  }
0x79: {  	_ =	shalt  }
0x7a: {  	_ =	shalt  }
0x7b: {  	_ =	shalt  }
0x7c: {  	_ =	shalt  }
0x7d: {  	_ =	shalt  }
0x7e: {  	_ =	shalt  }
0x7f: {  	_ =	shalt  }
0x80: {  	_ =	shalt  }
0x81: {  	_ =	shalt  }
0x82: {  	_ =	shalt  }
0x83: {  	_ =	shalt  }
0x84: {  	_ =	shalt  }
0x85: {  	_ =	shalt  }
0x86: {  	_ =	shalt  }
0x87: {  	_ =	shalt  }
.Lfunc_end0:
.L_simem_size_0:
called_computation_lowered:
.L_overlay_start_0:
0x88: {  	s2 =	sld [smem:$0x3FD9]  }
0x89: {  	s3 =	sld [smem:$0x3FFE];
	_ =	sdelay $0x1  }
0x8a: {  	s1 =	srdreg.scid  }
0x8b: {  	s0 =	sand.u32 $0x1, s1  }
0x8c: {  	s17 =	sshll.u32 s0, $0xA;
	s2 =	sadd.s32 s3, s2  }
0x8d: {  	s2 =	sadd.s32 s2, s17  }
0x8e: {  	[smem:$0x3FB9] =	sst s2  }
0x8f: {  	_ = 	snop  }
0x90: {  	s2 =	sld [smem:$0x3FD0];
	(tm) =	ssettm $0x1  }
0x91: {  	s18 =	sld [smem:$0x3FFB];
	_ =	sdelay $0x3  }
0x92: {  	_ =	strace s18  }
0x93: {  	s3 =	sld [smem:$0x3FFC];
	_ =	sdelay $0x3  }
0x94: {  	_ =	strace s3  }
0x95: {  	s3 =	sld [smem:$0x3FFD];
	_ =	sdelay $0x3  }
0x96: {  	_ =	strace s3  }
0x97: {  	_ =	strace $0x8FFFFFFF  }
0x98: {  	s19 =	sld [smem:$0x3FDB];
	_ =	sdelay $0x1  }
0x99: {  	s4 =	simm.s32 $_scs_section_size  }
0x9a: {  	s5 =	simm.s32 $_size__tile_overlayer_lowered;
	s6 =	simm.s32 $_tile_overlayer_lowered  }
0x9b: {  	s22 =	simm.s32 $0x1BFF;
	s21 =	sshll.u32 s6, $0x1;
	s3 =	sadd.s32 s4, s19  }
0x9c: {  	s7 =	simm.s32 $0x0;
	s20 =	sshll.u32 s5, $0x1;
	s5 =	sadd.s32 s21, s3  }
0x9d: {  	[timem:s7], [sflag:s22] =	dma.local [hbm:s5], s20  }
0x9e: {  	_ =	swait.ge [sflag:s22], s20  }
0x9f: {  	s4 =	ssub.s32 $0x0, s20;
	[sflag:s22] =	ssyncset.done $0x0  }
0xa0: {  	[sflag:s22] =	ssyncadd.s32 s4;
	_ =	sdelay $0x1  }
0xa1: {  	s23 =	simm.s32 $0x1B8B  }
0xa2: {  	_ =	swait.ge [sflag:s23], $0x1  }
0xa3: {  	[sflag:s23] =	ssyncset.done $0x0  }
0xa4: {  	s25 =	simm.s32 $0x1B8E;
	s24 =	sld [smem:$0x3FFE];
	[sflag:s23] =	ssyncadd.s32 $0xFFFFFFFF  }
0xa5: {  	s26 =	simm.s32 $execute0_lowered;
	[smem:$0x3FD2] =	sst s25  }
0xa6: {  	s5 =	sshll.u32 s26, $0x1;
	_ =	strace $0x80000046;
	[dreg:$0x1] =	wrdreg $0xFFFFFFFF  }
0xa7: {  	s28 =	simm.s32 $_size_execute0_lowered;
	s3 =	sadd.s32 s3, s5;
	[dreg:$0x0] =	wrdreg $0x0  }
0xa8: {  	s5 =	sshll.u32 s28, $0x1;
	[dreg:$0x2] =	wrdreg s3  }
0xa9: {  	[dreg:$0x3] =	wrdreg s5  }
0xaa: {  	[dreg:$0x4] =	wrdreg $0xC0  }
0xab: {  	_ =	task [dreg:s7], $0x5FFFF  }
0xac: {  	[dreg:$0x1] =	wrdreg $0xFFFFFFFF  }
0xad: {  	[dreg:$0x0] =	wrdreg $0x60  }
0xae: {  	[dreg:$0x2] =	wrdreg s24  }
0xaf: {  	[dreg:$0x3] =	wrdreg s2  }
0xb0: {  	[dreg:$0x4] =	wrdreg $0x9  }
0xb1: {  	_ =	task.clear_ibuf [dreg:s7], $0x5FFFF;
	_ =	strace $0x90000046  }
0xb2: {  	s29 =	simm.s32 $0x9;
	_ =	strace $0x80000048  }
0xb3: {  	_ =	swait.ge [sflag:s29], $0x1  }
0xb4: {  	[sflag:s29] =	ssyncadd.s32 $0xFFFFFFFF  }
0xb5: {  	_ =	strace $0x90000048  }
0xb6: {  	_ =	sfence  }
0xb7: {  	s30 =	sld [smem:$0x0];
	_ =	sdelay $0x2  }
0xb8: {  	s31 =	sshll.u32 s1, $0xD;
	s1 =	sshrl.u32 s1, $0x2  }
0xb9: {  	s3 =	sand.u32 $0x4000, s31;
	s1 =	sadd.s32 s1, s30  }
0xba: {  	s0 =	sor.u32 s3, s0;
	s1 =	sshll.u32 s1, $0x11  }
0xbb: {  	s0 =	sor.u32 s1, s0  }
0xbc: {  	s0 =	sadd.s32 $0x8F2B, s0  }
0xbd: {  	[sflag:s0] =	ssyncadd.remote.s32 $0x1  }
0xbe: {  	_ =	sfence.sel $0xFFFF  }
0xbf: {  	[dreg:$0x0] =	wrdreg $0xFFFFFFFF;
	(pc) =	sbr.abs _section_cstart, $3  }
0xc0: {  	[dreg:$0x1] =	wrdreg $0xFFFFFFFF  }
0xc1: {  	_ =	task.clear_ibuf [dreg:s7], $0x2FFFF;
	_ =	strace $0x9FFFFFFF  }
0xc2: {  	(tm) =	ssettm $0x7FFFFFFF  }
0xc3: {  	_ =	shalt  }
tec
execute0_lowered:
.L_overlay_start_1:
0x0: {  	(tag) =	ssettag $0x1  }
0x1: {  	s3 =	rddreg [dreg:$0x0];
	s0 =	stileid.u32  }
0x2: {  	s5 =	rddreg [dreg:$0x1];
	s1 =	srdreg.scid  }
0x3: {  	s13 =	simm.s32 $0x13B00;
	s14 =	simm.s32 $0x0;
	s4 =	sshrl.u32 s0, $0x3  }
0x4: {  	s2 =	sshll.u32 s0, $0x7;
	s7 =	sand.u32 $0x1, s1;
	s6 =	smul.u32 $0x27400, s4  }
0x5: {  	s1 =	rddreg [dreg:$0x2];
	s8 =	sand.u32 $0x380, s2;
	s9 =	smul.u32 $0x9E000, s7  }
0x6: {  	s2 =	simm.s32 $0x0;
	s10 =	smul.u32 $0x4F000, s4;
	s28 =	sshll.u32 s7, $0xB  }
0x7: {  	s4 =	sshll.u32 s4, $0xA;
	s11 =	ssub.s32 $0x2, s7;
	s12 =	smul.u32 $0xFFFFEC00, s7  }
0x8: {  	[smem:$0x7FF] =	sst s2;
	s4 =	sor.u32 s28, s4;
	s29 =	sshrl.u32 s11, $0x1  }
0x9: {  	s6 =	sor.u32 s8, s6;
	_ =	strace $0x80000047;
	s9 =	sadd.s32 s9, s10  }
0xa: {  	s4 =	sor.u32 s8, s4;
	s30 =	ssub.s32 s11, s29;
	s10 =	simm.s32 $0x1  }
0xb: {  	s11 =	simm.s32 $0x4E80;
	v0 =	vmov s12;
	s12 =	simm.s32 $0x9D00;
	s6 =	sshrl.u32 s6, $0x3  }
0xc: {  	s9 =	sor.u32 s8, s9;
	s31 =	sshrl.u32 s4, $0x3;
	s7 =	smax.u32 s30, $0x1  }
0xd: {  	s8 =	simm.s32 $0x80;
	s6 =	sadd.s32 s6, s3;
	s9 =	sshrl.u32 s9, $0x3  }
0xe: {  	s5 =	sadd.s32 s5, s31;
	s9 =	sadd.s32 s9, s3;
	s3 =	sadd.s32 $0x5200, s6  }
0xf: {  	v1 =	vimm.s32 $0x0;
	s4 =	sadd.s32 $0xF000, s6;
	s6 =	sadd.s32 $0x18E00, s9;
	s9 =	simm.s32 $0x400  }
.LBB2_1:
0x10: {  	[tilespmem:s2], [sflag:$0x1] =	stream.strided.gather [hbm4b:s3+s8], $0x4E80, s9, s8, $0x38;
	[tilespmem:$0x13B80] =	vst v63  }
0x11: {  	_ =	swait.ge [sflag:s10], $0x4E80  }
0x12: {  	[sflag:s10] =	ssyncset.done $0x0  }
0x13: {  	[sflag:s10] =	ssyncadd.s32 $0xFFFFB180  }
0x14: {  	[tilespmem:s11], [sflag:$0x1] =	stream.strided.gather [hbm4b:s4+s8], $0x4E80, s9, s8, $0x38;
	[tilespmem:$0x13B80] =	vst v63  }
0x15: {  	_ =	swait.ge [sflag:s10], $0x4E80  }
0x16: {  	[sflag:s10] =	ssyncset.done $0x0  }
0x17: {  	s15 =	simm.s32 $0x9D00;
	s16 =	simm.s32 $0x0;
	[sflag:s10] =	ssyncadd.s32 $0xFFFFB180  }
.LBB2_2:
0x18: {  	s17 =	sand.u32 $0x8, s16  }
0x19: {  	p0 =	seq.s32 s17, $0x0  }
0x1a: {  	v2 =	vpsel !p0, $0x1400, v1;
	p0 =	sne.s32 s16, $0x9DF  }
.Ltmp0:
0x1b: {  	_ = 	snop;
	(pc) =	sbr.rel @p0 .LBB2_2-.Ltmp0, $2  }
0x1c: {  	_ =	sdelay $0x2  }
0x1d: {  	s16 =	sadd.s32 $0x1, s16;
	[tilespmem:s15+$0x0] =	vst v2;
	s15 =	sadd.s32 $0x10, s15  }
0x1e: {  	s15 =	simm.s32 $0x0  }
0x1f: {  	v2 =	vld [tilespmem:s15+$0x4E80];
	_ =	sdelay $0x4  }
0x20: {  	v2 =	vadd.s32 v0, v2  }
0x21: {  	vm0 =	vlt.u32 v2, $0x1400  }
0x22: {  	v3 =	vsel vm0, $0x1, v1  }
0x23: {  	(xrf0) =	vadd.scan.msk.s32 $0xffff, v3;
	_ =	sdelay $0x5  }
0x24: {  	s16 =	simm.s32 $0xFFFFFFFF;
	v3, _, _ =	vpop (xrf0)  }
0x25: {  	v4 =	vadd.s32 s16, v3;
	v3 =	vxor.u32 $0x80000000, v3  }
0x26: {  	(xrf0) =	vmax.scan.msk.u32 $0xffff, v3  }
0x27: {  	v5 =	vand.u32 $0xFFFFFF80, v4  }
0x28: {  	v5 =	vadd.s32 v4, v5  }
0x29: {  	v4 =	vand.u32 $0x7F, v4;
	v3 =	vand.u32 $0xFFFFFF80, v5  }
0x2a: {  	v6 =	vld [tilespmem:s15+$0x0];
	v3 =	vor.u32 v4, v3  }
0x2b: {  	v3 =	vadd.s32 $0x80, v3  }
0x2c: {  	v63, _, _ =	vpop (xrf0)  }
0x2d: {  	(v2sf) =	vpush v63, $0xF;
	_ =	sdelay $0x1  }
0x2e: {  	[tilespmem:v5+s12+$0x0] =	vst.idx.msk vm0, v6  }
0x2f: {  	s17 =	simm.s32 $0x80;
	s15 =	simm.s32 $0x0;
	s16 =	simm.s32 $0x10;
	[tilespmem:v3+s12+$0x0] =	vst.idx.msk vm0, v2  }
.LBB2_4:
0x30: {  	p0 =	sne.s32 s17, $0x13840;
	v2 =	vld [tilespmem:s16+$0x4E80];
	_ =	sdelay $0x4  }
0x31: {  	v2 =	vadd.s32 v0, v2  }
0x32: {  	vm0 =	vlt.u32 v2, $0x1400  }
0x33: {  	v3 =	vsel vm0, $0x1, v1  }
0x34: {  	(xrf0) =	vadd.scan.msk.s32 $0xffff, v3;
	_ =	sdelay $0x2  }
0x35: {  	s18 =	spop (v2sf)  }
0x36: {  	s15 =	sadd.s32 s18, s15  }
0x37: {  	s15 =	sadd.s32 $0x80000000, s15  }
0x38: {  	s18 =	sadd.s32 $0xFFFFFFFF, s15;
	v3, _, _ =	vpop (xrf0)  }
0x39: {  	v4 =	vadd.s32 s18, v3;
	v3 =	vxor.u32 $0x80000000, v3  }
0x3a: {  	v5 =	vand.u32 $0xFFFFFF80, v4;
	v6 =	vand.u32 $0x7F, v4;
	(xrf0) =	vmax.scan.msk.u32 $0xffff, v3  }
0x3b: {  	v3 =	vld [tilespmem:s16+$0x0];
	v4 =	vadd.s32 v4, v5  }
0x3c: {  	v5 =	vand.u32 $0xFFFFFF80, v4  }
0x3d: {  	v5 =	vor.u32 v6, v5  }
0x3e: {  	v5 =	vadd.s32 $0x80, v5;
	_ =	sdelay $0x1  }
.Ltmp1:
0x3f: {  	[tilespmem:v4+s12+$0x0] =	vst.idx.msk vm0, v3;
	v3, _, _ =	vpop (xrf0);
	(pc) =	sbr.rel @p0 .LBB2_4-.Ltmp1, $3  }
0x40: {  	(v2sf) =	vpush v3, $0xF;
	_ =	sdelay $0x1  }
0x41: {  	[tilespmem:v5+s12+$0x0] =	vst.idx.msk vm0, v2  }
0x42: {  	s16 =	sshra.s32 s17, $0x2;
	s17 =	sadd.s32 $0x40, s17  }
0x43: {  	v2 =	vld [tilespmem:s16+$0x4E80];
	_ =	sdelay $0x4  }
0x44: {  	v2 =	vadd.s32 v0, v2  }
0x45: {  	vm0 =	vlt.u32 v2, $0x1400  }
0x46: {  	v3 =	vsel vm0, $0x1, v1  }
0x47: {  	(xrf0) =	vadd.scan.msk.s32 $0xffff, v3;
	_ =	sdelay $0x5  }
0x48: {  	v3, _, _ =	vpop (xrf0)  }
0x49: {  	v4 =	vxor.u32 $0x80000000, v3  }
0x4a: {  	(xrf0) =	vmax.scan.msk.u32 $0xffff, v4;
	_ =	sdelay $0x5  }
0x4b: {  	v4, _, _ =	vpop (xrf0)  }
0x4c: {  	(v2sf) =	vpush v4, $0xF;
	_ =	sdelay $0xa  }
0x4d: {  	s17 =	spop (v2sf)  }
0x4e: {  	s15 =	sadd.s32 s17, s15  }
0x4f: {  	s15 =	sadd.s32 $0x80000000, s15  }
0x50: {  	s28 =	sadd.s32 $0xFFFFFFFF, s15  }
0x51: {  	v3 =	vadd.s32 s28, v3;
	s29 =	spop (v2sf)  }
0x52: {  	v63 =	vand.u32 $0xFFFFFF80, v3;
	s15 =	sadd.s32 s29, s15  }
0x53: {  	v4 =	vadd.s32 v3, v63;
	s15 =	sadd.s32 $0x80000000, s15  }
0x54: {  	v3 =	vand.u32 $0x7F, v3;
	v5 =	vand.u32 $0xFFFFFF80, v4;
	s30 =	sand.u32 $0x7F, s15  }
0x55: {  	v6 =	vld [tilespmem:s16+$0x0];
	v3 =	vor.u32 v3, v5;
	s31 =	sshra.s32 s15, $0x1F;
	p0 =	slt.s32 s15, $0x1;
	p1 =	sne.s32 s30, $0x0  }
0x56: {  	v3 =	vadd.s32 $0x80, v3;
	s16 =	sshrl.u32 s31, $0x19;
	p0 =	por !p0, !p1  }
0x57: {  	s15 =	sadd.s32 s16, s15;
	s16 =	simm.s32 $0x1;
	p0 =	por !p0, !p0  }
0x58: {  	s15 =	sshra.s32 s15, $0x7;
	s16 =	simm.s32 @!p0 $0x0  }
0x59: {  	s15 =	ssub.s32 s15, s16  }
0x5a: {  	[tilespmem:v4+s12+$0x0] =	vst.idx.msk vm0, v6;
	s15 =	sadd.s32 $0x1, s15  }
0x5b: {  	[tilespmem:v3+s12+$0x0] =	vst.idx.msk vm0, v2;
	v2 =	vmov s15  }
0x5c: {  	[tilespmem:$0x13B00] =	vst v2  }
0x5d: {  	[tilespmem:$0x13B10] =	vst v2  }
0x5e: {  	[tilespmem:$0x13B20] =	vst v2  }
0x5f: {  	[tilespmem:$0x13B30] =	vst v2  }
0x60: {  	[tilespmem:$0x13B40] =	vst v2  }
0x61: {  	[tilespmem:$0x13B50] =	vst v2  }
0x62: {  	[tilespmem:$0x13B60] =	vst v2  }
0x63: {  	[tilespmem:$0x13B70] =	vst v2  }
0x64: {  	[hbm4b:s5+s2] =	stream.linear.scatter [tilespmem:s13], [sflag:$0x1], $0x80, $0x38;
	[tilespmem:$0x13B80] =	vst v63  }
0x65: {  	s14 =	sadd.s32 $0x1, s14;
	_ =	swait.ge [sflag:s10], $0x80  }
0x66: {  	p0 =	sne.s32 s14, s7;
	[sflag:s10] =	ssyncset.done $0x0  }
.Ltmp2:
0x67: {  	[sflag:s10] =	ssyncadd.s32 $0xFFFFFF80;
	(pc) =	sbr.rel @p0 .LBB2_1-.Ltmp2, $4  }
0x68: {  	[hbm4b:s6+s8] =	stream.strided.scatter [tilespmem:s12], [sflag:$0x1], $0x9E00, s9, s8, $0x38;
	[tilespmem:$0x13B80] =	vst v63  }
0x69: {  	_ =	swait.ge [sflag:s10], $0x9E00  }
0x6a: {  	[sflag:s10] =	ssyncset.done $0x0  }
0x6b: {  	[sflag:s10] =	ssyncadd.s32 $0xFFFF6200  }
0x6c: {  	_ =	sfence.sel $0x180000  }
0x6d: {  	[bflag:$0x0] =	sbarrier.arrive $0xFFFF  }
0x6e: {  	p0 =	sne.s32 s0, $0x0;
	_ =	strace $0x90000047  }
0x6f: {  	s0 =	sadd.s32 @!p0 $0x100000, s1;
	[bflag:$0x2] =	sbarrier.arrive $0xFFFF  }
0x70: {  	[sflag:s0] =	ssyncadd.tile.s32 @!p0 $0x1;
	_ =	shalt  }
.Lfunc_end2:
_tile_overlayer_lowered:
.L_overlay_start_2:
0x71: {  	(tag) =	ssettag $0x2  }
0x72: {  	s0 =	rddreg [dreg:$0x0];
	s2 =	stileid.u32  }
0x73: {  	s1 =	rddreg [dreg:$0x1];
	p0 =	sne.s32 s2, $0x0  }
0x74: {  	s3 =	rddreg [dreg:$0x2];
	[bflag:$0x3] =	sbarrier.arrive $0xFFFF;
	s2 =	simm.s32 @!p0 $0x1C01  }
0x75: {  	[timem:s3], [sflag:s2] =	dma.local @!p0 [hbm:s0], s1  }
0x76: {  	s0 =	simm.s32 @!p0 $0x1  }
0x77: {  	_ =	swait.ge @!p0 [sflag:s0], s1  }
0x78: {  	s1 =	ssub.s32 @!p0 $0x0, s1;
	[sflag:s0] =	ssyncset.done @!p0 $0x0  }
0x79: {  	[sflag:s0] =	ssyncadd.s32 @!p0 s1  }
0x7a: {  	[bflag:$0x3] =	sbarrier.arrive $0xFFFF  }
0x7b: {  	_ =	shalt  }

// kernel: kernel.14.cloned.1.call-start
scs
__scs_entry_jumppad:
0x0: {  	(pc) =	sbr.rel $0x88, $3  }
0x1: {  	(tag) =	ssettag $0x0;
	lr =	simm.s32 $0x1  }
0x2: {  	[smem:$0x3F92] =	sst lr;
	_ =	strace $0xD0000000  }
0x3: {  	_ = 	snop  }
0x4: {  	_ = 	snop  }
0x5: {  	_ = 	snop  }
0x6: {  	_ = 	snop  }
0x7: {  	_ = 	snop  }
__scs_overlays_trampoline_lowered:
0x8: {  	[smem:$0x3FA1] =	sst s0  }
0x9: {  	[smem:$0x3FA2] =	sst s1  }
0xa: {  	[smem:$0x3FA3] =	sst s2  }
0xb: {  	[smem:$0x3FA4] =	sst s3  }
0xc: {  	[smem:$0x3FA5] =	sst s4  }
0xd: {  	[smem:$0x3FA6] =	sst s5  }
0xe: {  	[smem:$0x3FA7] =	sst s6  }
0xf: {  	[smem:$0x3FA8] =	sst s7  }
0x10: {  	[smem:$0x3FA9] =	sst s8  }
0x11: {  	[smem:$0x3FAA] =	sst s9;
	s0 =	simm.s32 @!p0 $0x0  }
0x12: {  	s1 =	sld [smem:$0x3F90];
	s0 =	simm.s32 @p0 $0x1  }
0x13: {  	[smem:$0x3FAB] =	sst s0;
	s0 =	simm.s32 @!p1 $0x0  }
0x14: {  	s2 =	sld [smem:$0x3F8F];
	s0 =	simm.s32 @p1 $0x1  }
0x15: {  	[smem:$0x3FAC] =	sst s0;
	s0 =	simm.s32 @!p2 $0x0  }
0x16: {  	s3 =	sld [smem:$0x3FDB];
	s0 =	simm.s32 @p2 $0x1  }
0x17: {  	s4 =	simm.s32 $0x1BF5;
	[smem:$0x3FAE] =	sst s0  }
0x18: {  	s0 =	sld [smem:$0x3F91];
	_ =	swait.ge [sflag:s4], $0x0  }
0x19: {  	s7 =	sld [smem:$0x3F92]  }
0x1a: {  	s8 =	sadd.s32 $0xFFFFE003, lr  }
0x1b: {  	s9 =	sadd.s32 $0xFFFFFEF7, lr;
	s5 =	simm.s32 $0xFFFFFFFF;
	p2 =	slt.u32 s8, $0xFFFFF086  }
0x1c: {  	p1 =	slt.u32 s9, $0xF7A;
	s5 =	simm.s32 @!p2 $0x0  }
0x1d: {  	s5 =	simm.s32 @p1 $0x1;
	p0 =	seq.s32 s7, s2  }
0x1e: {  	s7 =	smul.u32 @!p0 $0xF7A, s2;
	p2 =	seq.s32 @!p0 s5, $0x0  }
0x1f: {  	s9 =	smul.u32 $0xF7A, s1;
	s8 =	simm.s32 @!p0 $0x1BF5;
	p2 =	por !p2, p0  }
0x20: {  	[sflag:s8] =	ssyncset.s32 @!p0 $0xFFFFF086;
	s6 =	sadd.s32 @!p0 s3, s7;
	s7 =	simm.s32 @!p0 $0x108  }
0x21: {  	s3 =	sadd.s32 s3, s9;
	s6 =	sadd.s32 @!p0 $0x88, s6;
	s7 =	simm.s32 @p2 $0x1082  }
0x22: {  	[simem:s7], [sflag:s8] =	dma.local @!p0 [hbm:s6], $0xF7A  }
0x23: {  	s9 =	sor.u32 $0xD0000000, s2;
	s6 =	simm.s32 $0x108;
	_ =	swait.ge @!p0 [sflag:s8], $0x0  }
0x24: {  	s3 =	sadd.s32 $0x88, s3;
	s6 =	simm.s32 @!p1 $0x1082;
	[sflag:s4] =	ssyncset.s32 $0xFFFFF086  }
0x25: {  	[simem:s6], [sflag:s4] =	dma.local [hbm:s3], $0xF7A  }
0x26: {  	[smem:$0x3F92] =	sst s1;
	(tag) =	ssettag s2;
	_ =	strace s9  }
0x27: {  	s1 =	sld [smem:$0x3FA2]  }
0x28: {  	s2 =	sld [smem:$0x3FA3]  }
0x29: {  	s4 =	sld [smem:$0x3FA5]  }
0x2a: {  	p0 =	seq.s32 s5, $0x0;
	s5 =	sld [smem:$0x3FA6]  }
0x2b: {  	s6 =	sld [smem:$0x3FA7]  }
0x2c: {  	s7 =	sld [smem:$0x3FA8]  }
0x2d: {  	s3 =	simm.s32 $0x108;
	s8 =	sld [smem:$0x3FA9]  }
0x2e: {  	s3 =	simm.s32 @!p0 $0x1082;
	s9 =	sld [smem:$0x3FAA]  }
0x2f: {  	lr =	sadd.s32 s0, s3;
	s0 =	sld [smem:$0x3FA1]  }
0x30: {  	s3 =	sld [smem:$0x3FA4]  }
0x31: {  	[smem:$0x3FAD] =	sst s10  }
0x32: {  	s10 =	sld [smem:$0x3FAB];
	_ =	sdelay $0x3  }
0x33: {  	p0 =	seq.s32 s10, $0x1;
	s10 =	sld [smem:$0x3FAD];
	_ =	sdelay $0x3  }
0x34: {  	[smem:$0x3FAD] =	sst s10  }
0x35: {  	s10 =	sld [smem:$0x3FAC];
	_ =	sdelay $0x3  }
0x36: {  	p1 =	seq.s32 s10, $0x1;
	s10 =	sld [smem:$0x3FAD];
	_ =	sdelay $0x3  }
0x37: {  	[smem:$0x3FAD] =	sst s10  }
0x38: {  	s10 =	sld [smem:$0x3FAE]  }
0x39: {  	_ = 	snop;
	(pc) =	sbr.ind lr, $3  }
0x3a: {  	_ = 	snop  }
0x3b: {  	_ = 	snop  }
0x3c: {  	p2 =	seq.s32 s10, $0x1;
	s10 =	sld [smem:$0x3FAD]  }
0x3d: {  	_ =	shalt  }
0x3e: {  	_ =	shalt  }
0x3f: {  	_ =	shalt  }
0x40: {  	_ =	shalt  }
0x41: {  	_ =	shalt  }
0x42: {  	_ =	shalt  }
0x43: {  	_ =	shalt  }
0x44: {  	_ =	shalt  }
0x45: {  	_ =	shalt  }
0x46: {  	_ =	shalt  }
0x47: {  	_ =	shalt  }
0x48: {  	_ =	shalt  }
0x49: {  	_ =	shalt  }
0x4a: {  	_ =	shalt  }
0x4b: {  	_ =	shalt  }
0x4c: {  	_ =	shalt  }
0x4d: {  	_ =	shalt  }
0x4e: {  	_ =	shalt  }
0x4f: {  	_ =	shalt  }
0x50: {  	_ =	shalt  }
0x51: {  	_ =	shalt  }
0x52: {  	_ =	shalt  }
0x53: {  	_ =	shalt  }
0x54: {  	_ =	shalt  }
0x55: {  	_ =	shalt  }
0x56: {  	_ =	shalt  }
0x57: {  	_ =	shalt  }
0x58: {  	_ =	shalt  }
0x59: {  	_ =	shalt  }
0x5a: {  	_ =	shalt  }
0x5b: {  	_ =	shalt  }
0x5c: {  	_ =	shalt  }
0x5d: {  	_ =	shalt  }
0x5e: {  	_ =	shalt  }
0x5f: {  	_ =	shalt  }
0x60: {  	_ =	shalt  }
0x61: {  	_ =	shalt  }
0x62: {  	_ =	shalt  }
0x63: {  	_ =	shalt  }
0x64: {  	_ =	shalt  }
0x65: {  	_ =	shalt  }
0x66: {  	_ =	shalt  }
0x67: {  	_ =	shalt  }
0x68: {  	_ =	shalt  }
0x69: {  	_ =	shalt  }
0x6a: {  	_ =	shalt  }
0x6b: {  	_ =	shalt  }
0x6c: {  	_ =	shalt  }
0x6d: {  	_ =	shalt  }
0x6e: {  	_ =	shalt  }
0x6f: {  	_ =	shalt  }
0x70: {  	_ =	shalt  }
0x71: {  	_ =	shalt  }
0x72: {  	_ =	shalt  }
0x73: {  	_ =	shalt  }
0x74: {  	_ =	shalt  }
0x75: {  	_ =	shalt  }
0x76: {  	_ =	shalt  }
0x77: {  	_ =	shalt  }
0x78: {  	_ =	shalt  }
0x79: {  	_ =	shalt  }
0x7a: {  	_ =	shalt  }
0x7b: {  	_ =	shalt  }
0x7c: {  	_ =	shalt  }
0x7d: {  	_ =	shalt  }
0x7e: {  	_ =	shalt  }
0x7f: {  	_ =	shalt  }
0x80: {  	_ =	shalt  }
0x81: {  	_ =	shalt  }
0x82: {  	_ =	shalt  }
0x83: {  	_ =	shalt  }
0x84: {  	_ =	shalt  }
0x85: {  	_ =	shalt  }
0x86: {  	_ =	shalt  }
0x87: {  	_ =	shalt  }
.Lfunc_end0:
.L_simem_size_0:
called_computation.1_lowered:
.L_overlay_start_0:
0x88: {  	s2 =	sld [smem:$0x3FD9]  }
0x89: {  	s3 =	sld [smem:$0x3FFE];
	_ =	sdelay $0x1  }
0x8a: {  	s1 =	srdreg.scid  }
0x8b: {  	s0 =	sand.u32 $0x1, s1  }
0x8c: {  	s17 =	sshll.u32 s0, $0xA;
	s2 =	sadd.s32 s3, s2  }
0x8d: {  	s2 =	sadd.s32 s2, s17  }
0x8e: {  	[smem:$0x3FB9] =	sst s2  }
0x8f: {  	_ = 	snop  }
0x90: {  	s2 =	sld [smem:$0x3FD0];
	(tm) =	ssettm $0x1  }
0x91: {  	s18 =	sld [smem:$0x3FFB];
	_ =	sdelay $0x3  }
0x92: {  	_ =	strace s18  }
0x93: {  	s3 =	sld [smem:$0x3FFC];
	_ =	sdelay $0x3  }
0x94: {  	_ =	strace s3  }
0x95: {  	s3 =	sld [smem:$0x3FFD];
	_ =	sdelay $0x3  }
0x96: {  	_ =	strace s3  }
0x97: {  	_ =	strace $0x8FFFFFFF  }
0x98: {  	s19 =	sld [smem:$0x3FDB];
	_ =	sdelay $0x1  }
0x99: {  	s4 =	simm.s32 $_scs_section_size  }
0x9a: {  	s5 =	simm.s32 $_size__tile_overlayer_lowered;
	s6 =	simm.s32 $_tile_overlayer_lowered  }
0x9b: {  	s22 =	simm.s32 $0x1BFF;
	s21 =	sshll.u32 s6, $0x1;
	s3 =	sadd.s32 s4, s19  }
0x9c: {  	s7 =	simm.s32 $0x0;
	s20 =	sshll.u32 s5, $0x1;
	s5 =	sadd.s32 s21, s3  }
0x9d: {  	[timem:s7], [sflag:s22] =	dma.local [hbm:s5], s20  }
0x9e: {  	_ =	swait.ge [sflag:s22], s20  }
0x9f: {  	s4 =	ssub.s32 $0x0, s20;
	[sflag:s22] =	ssyncset.done $0x0  }
0xa0: {  	[sflag:s22] =	ssyncadd.s32 s4;
	_ =	sdelay $0x1  }
0xa1: {  	s23 =	simm.s32 $0x1B8B  }
0xa2: {  	_ =	swait.ge [sflag:s23], $0x1  }
0xa3: {  	[sflag:s23] =	ssyncset.done $0x0  }
0xa4: {  	s25 =	simm.s32 $0x1B8E;
	s24 =	sld [smem:$0x3FFE];
	[sflag:s23] =	ssyncadd.s32 $0xFFFFFFFF  }
0xa5: {  	s26 =	simm.s32 $execute0_lowered;
	[smem:$0x3FD2] =	sst s25  }
0xa6: {  	s5 =	sshll.u32 s26, $0x1;
	_ =	strace $0x80000049;
	[dreg:$0x1] =	wrdreg $0xFFFFFFFF  }
0xa7: {  	s28 =	simm.s32 $_size_execute0_lowered;
	s3 =	sadd.s32 s3, s5;
	[dreg:$0x0] =	wrdreg $0x0  }
0xa8: {  	s5 =	sshll.u32 s28, $0x1;
	[dreg:$0x2] =	wrdreg s3  }
0xa9: {  	[dreg:$0x3] =	wrdreg s5  }
0xaa: {  	[dreg:$0x4] =	wrdreg $0xC0  }
0xab: {  	_ =	task [dreg:s7], $0x5FFFF  }
0xac: {  	[dreg:$0x1] =	wrdreg $0xFFFFFFFF  }
0xad: {  	[dreg:$0x0] =	wrdreg $0x60  }
0xae: {  	[dreg:$0x2] =	wrdreg s24  }
0xaf: {  	[dreg:$0x3] =	wrdreg s2  }
0xb0: {  	[dreg:$0x4] =	wrdreg $0x6A800  }
0xb1: {  	[dreg:$0x5] =	wrdreg $0x9  }
0xb2: {  	_ =	task.clear_ibuf [dreg:s7], $0x6FFFF;
	_ =	strace $0x90000049  }
0xb3: {  	s29 =	simm.s32 $0x9;
	_ =	strace $0x8000004B  }
0xb4: {  	_ =	swait.ge [sflag:s29], $0x1  }
0xb5: {  	[sflag:s29] =	ssyncadd.s32 $0xFFFFFFFF  }
0xb6: {  	_ =	strace $0x9000004B  }
0xb7: {  	_ =	sfence  }
0xb8: {  	s30 =	sld [smem:$0x0];
	_ =	sdelay $0x2  }
0xb9: {  	s31 =	sshll.u32 s1, $0xD;
	s1 =	sshrl.u32 s1, $0x2  }
0xba: {  	s3 =	sand.u32 $0x4000, s31;
	s1 =	sadd.s32 s1, s30  }
0xbb: {  	s0 =	sor.u32 s3, s0;
	s1 =	sshll.u32 s1, $0x11  }
0xbc: {  	s0 =	sor.u32 s1, s0  }
0xbd: {  	s0 =	sadd.s32 $0x8F2B, s0  }
0xbe: {  	[sflag:s0] =	ssyncadd.remote.s32 $0x1  }
0xbf: {  	_ =	sfence.sel $0xFFFF  }
0xc0: {  	[dreg:$0x0] =	wrdreg $0xFFFFFFFF;
	(pc) =	sbr.abs _section_cstart, $3  }
0xc1: {  	[dreg:$0x1] =	wrdreg $0xFFFFFFFF  }
0xc2: {  	_ =	task.clear_ibuf [dreg:s7], $0x2FFFF;
	_ =	strace $0x9FFFFFFF  }
0xc3: {  	(tm) =	ssettm $0x7FFFFFFF  }
tec
execute0_lowered:
.L_overlay_start_1:
0x0: {  	(tag) =	ssettag $0x1  }
0x1: {  	s7 =	rddreg [dreg:$0x0]  }
0x2: {  	s11 =	rddreg [dreg:$0x1]  }
0x3: {  	s1 =	rddreg [dreg:$0x2]  }
0x4: {  	s2 =	srdreg.scid;
	s0 =	rddreg [dreg:$0x3];
	s3 =	simm.s32 $0x0  }
0x5: {  	s18 =	simm.s32 $0x200;
	s19 =	simm.s32 $0x6A00;
	s20 =	simm.s32 $0x80  }
0x6: {  	s21 =	simm.s32 $0x180;
	s12 =	sand.u32 $0x1, s2;
	s2 =	stileid.u32  }
0x7: {  	s24 =	simm.s32 $0x0;
	[smem:$0x7FF] =	sst s3;
	s8 =	smul.u32 $0xC8000, s12  }
0x8: {  	s4 =	sadd.s32 $0x40600, s7;
	s5 =	sadd.s32 $0x5200, s7;
	s9 =	smul.u32 $0xC800, s2  }
0x9: {  	s6 =	sadd.s32 $0x5800, s7;
	_ =	strace $0x8000004A;
	s10 =	smul.u32 $0x32000, s2  }
0xa: {  	s30 =	ssub.s32 $0x2, s12;
	s15 =	sshll.u32 s2, $0x4;
	s16 =	smul.u32 $0x9E000, s12  }
0xb: {  	s12 =	sshll.u32 s12, $0x8;
	s17 =	smul.u32 $0x9E00, s2;
	s22 =	sshll.u32 s2, $0x6  }
0xc: {  	s31 =	sshrl.u32 s30, $0x1;
	s15 =	sadd.s32 s11, s15;
	s22 =	sor.u32 $0x1C01, s22  }
0xd: {  	s8 =	sadd.s32 s9, s8;
	s10 =	sshrl.u32 s10, $0x2;
	s14 =	ssub.s32 s30, s31  }
.Ltmp0:
0xe: {  	s12 =	sadd.s32 s12, s15;
	s15 =	sadd.s32 s17, s16;
	(pc) =	sbr.rel .LBB2_1-.Ltmp0, $4  }
0xf: {  	s16 =	simm.s32 $0x4200;
	s17 =	simm.s32 $0x1;
	s8 =	sshrl.u32 s8, $0x3  }
0x10: {  	s14 =	smax.u32 s14, $0x1;
	s13 =	sadd.s32 s8, s7;
	s7 =	sadd.s32 s10, s1  }
0x11: {  	s8 =	sadd.s32 $0x2800, s7;
	s9 =	sadd.s32 $0x5000, s7;
	s10 =	sadd.s32 $0x7800, s7  }
0x12: {  	s11 =	sadd.s32 $0xA000, s7;
	s13 =	sadd.s32 $0x6000, s13;
	s23 =	sshrl.u32 s7, $0x3  }
.LBB2_5:
0x13: {  	s25 =	sadd.s32 s4, s28;
	[sflag:s17] =	ssyncadd.s32 @p0 $0xFFFFC000  }
0x14: {  	[tilespmem:s3], [sflag:$0x1] =	stream.linear.gather [hbm4b:s25+s3], $0x200, $0x38;
	[tilespmem:$0x13280] =	vst v63  }
0x15: {  	_ =	swait.ge [sflag:s17], $0x200  }
0x16: {  	[sflag:s17] =	ssyncset.done $0x0  }
0x17: {  	[sflag:s17] =	ssyncadd.s32 $0xFFFFFE00  }
0x18: {  	[spmem:s1] =	stream.indirect.scatter.add.f32 [tilespmem:s18], [sflag:$0x1], $0x80, s20, s20, $0xb8;
	[tilespmem:$0x13280] =	vst v63  }
0x19: {  	_ =	swait.ge [sflag:s17], $0x4000  }
0x1a: {  	[sflag:s17] =	ssyncset.done $0x0  }
0x1b: {  	[sflag:s17] =	ssyncadd.s32 $0xFFFFC000  }
0x1c: {  	[spmem:s1] =	stream.indirect.scatter.add.f32 [tilespmem:s18], [sflag:$0x1], $0x80, s21, s20, $0xb8;
	[tilespmem:$0x13280] =	vst v63  }
0x1d: {  	_ =	swait.ge [sflag:s17], $0x4000  }
0x1e: {  	[sflag:s17] =	ssyncset.done $0x0  }
0x1f: {  	[sflag:s17] =	ssyncadd.s32 $0xFFFFC000  }
.LBB2_6:
0x20: {  	s24 =	sadd.s32 $0x1, s24  }
0x21: {  	p0 =	sne.s32 s24, s14  }
.Ltmp1:
0x22: {  	[bflag:$0x0] =	sbarrier.arrive $0xFFFF;
	(pc) =	sbr.rel @!p0 .LBB2_7-.Ltmp1, $4  }
0x23: {  	[hbm:s13], [sflag:s22] =	dma.local [spmem:s23], $0x1900  }
0x24: {  	_ =	swait.ge [sflag:s17], $0x1900  }
0x25: {  	[sflag:s17] =	ssyncset.done $0x0  }
0x26: {  	[sflag:s17] =	ssyncadd.s32 $0xFFFFE700  }
.LBB2_1:
0x27: {  	[tilespmem:s16], [sflag:$0x1] =	stream.linear.gather [hbm4b:s5+s3], $0x2800, $0x38;
	[tilespmem:$0x13280] =	vst v63  }
0x28: {  	_ =	swait.ge [sflag:s17], $0x2800  }
0x29: {  	[sflag:s17] =	ssyncset.done $0x0  }
0x2a: {  	[sflag:s17] =	ssyncadd.s32 $0xFFFFD800  }
0x2b: {  	[spmem:s7] =	stream.linear.scatter [tilespmem:s16], [sflag:$0x1], $0x2800, $0x38;
	[tilespmem:$0x13280] =	vst v63  }
0x2c: {  	_ =	swait.ge [sflag:s17], $0x2800  }
0x2d: {  	[sflag:s17] =	ssyncset.done $0x0  }
0x2e: {  	[sflag:s17] =	ssyncadd.s32 $0xFFFFD800  }
0x2f: {  	[spmem:s8] =	stream.linear.scatter [tilespmem:s16], [sflag:$0x1], $0x2800, $0x38;
	[tilespmem:$0x13280] =	vst v63  }
0x30: {  	_ =	swait.ge [sflag:s17], $0x2800  }
0x31: {  	[sflag:s17] =	ssyncset.done $0x0  }
0x32: {  	[sflag:s17] =	ssyncadd.s32 $0xFFFFD800  }
0x33: {  	[spmem:s9] =	stream.linear.scatter [tilespmem:s16], [sflag:$0x1], $0x2800, $0x38;
	[tilespmem:$0x13280] =	vst v63  }
0x34: {  	_ =	swait.ge [sflag:s17], $0x2800  }
0x35: {  	[sflag:s17] =	ssyncset.done $0x0  }
0x36: {  	[sflag:s17] =	ssyncadd.s32 $0xFFFFD800  }
0x37: {  	[spmem:s10] =	stream.linear.scatter [tilespmem:s16], [sflag:$0x1], $0x2800, $0x38;
	[tilespmem:$0x13280] =	vst v63  }
0x38: {  	_ =	swait.ge [sflag:s17], $0x2800  }
0x39: {  	[sflag:s17] =	ssyncset.done $0x0  }
0x3a: {  	[sflag:s17] =	ssyncadd.s32 $0xFFFFD800  }
0x3b: {  	[spmem:s11] =	stream.linear.scatter [tilespmem:s16], [sflag:$0x1], $0x2800, $0x38;
	[tilespmem:$0x13280] =	vst v63  }
0x3c: {  	_ =	swait.ge [sflag:s17], $0x2800  }
0x3d: {  	[sflag:s17] =	ssyncset.done $0x0  }
0x3e: {  	[sflag:s17] =	ssyncadd.s32 $0xFFFFD800  }
0x3f: {  	[tilespmem:s18], [sflag:$0x1] =	stream.linear.gather [hbm4b:s6+s3], $0x4000, $0x38;
	[tilespmem:$0x13280] =	vst v63  }
0x40: {  	_ =	swait.ge [sflag:s17], $0x4000  }
0x41: {  	[sflag:s17] =	ssyncset.done $0x0  }
0x42: {  	[sflag:s17] =	ssyncadd.s32 $0xFFFFC000  }
0x43: {  	[tilespmem:s19], [sflag:$0x1] =	stream.linear.gather [hbm4b:s12+s3], $0x80, $0x38;
	[tilespmem:$0x13280] =	vst v63  }
0x44: {  	_ =	swait.ge [sflag:s17], $0x80  }
0x45: {  	[sflag:s17] =	ssyncset.done $0x0  }
0x46: {  	[sflag:s17] =	ssyncadd.s32 $0xFFFFFF80  }
0x47: {  	v0 =	vld [tilespmem:$0x6A00];
	_ =	sdelay $0x4  }
0x48: {  	v0 =	vxor.u32 $0x80000000, v0  }
0x49: {  	(xrf0) =	vmax.scan.msk.u32 $0xffff, v0;
	_ =	sdelay $0x5  }
0x4a: {  	v0, _, _ =	vpop (xrf0)  }
0x4b: {  	(v2sf) =	vpush v0, $0xF;
	_ =	sdelay $0xe  }
0x4c: {  	s25 =	spop (v2sf)  }
0x4d: {  	s26 =	sadd.s32 $0x80000001, s25;
	p0 =	slt.s32 s25, $0xFFFFFFFF;
	s25 =	simm.s32 $0x1  }
0x4e: {  	s25 =	simm.s32 @!p0 $0x0;
	s28 =	sshra.s32 s26, $0x1F  }
0x4f: {  	s30 =	sand.u32 $0x1, s26;
	s25 =	sadd.s32 s25, s28  }
0x50: {  	p1 =	seq.s32 s30, $0x1;
	p6 =	sne.s32 s25, $0x1  }
0x51: {  	s31 =	sshrl.u32 s26, $0x1F;
	p0 =	por !p6, !p1  }
0x52: {  	s25 =	sadd.s32 s31, s26;
	s26 =	simm.s32 $0x1;
	p0 =	por !p0, !p0  }
0x53: {  	s25 =	sshra.s32 s25, $0x1;
	s26 =	simm.s32 @!p0 $0x0  }
0x54: {  	s25 =	ssub.s32 s25, s26  }
0x55: {  	p0 =	slt.s32 s25, $0x1  }
.Ltmp2:
0x56: {  	_ = 	snop;
	(pc) =	sbr.rel @p0 .LBB2_6-.Ltmp2, $2  }
0x57: {  	_ =	sdelay $0x1  }
0x58: {  	[bflag:$0x0] =	sbarrier.arrive $0xFFFF;
	_ =	sdelay $0x1  }
0x59: {  	p1 =	sne.s32 s25, $0x1  }
.Ltmp3:
0x5a: {  	_ = 	snop;
	(pc) =	sbr.rel @!p1 .LBB2_5-.Ltmp3, $2  }
0x5b: {  	_ =	sdelay $0x2  }
0x5c: {  	s25 =	sadd.s32 $0xFFFFFFFF, s25;
	s28 =	sshrl.u32 s15, $0x3;
	p0 =	por $0x0, $0x0  }
0x5d: {  	s26 =	sadd.s32 s4, s28  }
0x5e: {  	[tilespmem:s3], [sflag:$0x1] =	stream.linear.gather [hbm4b:s26+s3], $0x200, $0x38;
	[tilespmem:$0x13280] =	vst v63  }
0x5f: {  	_ =	swait.ge [sflag:s17], $0x200  }
0x60: {  	[sflag:s17] =	ssyncset.done $0x0  }
0x61: {  	[sflag:s17] =	ssyncadd.s32 $0xFFFFFE00  }
0x62: {  	[spmem:s1] =	stream.indirect.scatter.add.f32 [tilespmem:s18], [sflag:$0x1], $0x80, s20, s20, $0xb8;
	[tilespmem:$0x13280] =	vst v63  }
0x63: {  	p1 =	sne.s32 s25, $0x1;
	_ =	swait.ge [sflag:s17], $0x4000  }
.Ltmp4:
0x64: {  	[sflag:s17] =	ssyncset.done $0x0;
	(pc) =	sbr.rel @!p1 .LBB2_5-.Ltmp4, $4  }
0x65: {  	[sflag:s17] =	ssyncadd.s32 $0xFFFFC000  }
0x66: {  	[spmem:s1] =	stream.indirect.scatter.add.f32 [tilespmem:s18], [sflag:$0x1], $0x80, s21, s20, $0xb8;
	[tilespmem:$0x13280] =	vst v63  }
0x67: {  	s25 =	sadd.s32 $0xFFFFFFFF, s25;
	s26 =	sadd.s32 $0x200, s15;
	_ =	swait.ge [sflag:s17], $0x4000  }
0x68: {  	p0 =	por $0x1, $0x1;
	s28 =	sshrl.u32 s26, $0x3;
	[sflag:s17] =	ssyncset.done $0x0  }
.LBB2_4:
0x69: {  	p1 =	sne.s32 s25, $0x1;
	s28 =	sadd.s32 s4, s28;
	[sflag:s17] =	ssyncadd.s32 $0xFFFFC000  }
0x6a: {  	[tilespmem:s3], [sflag:$0x1] =	stream.linear.gather [hbm4b:s28+s3], $0x200, $0x38;
	[tilespmem:$0x13280] =	vst v63  }
0x6b: {  	s25 =	sadd.s32 $0xFFFFFFFF, s25;
	_ =	swait.ge [sflag:s17], $0x200  }
0x6c: {  	[sflag:s17] =	ssyncset.done $0x0  }
0x6d: {  	[sflag:s17] =	ssyncadd.s32 $0xFFFFFE00  }
0x6e: {  	[spmem:s1] =	stream.indirect.scatter.add.f32 [tilespmem:s18], [sflag:$0x1], $0x80, s20, s20, $0xb8;
	[tilespmem:$0x13280] =	vst v63  }
0x6f: {  	_ =	swait.ge [sflag:s17], $0x4000  }
.Ltmp5:
0x70: {  	[sflag:s17] =	ssyncset.done $0x0;
	(pc) =	sbr.rel @p1 .LBB2_4-.Ltmp5, $4  }
0x71: {  	[sflag:s17] =	ssyncadd.s32 $0xFFFFC000  }
0x72: {  	[spmem:s1] =	stream.indirect.scatter.add.f32 [tilespmem:s18], [sflag:$0x1], $0x80, s21, s20, $0xb8;
	[tilespmem:$0x13280] =	vst v63  }
0x73: {  	s26 =	sadd.s32 $0x200, s26;
	_ =	swait.ge [sflag:s17], $0x4000  }
0x74: {  	s28 =	sshrl.u32 s26, $0x3;
	[sflag:s17] =	ssyncset.done $0x0  }
.Ltmp6:
0x75: {  	_ = 	snop;
	(pc) =	sbr.rel .LBB2_5-.Ltmp6, $1  }
0x76: {  	_ =	sdelay $0x3  }
.LBB2_7:
0x77: {  	_ =	sfence.sel $0x180000  }
0x78: {  	[bflag:$0x0] =	sbarrier.arrive $0xFFFF  }
0x79: {  	p0 =	sne.s32 s2, $0x0;
	_ =	strace $0x9000004A  }
0x7a: {  	s0 =	sadd.s32 @!p0 $0x100000, s0;
	[bflag:$0x2] =	sbarrier.arrive $0xFFFF  }
0x7b: {  	[sflag:s0] =	ssyncadd.tile.s32 @!p0 $0x1;
	_ =	shalt  }
.Lfunc_end2:
_tile_overlayer_lowered:
.L_overlay_start_2:
0x7c: {  	(tag) =	ssettag $0x2  }
0x7d: {  	s0 =	rddreg [dreg:$0x0];
	s2 =	stileid.u32  }
0x7e: {  	s1 =	rddreg [dreg:$0x1];
	p0 =	sne.s32 s2, $0x0  }
0x7f: {  	s3 =	rddreg [dreg:$0x2];
	[bflag:$0x3] =	sbarrier.arrive $0xFFFF;
	s2 =	simm.s32 @!p0 $0x1C01  }
0x80: {  	[timem:s3], [sflag:s2] =	dma.local @!p0 [hbm:s0], s1  }
0x81: {  	s0 =	simm.s32 @!p0 $0x1  }
0x82: {  	_ =	swait.ge @!p0 [sflag:s0], s1  }
0x83: {  	s1 =	ssub.s32 @!p0 $0x0, s1;
	[sflag:s0] =	ssyncset.done @!p0 $0x0  }
0x84: {  	[sflag:s0] =	ssyncadd.s32 @!p0 s1  }
0x85: {  	[bflag:$0x3] =	sbarrier.arrive $0xFFFF  }
0x86: {  	_ =	shalt  }

// kernel: kernel.17.cloned.1.call-start
scs
__scs_entry_jumppad:
0x0: {  	(pc) =	sbr.rel $0x88, $3  }
0x1: {  	(tag) =	ssettag $0x0;
	lr =	simm.s32 $0x1  }
0x2: {  	[smem:$0x3F92] =	sst lr;
	_ =	strace $0xD0000000  }
0x3: {  	_ = 	snop  }
0x4: {  	_ = 	snop  }
0x5: {  	_ = 	snop  }
0x6: {  	_ = 	snop  }
0x7: {  	_ = 	snop  }
__scs_overlays_trampoline_lowered:
0x8: {  	[smem:$0x3FA1] =	sst s0  }
0x9: {  	[smem:$0x3FA2] =	sst s1  }
0xa: {  	[smem:$0x3FA3] =	sst s2  }
0xb: {  	[smem:$0x3FA4] =	sst s3  }
0xc: {  	[smem:$0x3FA5] =	sst s4  }
0xd: {  	[smem:$0x3FA6] =	sst s5  }
0xe: {  	[smem:$0x3FA7] =	sst s6  }
0xf: {  	[smem:$0x3FA8] =	sst s7  }
0x10: {  	[smem:$0x3FA9] =	sst s8  }
0x11: {  	[smem:$0x3FAA] =	sst s9;
	s0 =	simm.s32 @!p0 $0x0  }
0x12: {  	s1 =	sld [smem:$0x3F90];
	s0 =	simm.s32 @p0 $0x1  }
0x13: {  	[smem:$0x3FAB] =	sst s0;
	s0 =	simm.s32 @!p1 $0x0  }
0x14: {  	s2 =	sld [smem:$0x3F8F];
	s0 =	simm.s32 @p1 $0x1  }
0x15: {  	[smem:$0x3FAC] =	sst s0;
	s0 =	simm.s32 @!p2 $0x0  }
0x16: {  	s3 =	sld [smem:$0x3FDB];
	s0 =	simm.s32 @p2 $0x1  }
0x17: {  	s4 =	simm.s32 $0x1BF5;
	[smem:$0x3FAE] =	sst s0  }
0x18: {  	s0 =	sld [smem:$0x3F91];
	_ =	swait.ge [sflag:s4], $0x0  }
0x19: {  	s7 =	sld [smem:$0x3F92]  }
0x1a: {  	s8 =	sadd.s32 $0xFFFFE003, lr  }
0x1b: {  	s9 =	sadd.s32 $0xFFFFFEF7, lr;
	s5 =	simm.s32 $0xFFFFFFFF;
	p2 =	slt.u32 s8, $0xFFFFF086  }
0x1c: {  	p1 =	slt.u32 s9, $0xF7A;
	s5 =	simm.s32 @!p2 $0x0  }
0x1d: {  	s5 =	simm.s32 @p1 $0x1;
	p0 =	seq.s32 s7, s2  }
0x1e: {  	s7 =	smul.u32 @!p0 $0xF7A, s2;
	p2 =	seq.s32 @!p0 s5, $0x0  }
0x1f: {  	s9 =	smul.u32 $0xF7A, s1;
	s8 =	simm.s32 @!p0 $0x1BF5;
	p2 =	por !p2, p0  }
0x20: {  	[sflag:s8] =	ssyncset.s32 @!p0 $0xFFFFF086;
	s6 =	sadd.s32 @!p0 s3, s7;
	s7 =	simm.s32 @!p0 $0x108  }
0x21: {  	s3 =	sadd.s32 s3, s9;
	s6 =	sadd.s32 @!p0 $0x88, s6;
	s7 =	simm.s32 @p2 $0x1082  }
0x22: {  	[simem:s7], [sflag:s8] =	dma.local @!p0 [hbm:s6], $0xF7A  }
0x23: {  	s9 =	sor.u32 $0xD0000000, s2;
	s6 =	simm.s32 $0x108;
	_ =	swait.ge @!p0 [sflag:s8], $0x0  }
0x24: {  	s3 =	sadd.s32 $0x88, s3;
	s6 =	simm.s32 @!p1 $0x1082;
	[sflag:s4] =	ssyncset.s32 $0xFFFFF086  }
0x25: {  	[simem:s6], [sflag:s4] =	dma.local [hbm:s3], $0xF7A  }
0x26: {  	[smem:$0x3F92] =	sst s1;
	(tag) =	ssettag s2;
	_ =	strace s9  }
0x27: {  	s1 =	sld [smem:$0x3FA2]  }
0x28: {  	s2 =	sld [smem:$0x3FA3]  }
0x29: {  	s4 =	sld [smem:$0x3FA5]  }
0x2a: {  	p0 =	seq.s32 s5, $0x0;
	s5 =	sld [smem:$0x3FA6]  }
0x2b: {  	s6 =	sld [smem:$0x3FA7]  }
0x2c: {  	s7 =	sld [smem:$0x3FA8]  }
0x2d: {  	s3 =	simm.s32 $0x108;
	s8 =	sld [smem:$0x3FA9]  }
0x2e: {  	s3 =	simm.s32 @!p0 $0x1082;
	s9 =	sld [smem:$0x3FAA]  }
0x2f: {  	lr =	sadd.s32 s0, s3;
	s0 =	sld [smem:$0x3FA1]  }
0x30: {  	s3 =	sld [smem:$0x3FA4]  }
0x31: {  	[smem:$0x3FAD] =	sst s10  }
0x32: {  	s10 =	sld [smem:$0x3FAB];
	_ =	sdelay $0x3  }
0x33: {  	p0 =	seq.s32 s10, $0x1;
	s10 =	sld [smem:$0x3FAD];
	_ =	sdelay $0x3  }
0x34: {  	[smem:$0x3FAD] =	sst s10  }
0x35: {  	s10 =	sld [smem:$0x3FAC];
	_ =	sdelay $0x3  }
0x36: {  	p1 =	seq.s32 s10, $0x1;
	s10 =	sld [smem:$0x3FAD];
	_ =	sdelay $0x3  }
0x37: {  	[smem:$0x3FAD] =	sst s10  }
0x38: {  	s10 =	sld [smem:$0x3FAE]  }
0x39: {  	_ = 	snop;
	(pc) =	sbr.ind lr, $3  }
0x3a: {  	_ = 	snop  }
0x3b: {  	_ = 	snop  }
0x3c: {  	p2 =	seq.s32 s10, $0x1;
	s10 =	sld [smem:$0x3FAD]  }
0x3d: {  	_ =	shalt  }
0x3e: {  	_ =	shalt  }
0x3f: {  	_ =	shalt  }
0x40: {  	_ =	shalt  }
0x41: {  	_ =	shalt  }
0x42: {  	_ =	shalt  }
0x43: {  	_ =	shalt  }
0x44: {  	_ =	shalt  }
0x45: {  	_ =	shalt  }
0x46: {  	_ =	shalt  }
0x47: {  	_ =	shalt  }
0x48: {  	_ =	shalt  }
0x49: {  	_ =	shalt  }
0x4a: {  	_ =	shalt  }
0x4b: {  	_ =	shalt  }
0x4c: {  	_ =	shalt  }
0x4d: {  	_ =	shalt  }
0x4e: {  	_ =	shalt  }
0x4f: {  	_ =	shalt  }
0x50: {  	_ =	shalt  }
0x51: {  	_ =	shalt  }
0x52: {  	_ =	shalt  }
0x53: {  	_ =	shalt  }
0x54: {  	_ =	shalt  }
0x55: {  	_ =	shalt  }
0x56: {  	_ =	shalt  }
0x57: {  	_ =	shalt  }
0x58: {  	_ =	shalt  }
0x59: {  	_ =	shalt  }
0x5a: {  	_ =	shalt  }
0x5b: {  	_ =	shalt  }
0x5c: {  	_ =	shalt  }
0x5d: {  	_ =	shalt  }
0x5e: {  	_ =	shalt  }
0x5f: {  	_ =	shalt  }
0x60: {  	_ =	shalt  }
0x61: {  	_ =	shalt  }
0x62: {  	_ =	shalt  }
0x63: {  	_ =	shalt  }
0x64: {  	_ =	shalt  }
0x65: {  	_ =	shalt  }
0x66: {  	_ =	shalt  }
0x67: {  	_ =	shalt  }
0x68: {  	_ =	shalt  }
0x69: {  	_ =	shalt  }
0x6a: {  	_ =	shalt  }
0x6b: {  	_ =	shalt  }
0x6c: {  	_ =	shalt  }
0x6d: {  	_ =	shalt  }
0x6e: {  	_ =	shalt  }
0x6f: {  	_ =	shalt  }
0x70: {  	_ =	shalt  }
0x71: {  	_ =	shalt  }
0x72: {  	_ =	shalt  }
0x73: {  	_ =	shalt  }
0x74: {  	_ =	shalt  }
0x75: {  	_ =	shalt  }
0x76: {  	_ =	shalt  }
0x77: {  	_ =	shalt  }
0x78: {  	_ =	shalt  }
0x79: {  	_ =	shalt  }
0x7a: {  	_ =	shalt  }
0x7b: {  	_ =	shalt  }
0x7c: {  	_ =	shalt  }
0x7d: {  	_ =	shalt  }
0x7e: {  	_ =	shalt  }
0x7f: {  	_ =	shalt  }
0x80: {  	_ =	shalt  }
0x81: {  	_ =	shalt  }
0x82: {  	_ =	shalt  }
0x83: {  	_ =	shalt  }
0x84: {  	_ =	shalt  }
0x85: {  	_ =	shalt  }
0x86: {  	_ =	shalt  }
0x87: {  	_ =	shalt  }
.Lfunc_end0:
.L_simem_size_0:
called_computation.2_lowered:
.L_overlay_start_0:
0x88: {  	s2 =	sld [smem:$0x3FD9]  }
0x89: {  	s3 =	sld [smem:$0x3FFE];
	_ =	sdelay $0x1  }
0x8a: {  	s1 =	srdreg.scid  }
0x8b: {  	s0 =	sand.u32 $0x1, s1  }
0x8c: {  	s17 =	sshll.u32 s0, $0xA;
	s2 =	sadd.s32 s3, s2  }
0x8d: {  	s2 =	sadd.s32 s2, s17  }
0x8e: {  	[smem:$0x3FB9] =	sst s2  }
0x8f: {  	_ = 	snop  }
0x90: {  	s2 =	sld [smem:$0x3FD0];
	(tm) =	ssettm $0x1  }
0x91: {  	s18 =	sld [smem:$0x3FFB];
	_ =	sdelay $0x3  }
0x92: {  	_ =	strace s18  }
0x93: {  	s3 =	sld [smem:$0x3FFC];
	_ =	sdelay $0x3  }
0x94: {  	_ =	strace s3  }
0x95: {  	s3 =	sld [smem:$0x3FFD];
	_ =	sdelay $0x3  }
0x96: {  	_ =	strace s3  }
0x97: {  	_ =	strace $0x8FFFFFFF  }
0x98: {  	s19 =	sld [smem:$0x3FDB];
	_ =	sdelay $0x1  }
0x99: {  	s4 =	simm.s32 $_scs_section_size  }
0x9a: {  	s5 =	simm.s32 $_size__tile_overlayer_lowered;
	s6 =	simm.s32 $_tile_overlayer_lowered  }
0x9b: {  	s22 =	simm.s32 $0x1BFF;
	s21 =	sshll.u32 s6, $0x1;
	s3 =	sadd.s32 s4, s19  }
0x9c: {  	s7 =	simm.s32 $0x0;
	s20 =	sshll.u32 s5, $0x1;
	s5 =	sadd.s32 s21, s3  }
0x9d: {  	[timem:s7], [sflag:s22] =	dma.local [hbm:s5], s20  }
0x9e: {  	_ =	swait.ge [sflag:s22], s20  }
0x9f: {  	s4 =	ssub.s32 $0x0, s20;
	[sflag:s22] =	ssyncset.done $0x0  }
0xa0: {  	[sflag:s22] =	ssyncadd.s32 s4;
	_ =	sdelay $0x1  }
0xa1: {  	s23 =	simm.s32 $0x1B8B  }
0xa2: {  	_ =	swait.ge [sflag:s23], $0x1  }
0xa3: {  	[sflag:s23] =	ssyncset.done $0x0  }
0xa4: {  	s25 =	simm.s32 $0x1B8E;
	s24 =	sld [smem:$0x3FFE];
	[sflag:s23] =	ssyncadd.s32 $0xFFFFFFFF  }
0xa5: {  	s26 =	simm.s32 $execute0_lowered;
	[smem:$0x3FD2] =	sst s25  }
0xa6: {  	s5 =	sshll.u32 s26, $0x1;
	_ =	strace $0x8000004C;
	[dreg:$0x1] =	wrdreg $0xFFFFFFFF  }
0xa7: {  	s28 =	simm.s32 $_size_execute0_lowered;
	s3 =	sadd.s32 s3, s5;
	[dreg:$0x0] =	wrdreg $0x0  }
0xa8: {  	s5 =	sshll.u32 s28, $0x1;
	[dreg:$0x2] =	wrdreg s3  }
0xa9: {  	[dreg:$0x3] =	wrdreg s5  }
0xaa: {  	[dreg:$0x4] =	wrdreg $0xC0  }
0xab: {  	_ =	task [dreg:s7], $0x5FFFF  }
0xac: {  	[dreg:$0x1] =	wrdreg $0xFFFFFFFF  }
0xad: {  	[dreg:$0x0] =	wrdreg $0x60  }
0xae: {  	[dreg:$0x2] =	wrdreg s24  }
0xaf: {  	[dreg:$0x3] =	wrdreg s2  }
0xb0: {  	[dreg:$0x4] =	wrdreg $0x69800  }
0xb1: {  	[dreg:$0x5] =	wrdreg $0x9  }
0xb2: {  	_ =	task.clear_ibuf [dreg:s7], $0x6FFFF;
	_ =	strace $0x9000004C  }
0xb3: {  	s29 =	simm.s32 $0x9;
	_ =	strace $0x8000004E  }
0xb4: {  	_ =	swait.ge [sflag:s29], $0x1  }
0xb5: {  	[sflag:s29] =	ssyncadd.s32 $0xFFFFFFFF  }
0xb6: {  	_ =	strace $0x9000004E  }
0xb7: {  	_ =	sfence  }
0xb8: {  	s30 =	sld [smem:$0x0];
	_ =	sdelay $0x2  }
0xb9: {  	s31 =	sshll.u32 s1, $0xD;
	s1 =	sshrl.u32 s1, $0x2  }
0xba: {  	s3 =	sand.u32 $0x4000, s31;
	s1 =	sadd.s32 s1, s30  }
0xbb: {  	s0 =	sor.u32 s3, s0;
	s1 =	sshll.u32 s1, $0x11  }
0xbc: {  	s0 =	sor.u32 s1, s0  }
0xbd: {  	s0 =	sadd.s32 $0x8F2B, s0  }
0xbe: {  	[sflag:s0] =	ssyncadd.remote.s32 $0x1  }
0xbf: {  	_ =	sfence.sel $0xFFFF  }
0xc0: {  	[dreg:$0x0] =	wrdreg $0xFFFFFFFF;
	(pc) =	sbr.abs _section_cstart, $3  }
0xc1: {  	[dreg:$0x1] =	wrdreg $0xFFFFFFFF  }
0xc2: {  	_ =	task.clear_ibuf [dreg:s7], $0x2FFFF;
	_ =	strace $0x9FFFFFFF  }
0xc3: {  	(tm) =	ssettm $0x7FFFFFFF  }
tec
execute0_lowered:
.L_overlay_start_1:
0x0: {  	(tag) =	ssettag $0x1  }
0x1: {  	s7 =	rddreg [dreg:$0x0]  }
0x2: {  	s11 =	rddreg [dreg:$0x1]  }
0x3: {  	s1 =	rddreg [dreg:$0x2]  }
0x4: {  	s2 =	srdreg.scid;
	s0 =	rddreg [dreg:$0x3];
	s3 =	simm.s32 $0x0  }
0x5: {  	s18 =	simm.s32 $0x6900;
	s19 =	simm.s32 $0x80;
	s20 =	simm.s32 $0x100  }
0x6: {  	s21 =	simm.s32 $0x1;
	s12 =	sand.u32 $0x1, s2;
	s2 =	stileid.u32  }
0x7: {  	s24 =	simm.s32 $0x0;
	[smem:$0x7FF] =	sst s3;
	s8 =	smul.u32 $0xC8000, s12  }
0x8: {  	s4 =	sadd.s32 $0x5800, s7;
	s5 =	sadd.s32 $0x40600, s7;
	s9 =	smul.u32 $0xC800, s2  }
0x9: {  	s6 =	sadd.s32 $0x5200, s7;
	_ =	strace $0x8000004D;
	s10 =	smul.u32 $0x32000, s2  }
0xa: {  	s30 =	ssub.s32 $0x2, s12;
	s15 =	sshll.u32 s2, $0x4;
	s16 =	smul.u32 $0x9E000, s12  }
0xb: {  	s12 =	sshll.u32 s12, $0x8;
	s17 =	smul.u32 $0x9E00, s2;
	s22 =	sshll.u32 s2, $0x6  }
0xc: {  	s31 =	sshrl.u32 s30, $0x1;
	s15 =	sadd.s32 s11, s15;
	s22 =	sor.u32 $0x1C02, s22  }
0xd: {  	s8 =	sadd.s32 s9, s8;
	s10 =	sshrl.u32 s10, $0x2;
	s14 =	ssub.s32 s30, s31  }
.Ltmp0:
0xe: {  	s12 =	sadd.s32 s12, s15;
	s15 =	sadd.s32 s17, s16;
	(pc) =	sbr.rel .LBB2_1-.Ltmp0, $4  }
0xf: {  	s16 =	simm.s32 $0x4100;
	s17 =	simm.s32 $0x2;
	s8 =	sshrl.u32 s8, $0x3  }
0x10: {  	s14 =	smax.u32 s14, $0x1;
	s13 =	sadd.s32 s8, s7;
	s7 =	sadd.s32 s10, s1  }
0x11: {  	s8 =	sadd.s32 $0x2800, s7;
	s9 =	sadd.s32 $0x5000, s7;
	s10 =	sadd.s32 $0x7800, s7  }
0x12: {  	s11 =	sadd.s32 $0xA000, s7;
	s13 =	sadd.s32 $0x8F000, s13;
	s23 =	sshrl.u32 s7, $0x3  }
.LBB2_5:
0x13: {  	s25 =	sadd.s32 s5, s28;
	[sflag:s17] =	ssyncadd.s32 @p0 $0xFFFFC000  }
0x14: {  	[tilespmem:s3], [sflag:$0x2] =	stream.linear.gather [hbm4b:s25+s3], $0x100, $0x38;
	[tilespmem:$0x13180] =	vst v63  }
0x15: {  	_ =	swait.ge [sflag:s17], $0x100  }
0x16: {  	[sflag:s17] =	ssyncset.done $0x0  }
0x17: {  	[sflag:s17] =	ssyncadd.s32 $0xFFFFFF00  }
0x18: {  	[tilespmem:s20], [sflag:$0x1] =	stream.indirect.gather [hbm4b:s4+s19], $0x80, s3, s19, $0xb8;
	[tilespmem:$0x13180] =	vst v63  }
0x19: {  	_ =	swait.ge [sflag:s21], $0x4000  }
0x1a: {  	[sflag:s21] =	ssyncset.done $0x0  }
0x1b: {  	[sflag:s21] =	ssyncadd.s32 $0xFFFFC000  }
0x1c: {  	[spmem:s1] =	stream.indirect.scatter.add.f32 [tilespmem:s20], [sflag:$0x2], $0x80, s19, s19, $0xb8;
	[tilespmem:$0x13180] =	vst v63  }
0x1d: {  	_ =	swait.ge [sflag:s17], $0x4000  }
0x1e: {  	[sflag:s17] =	ssyncset.done $0x0  }
0x1f: {  	[sflag:s17] =	ssyncadd.s32 $0xFFFFC000  }
.LBB2_6:
0x20: {  	s24 =	sadd.s32 $0x1, s24  }
0x21: {  	p0 =	sne.s32 s24, s14  }
.Ltmp1:
0x22: {  	[bflag:$0x0] =	sbarrier.arrive $0xFFFF;
	(pc) =	sbr.rel @!p0 .LBB2_7-.Ltmp1, $4  }
0x23: {  	[hbm:s13], [sflag:s22] =	dma.local [spmem:s23], $0x1900  }
0x24: {  	_ =	swait.ge [sflag:s17], $0x1900  }
0x25: {  	[sflag:s17] =	ssyncset.done $0x0  }
0x26: {  	[sflag:s17] =	ssyncadd.s32 $0xFFFFE700  }
.LBB2_1:
0x27: {  	[tilespmem:s16], [sflag:$0x2] =	stream.linear.gather [hbm4b:s6+s3], $0x2800, $0x38;
	[tilespmem:$0x13180] =	vst v63  }
0x28: {  	_ =	swait.ge [sflag:s17], $0x2800  }
0x29: {  	[sflag:s17] =	ssyncset.done $0x0  }
0x2a: {  	[sflag:s17] =	ssyncadd.s32 $0xFFFFD800  }
0x2b: {  	[spmem:s7] =	stream.linear.scatter [tilespmem:s16], [sflag:$0x2], $0x2800, $0x38;
	[tilespmem:$0x13180] =	vst v63  }
0x2c: {  	_ =	swait.ge [sflag:s17], $0x2800  }
0x2d: {  	[sflag:s17] =	ssyncset.done $0x0  }
0x2e: {  	[sflag:s17] =	ssyncadd.s32 $0xFFFFD800  }
0x2f: {  	[spmem:s8] =	stream.linear.scatter [tilespmem:s16], [sflag:$0x2], $0x2800, $0x38;
	[tilespmem:$0x13180] =	vst v63  }
0x30: {  	_ =	swait.ge [sflag:s17], $0x2800  }
0x31: {  	[sflag:s17] =	ssyncset.done $0x0  }
0x32: {  	[sflag:s17] =	ssyncadd.s32 $0xFFFFD800  }
0x33: {  	[spmem:s9] =	stream.linear.scatter [tilespmem:s16], [sflag:$0x2], $0x2800, $0x38;
	[tilespmem:$0x13180] =	vst v63  }
0x34: {  	_ =	swait.ge [sflag:s17], $0x2800  }
0x35: {  	[sflag:s17] =	ssyncset.done $0x0  }
0x36: {  	[sflag:s17] =	ssyncadd.s32 $0xFFFFD800  }
0x37: {  	[spmem:s10] =	stream.linear.scatter [tilespmem:s16], [sflag:$0x2], $0x2800, $0x38;
	[tilespmem:$0x13180] =	vst v63  }
0x38: {  	_ =	swait.ge [sflag:s17], $0x2800  }
0x39: {  	[sflag:s17] =	ssyncset.done $0x0  }
0x3a: {  	[sflag:s17] =	ssyncadd.s32 $0xFFFFD800  }
0x3b: {  	[spmem:s11] =	stream.linear.scatter [tilespmem:s16], [sflag:$0x2], $0x2800, $0x38;
	[tilespmem:$0x13180] =	vst v63  }
0x3c: {  	_ =	swait.ge [sflag:s17], $0x2800  }
0x3d: {  	[sflag:s17] =	ssyncset.done $0x0  }
0x3e: {  	[sflag:s17] =	ssyncadd.s32 $0xFFFFD800  }
0x3f: {  	[tilespmem:s18], [sflag:$0x2] =	stream.linear.gather [hbm4b:s12+s3], $0x80, $0x38;
	[tilespmem:$0x13180] =	vst v63  }
0x40: {  	_ =	swait.ge [sflag:s17], $0x80  }
0x41: {  	[sflag:s17] =	ssyncset.done $0x0  }
0x42: {  	[sflag:s17] =	ssyncadd.s32 $0xFFFFFF80  }
0x43: {  	v0 =	vld [tilespmem:$0x6900];
	_ =	sdelay $0x4  }
0x44: {  	v0 =	vxor.u32 $0x80000000, v0  }
0x45: {  	(xrf0) =	vmax.scan.msk.u32 $0xffff, v0;
	_ =	sdelay $0x5  }
0x46: {  	v0, _, _ =	vpop (xrf0)  }
0x47: {  	(v2sf) =	vpush v0, $0xF;
	_ =	sdelay $0xe  }
0x48: {  	s25 =	spop (v2sf)  }
0x49: {  	s25 =	sxor.u32 $0x80000000, s25  }
0x4a: {  	p0 =	slt.s32 s25, $0x1  }
.Ltmp2:
0x4b: {  	_ = 	snop;
	(pc) =	sbr.rel @p0 .LBB2_6-.Ltmp2, $2  }
0x4c: {  	_ =	sdelay $0x1  }
0x4d: {  	[bflag:$0x0] =	sbarrier.arrive $0xFFFF;
	_ =	sdelay $0x1  }
0x4e: {  	p1 =	sne.s32 s25, $0x1  }
.Ltmp3:
0x4f: {  	_ = 	snop;
	(pc) =	sbr.rel @!p1 .LBB2_5-.Ltmp3, $2  }
0x50: {  	_ =	sdelay $0x2  }
0x51: {  	s25 =	sadd.s32 $0xFFFFFFFF, s25;
	s28 =	sshrl.u32 s15, $0x3;
	p0 =	por $0x0, $0x0  }
0x52: {  	s26 =	sadd.s32 s5, s28  }
0x53: {  	[tilespmem:s3], [sflag:$0x2] =	stream.linear.gather [hbm4b:s26+s3], $0x100, $0x38;
	[tilespmem:$0x13180] =	vst v63  }
0x54: {  	_ =	swait.ge [sflag:s17], $0x100  }
0x55: {  	[sflag:s17] =	ssyncset.done $0x0  }
0x56: {  	[sflag:s17] =	ssyncadd.s32 $0xFFFFFF00  }
0x57: {  	[tilespmem:s20], [sflag:$0x1] =	stream.indirect.gather [hbm4b:s4+s19], $0x80, s3, s19, $0xb8;
	[tilespmem:$0x13180] =	vst v63  }
0x58: {  	p1 =	sne.s32 s25, $0x1;
	_ =	swait.ge [sflag:s21], $0x4000  }
.Ltmp4:
0x59: {  	[sflag:s21] =	ssyncset.done $0x0;
	(pc) =	sbr.rel @!p1 .LBB2_5-.Ltmp4, $4  }
0x5a: {  	[sflag:s21] =	ssyncadd.s32 $0xFFFFC000  }
0x5b: {  	[spmem:s1] =	stream.indirect.scatter.add.f32 [tilespmem:s20], [sflag:$0x2], $0x80, s19, s19, $0xb8;
	[tilespmem:$0x13180] =	vst v63  }
0x5c: {  	s25 =	sadd.s32 $0xFFFFFFFF, s25;
	s26 =	sadd.s32 $0x100, s15;
	_ =	swait.ge [sflag:s17], $0x4000  }
0x5d: {  	p0 =	por $0x1, $0x1;
	s28 =	sshrl.u32 s26, $0x3;
	[sflag:s17] =	ssyncset.done $0x0  }
.LBB2_4:
0x5e: {  	p1 =	sne.s32 s25, $0x1;
	s28 =	sadd.s32 s5, s28;
	[sflag:s17] =	ssyncadd.s32 $0xFFFFC000  }
0x5f: {  	[tilespmem:s3], [sflag:$0x2] =	stream.linear.gather [hbm4b:s28+s3], $0x100, $0x38;
	[tilespmem:$0x13180] =	vst v63  }
0x60: {  	s25 =	sadd.s32 $0xFFFFFFFF, s25;
	_ =	swait.ge [sflag:s17], $0x100  }
0x61: {  	[sflag:s17] =	ssyncset.done $0x0  }
0x62: {  	[sflag:s17] =	ssyncadd.s32 $0xFFFFFF00  }
0x63: {  	[tilespmem:s20], [sflag:$0x1] =	stream.indirect.gather [hbm4b:s4+s19], $0x80, s3, s19, $0xb8;
	[tilespmem:$0x13180] =	vst v63  }
0x64: {  	_ =	swait.ge [sflag:s21], $0x4000  }
.Ltmp5:
0x65: {  	[sflag:s21] =	ssyncset.done $0x0;
	(pc) =	sbr.rel @p1 .LBB2_4-.Ltmp5, $4  }
0x66: {  	[sflag:s21] =	ssyncadd.s32 $0xFFFFC000  }
0x67: {  	[spmem:s1] =	stream.indirect.scatter.add.f32 [tilespmem:s20], [sflag:$0x2], $0x80, s19, s19, $0xb8;
	[tilespmem:$0x13180] =	vst v63  }
0x68: {  	s26 =	sadd.s32 $0x100, s26;
	_ =	swait.ge [sflag:s17], $0x4000  }
0x69: {  	s28 =	sshrl.u32 s26, $0x3;
	[sflag:s17] =	ssyncset.done $0x0  }
.Ltmp6:
0x6a: {  	_ = 	snop;
	(pc) =	sbr.rel .LBB2_5-.Ltmp6, $1  }
0x6b: {  	_ =	sdelay $0x3  }
.LBB2_7:
0x6c: {  	_ =	sfence.sel $0x180000  }
0x6d: {  	[bflag:$0x0] =	sbarrier.arrive $0xFFFF  }
0x6e: {  	p0 =	sne.s32 s2, $0x0;
	_ =	strace $0x9000004D  }
0x6f: {  	s0 =	sadd.s32 @!p0 $0x100000, s0;
	[bflag:$0x2] =	sbarrier.arrive $0xFFFF  }
0x70: {  	[sflag:s0] =	ssyncadd.tile.s32 @!p0 $0x1;
	_ =	shalt  }
.Lfunc_end2:
_tile_overlayer_lowered:
.L_overlay_start_2:
0x71: {  	(tag) =	ssettag $0x2  }
0x72: {  	s0 =	rddreg [dreg:$0x0];
	s2 =	stileid.u32  }
0x73: {  	s1 =	rddreg [dreg:$0x1];
	p0 =	sne.s32 s2, $0x0  }
0x74: {  	s3 =	rddreg [dreg:$0x2];
	[bflag:$0x3] =	sbarrier.arrive $0xFFFF;
	s2 =	simm.s32 @!p0 $0x1C02  }
0x75: {  	[timem:s3], [sflag:s2] =	dma.local @!p0 [hbm:s0], s1  }
0x76: {  	s0 =	simm.s32 @!p0 $0x2  }
0x77: {  	_ =	swait.ge @!p0 [sflag:s0], s1  }
0x78: {  	s1 =	ssub.s32 @!p0 $0x0, s1;
	[sflag:s0] =	ssyncset.done @!p0 $0x0  }
0x79: {  	[sflag:s0] =	ssyncadd.s32 @!p0 s1  }
0x7a: {  	[bflag:$0x3] =	sbarrier.arrive $0xFFFF  }
0x7b: {  	_ =	shalt  }

// kernel: kernel.20.cloned.1.call-start
scs
__scs_entry_jumppad:
0x0: {  	(pc) =	sbr.rel $0x88, $3  }
0x1: {  	(tag) =	ssettag $0x0;
	lr =	simm.s32 $0x1  }
0x2: {  	[smem:$0x3F92] =	sst lr;
	_ =	strace $0xD0000000  }
0x3: {  	_ = 	snop  }
0x4: {  	_ = 	snop  }
0x5: {  	_ = 	snop  }
0x6: {  	_ = 	snop  }
0x7: {  	_ = 	snop  }
__scs_overlays_trampoline_lowered:
0x8: {  	[smem:$0x3FA1] =	sst s0  }
0x9: {  	[smem:$0x3FA2] =	sst s1  }
0xa: {  	[smem:$0x3FA3] =	sst s2  }
0xb: {  	[smem:$0x3FA4] =	sst s3  }
0xc: {  	[smem:$0x3FA5] =	sst s4  }
0xd: {  	[smem:$0x3FA6] =	sst s5  }
0xe: {  	[smem:$0x3FA7] =	sst s6  }
0xf: {  	[smem:$0x3FA8] =	sst s7  }
0x10: {  	[smem:$0x3FA9] =	sst s8  }
0x11: {  	[smem:$0x3FAA] =	sst s9;
	s0 =	simm.s32 @!p0 $0x0  }
0x12: {  	s1 =	sld [smem:$0x3F90];
	s0 =	simm.s32 @p0 $0x1  }
0x13: {  	[smem:$0x3FAB] =	sst s0;
	s0 =	simm.s32 @!p1 $0x0  }
0x14: {  	s2 =	sld [smem:$0x3F8F];
	s0 =	simm.s32 @p1 $0x1  }
0x15: {  	[smem:$0x3FAC] =	sst s0;
	s0 =	simm.s32 @!p2 $0x0  }
0x16: {  	s3 =	sld [smem:$0x3FDB];
	s0 =	simm.s32 @p2 $0x1  }
0x17: {  	s4 =	simm.s32 $0x1BF5;
	[smem:$0x3FAE] =	sst s0  }
0x18: {  	s0 =	sld [smem:$0x3F91];
	_ =	swait.ge [sflag:s4], $0x0  }
0x19: {  	s7 =	sld [smem:$0x3F92]  }
0x1a: {  	s8 =	sadd.s32 $0xFFFFE003, lr  }
0x1b: {  	s9 =	sadd.s32 $0xFFFFFEF7, lr;
	s5 =	simm.s32 $0xFFFFFFFF;
	p2 =	slt.u32 s8, $0xFFFFF086  }
0x1c: {  	p1 =	slt.u32 s9, $0xF7A;
	s5 =	simm.s32 @!p2 $0x0  }
0x1d: {  	s5 =	simm.s32 @p1 $0x1;
	p0 =	seq.s32 s7, s2  }
0x1e: {  	s7 =	smul.u32 @!p0 $0xF7A, s2;
	p2 =	seq.s32 @!p0 s5, $0x0  }
0x1f: {  	s9 =	smul.u32 $0xF7A, s1;
	s8 =	simm.s32 @!p0 $0x1BF5;
	p2 =	por !p2, p0  }
0x20: {  	[sflag:s8] =	ssyncset.s32 @!p0 $0xFFFFF086;
	s6 =	sadd.s32 @!p0 s3, s7;
	s7 =	simm.s32 @!p0 $0x108  }
0x21: {  	s3 =	sadd.s32 s3, s9;
	s6 =	sadd.s32 @!p0 $0x88, s6;
	s7 =	simm.s32 @p2 $0x1082  }
0x22: {  	[simem:s7], [sflag:s8] =	dma.local @!p0 [hbm:s6], $0xF7A  }
0x23: {  	s9 =	sor.u32 $0xD0000000, s2;
	s6 =	simm.s32 $0x108;
	_ =	swait.ge @!p0 [sflag:s8], $0x0  }
0x24: {  	s3 =	sadd.s32 $0x88, s3;
	s6 =	simm.s32 @!p1 $0x1082;
	[sflag:s4] =	ssyncset.s32 $0xFFFFF086  }
0x25: {  	[simem:s6], [sflag:s4] =	dma.local [hbm:s3], $0xF7A  }
0x26: {  	[smem:$0x3F92] =	sst s1;
	(tag) =	ssettag s2;
	_ =	strace s9  }
0x27: {  	s1 =	sld [smem:$0x3FA2]  }
0x28: {  	s2 =	sld [smem:$0x3FA3]  }
0x29: {  	s4 =	sld [smem:$0x3FA5]  }
0x2a: {  	p0 =	seq.s32 s5, $0x0;
	s5 =	sld [smem:$0x3FA6]  }
0x2b: {  	s6 =	sld [smem:$0x3FA7]  }
0x2c: {  	s7 =	sld [smem:$0x3FA8]  }
0x2d: {  	s3 =	simm.s32 $0x108;
	s8 =	sld [smem:$0x3FA9]  }
0x2e: {  	s3 =	simm.s32 @!p0 $0x1082;
	s9 =	sld [smem:$0x3FAA]  }
0x2f: {  	lr =	sadd.s32 s0, s3;
	s0 =	sld [smem:$0x3FA1]  }
0x30: {  	s3 =	sld [smem:$0x3FA4]  }
0x31: {  	[smem:$0x3FAD] =	sst s10  }
0x32: {  	s10 =	sld [smem:$0x3FAB];
	_ =	sdelay $0x3  }
0x33: {  	p0 =	seq.s32 s10, $0x1;
	s10 =	sld [smem:$0x3FAD];
	_ =	sdelay $0x3  }
0x34: {  	[smem:$0x3FAD] =	sst s10  }
0x35: {  	s10 =	sld [smem:$0x3FAC];
	_ =	sdelay $0x3  }
0x36: {  	p1 =	seq.s32 s10, $0x1;
	s10 =	sld [smem:$0x3FAD];
	_ =	sdelay $0x3  }
0x37: {  	[smem:$0x3FAD] =	sst s10  }
0x38: {  	s10 =	sld [smem:$0x3FAE]  }
0x39: {  	_ = 	snop;
	(pc) =	sbr.ind lr, $3  }
0x3a: {  	_ = 	snop  }
0x3b: {  	_ = 	snop  }
0x3c: {  	p2 =	seq.s32 s10, $0x1;
	s10 =	sld [smem:$0x3FAD]  }
0x3d: {  	_ =	shalt  }
0x3e: {  	_ =	shalt  }
0x3f: {  	_ =	shalt  }
0x40: {  	_ =	shalt  }
0x41: {  	_ =	shalt  }
0x42: {  	_ =	shalt  }
0x43: {  	_ =	shalt  }
0x44: {  	_ =	shalt  }
0x45: {  	_ =	shalt  }
0x46: {  	_ =	shalt  }
0x47: {  	_ =	shalt  }
0x48: {  	_ =	shalt  }
0x49: {  	_ =	shalt  }
0x4a: {  	_ =	shalt  }
0x4b: {  	_ =	shalt  }
0x4c: {  	_ =	shalt  }
0x4d: {  	_ =	shalt  }
0x4e: {  	_ =	shalt  }
0x4f: {  	_ =	shalt  }
0x50: {  	_ =	shalt  }
0x51: {  	_ =	shalt  }
0x52: {  	_ =	shalt  }
0x53: {  	_ =	shalt  }
0x54: {  	_ =	shalt  }
0x55: {  	_ =	shalt  }
0x56: {  	_ =	shalt  }
0x57: {  	_ =	shalt  }
0x58: {  	_ =	shalt  }
0x59: {  	_ =	shalt  }
0x5a: {  	_ =	shalt  }
0x5b: {  	_ =	shalt  }
0x5c: {  	_ =	shalt  }
0x5d: {  	_ =	shalt  }
0x5e: {  	_ =	shalt  }
0x5f: {  	_ =	shalt  }
0x60: {  	_ =	shalt  }
0x61: {  	_ =	shalt  }
0x62: {  	_ =	shalt  }
0x63: {  	_ =	shalt  }
0x64: {  	_ =	shalt  }
0x65: {  	_ =	shalt  }
0x66: {  	_ =	shalt  }
0x67: {  	_ =	shalt  }
0x68: {  	_ =	shalt  }
0x69: {  	_ =	shalt  }
0x6a: {  	_ =	shalt  }
0x6b: {  	_ =	shalt  }
0x6c: {  	_ =	shalt  }
0x6d: {  	_ =	shalt  }
0x6e: {  	_ =	shalt  }
0x6f: {  	_ =	shalt  }
0x70: {  	_ =	shalt  }
0x71: {  	_ =	shalt  }
0x72: {  	_ =	shalt  }
0x73: {  	_ =	shalt  }
0x74: {  	_ =	shalt  }
0x75: {  	_ =	shalt  }
0x76: {  	_ =	shalt  }
0x77: {  	_ =	shalt  }
0x78: {  	_ =	shalt  }
0x79: {  	_ =	shalt  }
0x7a: {  	_ =	shalt  }
0x7b: {  	_ =	shalt  }
0x7c: {  	_ =	shalt  }
0x7d: {  	_ =	shalt  }
0x7e: {  	_ =	shalt  }
0x7f: {  	_ =	shalt  }
0x80: {  	_ =	shalt  }
0x81: {  	_ =	shalt  }
0x82: {  	_ =	shalt  }
0x83: {  	_ =	shalt  }
0x84: {  	_ =	shalt  }
0x85: {  	_ =	shalt  }
0x86: {  	_ =	shalt  }
0x87: {  	_ =	shalt  }
.Lfunc_end0:
.L_simem_size_0:
called_computation.3_lowered:
.L_overlay_start_0:
0x88: {  	s2 =	sld [smem:$0x3FD9]  }
0x89: {  	s3 =	sld [smem:$0x3FFE];
	_ =	sdelay $0x1  }
0x8a: {  	s1 =	srdreg.scid  }
0x8b: {  	s0 =	sand.u32 $0x1, s1  }
0x8c: {  	s17 =	sshll.u32 s0, $0xA;
	s2 =	sadd.s32 s3, s2  }
0x8d: {  	s2 =	sadd.s32 s2, s17  }
0x8e: {  	[smem:$0x3FB9] =	sst s2  }
0x8f: {  	_ = 	snop  }
0x90: {  	s2 =	sld [smem:$0x3FD0];
	(tm) =	ssettm $0x1  }
0x91: {  	s18 =	sld [smem:$0x3FFB];
	_ =	sdelay $0x3  }
0x92: {  	_ =	strace s18  }
0x93: {  	s3 =	sld [smem:$0x3FFC];
	_ =	sdelay $0x3  }
0x94: {  	_ =	strace s3  }
0x95: {  	s3 =	sld [smem:$0x3FFD];
	_ =	sdelay $0x3  }
0x96: {  	_ =	strace s3  }
0x97: {  	_ =	strace $0x8FFFFFFF  }
0x98: {  	s19 =	sld [smem:$0x3FDB];
	_ =	sdelay $0x1  }
0x99: {  	s4 =	simm.s32 $_scs_section_size  }
0x9a: {  	s5 =	simm.s32 $_size__tile_overlayer_lowered;
	s6 =	simm.s32 $_tile_overlayer_lowered  }
0x9b: {  	s22 =	simm.s32 $0x1BFF;
	s21 =	sshll.u32 s6, $0x1;
	s3 =	sadd.s32 s4, s19  }
0x9c: {  	s7 =	simm.s32 $0x0;
	s20 =	sshll.u32 s5, $0x1;
	s5 =	sadd.s32 s21, s3  }
0x9d: {  	[timem:s7], [sflag:s22] =	dma.local [hbm:s5], s20  }
0x9e: {  	_ =	swait.ge [sflag:s22], s20  }
0x9f: {  	s4 =	ssub.s32 $0x0, s20;
	[sflag:s22] =	ssyncset.done $0x0  }
0xa0: {  	[sflag:s22] =	ssyncadd.s32 s4;
	_ =	sdelay $0x1  }
0xa1: {  	s23 =	simm.s32 $0x1B8B  }
0xa2: {  	_ =	swait.ge [sflag:s23], $0x1  }
0xa3: {  	[sflag:s23] =	ssyncset.done $0x0  }
0xa4: {  	s25 =	simm.s32 $0x1B8E;
	s24 =	sld [smem:$0x3FFE];
	[sflag:s23] =	ssyncadd.s32 $0xFFFFFFFF  }
0xa5: {  	s26 =	simm.s32 $execute0_lowered;
	[smem:$0x3FD2] =	sst s25  }
0xa6: {  	s5 =	sshll.u32 s26, $0x1;
	_ =	strace $0x8000004F;
	[dreg:$0x1] =	wrdreg $0xFFFFFFFF  }
0xa7: {  	s28 =	simm.s32 $_size_execute0_lowered;
	s3 =	sadd.s32 s3, s5;
	[dreg:$0x0] =	wrdreg $0x0  }
0xa8: {  	s5 =	sshll.u32 s28, $0x1;
	[dreg:$0x2] =	wrdreg s3  }
0xa9: {  	[dreg:$0x3] =	wrdreg s5  }
0xaa: {  	[dreg:$0x4] =	wrdreg $0xC0  }
0xab: {  	_ =	task [dreg:s7], $0x5FFFF  }
0xac: {  	[dreg:$0x1] =	wrdreg $0xFFFFFFFF  }
0xad: {  	[dreg:$0x0] =	wrdreg $0x60  }
0xae: {  	[dreg:$0x2] =	wrdreg s24  }
0xaf: {  	[dreg:$0x3] =	wrdreg s2  }
0xb0: {  	[dreg:$0x4] =	wrdreg $0x69800  }
0xb1: {  	[dreg:$0x5] =	wrdreg $0x9  }
0xb2: {  	_ =	task.clear_ibuf [dreg:s7], $0x6FFFF;
	_ =	strace $0x9000004F  }
0xb3: {  	s29 =	simm.s32 $0x9;
	_ =	strace $0x80000051  }
0xb4: {  	_ =	swait.ge [sflag:s29], $0x1  }
0xb5: {  	[sflag:s29] =	ssyncadd.s32 $0xFFFFFFFF  }
0xb6: {  	_ =	strace $0x90000051  }
0xb7: {  	_ =	sfence  }
0xb8: {  	s30 =	sld [smem:$0x0];
	_ =	sdelay $0x2  }
0xb9: {  	s31 =	sshll.u32 s1, $0xD;
	s1 =	sshrl.u32 s1, $0x2  }
0xba: {  	s3 =	sand.u32 $0x4000, s31;
	s1 =	sadd.s32 s1, s30  }
0xbb: {  	s0 =	sor.u32 s3, s0;
	s1 =	sshll.u32 s1, $0x11  }
0xbc: {  	s0 =	sor.u32 s1, s0  }
0xbd: {  	s0 =	sadd.s32 $0x8F2B, s0  }
0xbe: {  	[sflag:s0] =	ssyncadd.remote.s32 $0x1  }
0xbf: {  	_ =	sfence.sel $0xFFFF  }
0xc0: {  	[dreg:$0x0] =	wrdreg $0xFFFFFFFF;
	(pc) =	sbr.abs _section_cstart, $3  }
0xc1: {  	[dreg:$0x1] =	wrdreg $0xFFFFFFFF  }
0xc2: {  	_ =	task.clear_ibuf [dreg:s7], $0x2FFFF;
	_ =	strace $0x9FFFFFFF  }
0xc3: {  	(tm) =	ssettm $0x7FFFFFFF  }
tec
execute0_lowered:
.L_overlay_start_1:
0x0: {  	(tag) =	ssettag $0x1  }
0x1: {  	s7 =	rddreg [dreg:$0x0]  }
0x2: {  	s11 =	rddreg [dreg:$0x1]  }
0x3: {  	s1 =	rddreg [dreg:$0x2]  }
0x4: {  	s2 =	srdreg.scid;
	s0 =	rddreg [dreg:$0x3];
	s3 =	simm.s32 $0x0  }
0x5: {  	s18 =	simm.s32 $0x6900;
	s19 =	simm.s32 $0x80;
	s20 =	simm.s32 $0x100  }
0x6: {  	s21 =	simm.s32 $0x1;
	s12 =	sand.u32 $0x1, s2;
	s2 =	stileid.u32  }
0x7: {  	s24 =	simm.s32 $0x0;
	[smem:$0x7FF] =	sst s3;
	s8 =	smul.u32 $0xC8000, s12  }
0x8: {  	s4 =	sadd.s32 $0x5800, s7;
	s5 =	sadd.s32 $0x40600, s7;
	s9 =	smul.u32 $0xC800, s2  }
0x9: {  	s6 =	sadd.s32 $0x5200, s7;
	_ =	strace $0x80000050;
	s10 =	smul.u32 $0x32000, s2  }
0xa: {  	s30 =	ssub.s32 $0x2, s12;
	s15 =	sshll.u32 s2, $0x4;
	s16 =	smul.u32 $0x9E000, s12  }
0xb: {  	s12 =	sshll.u32 s12, $0x8;
	s17 =	smul.u32 $0x9E00, s2;
	s22 =	sshll.u32 s2, $0x6  }
0xc: {  	s31 =	sshrl.u32 s30, $0x1;
	s15 =	sadd.s32 s11, s15;
	s22 =	sor.u32 $0x1C02, s22  }
0xd: {  	s8 =	sadd.s32 s9, s8;
	s10 =	sshrl.u32 s10, $0x2;
	s14 =	ssub.s32 s30, s31  }
.Ltmp0:
0xe: {  	s12 =	sadd.s32 s12, s15;
	s15 =	sadd.s32 s17, s16;
	(pc) =	sbr.rel .LBB2_1-.Ltmp0, $4  }
0xf: {  	s16 =	simm.s32 $0x4100;
	s17 =	simm.s32 $0x2;
	s8 =	sshrl.u32 s8, $0x3  }
0x10: {  	s14 =	smax.u32 s14, $0x1;
	s13 =	sadd.s32 s8, s7;
	s7 =	sadd.s32 s10, s1  }
0x11: {  	s8 =	sadd.s32 $0x2800, s7;
	s9 =	sadd.s32 $0x5000, s7;
	s10 =	sadd.s32 $0x7800, s7  }
0x12: {  	s11 =	sadd.s32 $0xA000, s7;
	s13 =	sadd.s32 $0x8F000, s13;
	s23 =	sshrl.u32 s7, $0x3  }
.LBB2_5:
0x13: {  	s25 =	sadd.s32 s5, s28;
	[sflag:s17] =	ssyncadd.s32 @p0 $0xFFFFC000  }
0x14: {  	[tilespmem:s3], [sflag:$0x2] =	stream.linear.gather [hbm4b:s25+s3], $0x100, $0x38;
	[tilespmem:$0x13180] =	vst v63  }
0x15: {  	_ =	swait.ge [sflag:s17], $0x100  }
0x16: {  	[sflag:s17] =	ssyncset.done $0x0  }
0x17: {  	[sflag:s17] =	ssyncadd.s32 $0xFFFFFF00  }
0x18: {  	[tilespmem:s20], [sflag:$0x1] =	stream.indirect.gather [hbm4b:s4+s19], $0x80, s3, s19, $0xb8;
	[tilespmem:$0x13180] =	vst v63  }
0x19: {  	_ =	swait.ge [sflag:s21], $0x4000  }
0x1a: {  	[sflag:s21] =	ssyncset.done $0x0  }
0x1b: {  	[sflag:s21] =	ssyncadd.s32 $0xFFFFC000  }
0x1c: {  	[spmem:s1] =	stream.indirect.scatter.add.f32 [tilespmem:s20], [sflag:$0x2], $0x80, s19, s19, $0xb8;
	[tilespmem:$0x13180] =	vst v63  }
0x1d: {  	_ =	swait.ge [sflag:s17], $0x4000  }
0x1e: {  	[sflag:s17] =	ssyncset.done $0x0  }
0x1f: {  	[sflag:s17] =	ssyncadd.s32 $0xFFFFC000  }
.LBB2_6:
0x20: {  	s24 =	sadd.s32 $0x1, s24  }
0x21: {  	p0 =	sne.s32 s24, s14  }
.Ltmp1:
0x22: {  	[bflag:$0x0] =	sbarrier.arrive $0xFFFF;
	(pc) =	sbr.rel @!p0 .LBB2_7-.Ltmp1, $4  }
0x23: {  	[hbm:s13], [sflag:s22] =	dma.local [spmem:s23], $0x1900  }
0x24: {  	_ =	swait.ge [sflag:s17], $0x1900  }
0x25: {  	[sflag:s17] =	ssyncset.done $0x0  }
0x26: {  	[sflag:s17] =	ssyncadd.s32 $0xFFFFE700  }
.LBB2_1:
0x27: {  	[tilespmem:s16], [sflag:$0x2] =	stream.linear.gather [hbm4b:s6+s3], $0x2800, $0x38;
	[tilespmem:$0x13180] =	vst v63  }
0x28: {  	_ =	swait.ge [sflag:s17], $0x2800  }
0x29: {  	[sflag:s17] =	ssyncset.done $0x0  }
0x2a: {  	[sflag:s17] =	ssyncadd.s32 $0xFFFFD800  }
0x2b: {  	[spmem:s7] =	stream.linear.scatter [tilespmem:s16], [sflag:$0x2], $0x2800, $0x38;
	[tilespmem:$0x13180] =	vst v63  }
0x2c: {  	_ =	swait.ge [sflag:s17], $0x2800  }
0x2d: {  	[sflag:s17] =	ssyncset.done $0x0  }
0x2e: {  	[sflag:s17] =	ssyncadd.s32 $0xFFFFD800  }
0x2f: {  	[spmem:s8] =	stream.linear.scatter [tilespmem:s16], [sflag:$0x2], $0x2800, $0x38;
	[tilespmem:$0x13180] =	vst v63  }
0x30: {  	_ =	swait.ge [sflag:s17], $0x2800  }
0x31: {  	[sflag:s17] =	ssyncset.done $0x0  }
0x32: {  	[sflag:s17] =	ssyncadd.s32 $0xFFFFD800  }
0x33: {  	[spmem:s9] =	stream.linear.scatter [tilespmem:s16], [sflag:$0x2], $0x2800, $0x38;
	[tilespmem:$0x13180] =	vst v63  }
0x34: {  	_ =	swait.ge [sflag:s17], $0x2800  }
0x35: {  	[sflag:s17] =	ssyncset.done $0x0  }
0x36: {  	[sflag:s17] =	ssyncadd.s32 $0xFFFFD800  }
0x37: {  	[spmem:s10] =	stream.linear.scatter [tilespmem:s16], [sflag:$0x2], $0x2800, $0x38;
	[tilespmem:$0x13180] =	vst v63  }
0x38: {  	_ =	swait.ge [sflag:s17], $0x2800  }
0x39: {  	[sflag:s17] =	ssyncset.done $0x0  }
0x3a: {  	[sflag:s17] =	ssyncadd.s32 $0xFFFFD800  }
0x3b: {  	[spmem:s11] =	stream.linear.scatter [tilespmem:s16], [sflag:$0x2], $0x2800, $0x38;
	[tilespmem:$0x13180] =	vst v63  }
0x3c: {  	_ =	swait.ge [sflag:s17], $0x2800  }
0x3d: {  	[sflag:s17] =	ssyncset.done $0x0  }
0x3e: {  	[sflag:s17] =	ssyncadd.s32 $0xFFFFD800  }
0x3f: {  	[tilespmem:s18], [sflag:$0x2] =	stream.linear.gather [hbm4b:s12+s3], $0x80, $0x38;
	[tilespmem:$0x13180] =	vst v63  }
0x40: {  	_ =	swait.ge [sflag:s17], $0x80  }
0x41: {  	[sflag:s17] =	ssyncset.done $0x0  }
0x42: {  	[sflag:s17] =	ssyncadd.s32 $0xFFFFFF80  }
0x43: {  	v0 =	vld [tilespmem:$0x6900];
	_ =	sdelay $0x4  }
0x44: {  	v0 =	vxor.u32 $0x80000000, v0  }
0x45: {  	(xrf0) =	vmax.scan.msk.u32 $0xffff, v0;
	_ =	sdelay $0x5  }
0x46: {  	v0, _, _ =	vpop (xrf0)  }
0x47: {  	(v2sf) =	vpush v0, $0xF;
	_ =	sdelay $0xe  }
0x48: {  	s25 =	spop (v2sf)  }
0x49: {  	s25 =	sxor.u32 $0x80000000, s25  }
0x4a: {  	p0 =	slt.s32 s25, $0x1  }
.Ltmp2:
0x4b: {  	_ = 	snop;
	(pc) =	sbr.rel @p0 .LBB2_6-.Ltmp2, $2  }
0x4c: {  	_ =	sdelay $0x1  }
0x4d: {  	[bflag:$0x0] =	sbarrier.arrive $0xFFFF;
	_ =	sdelay $0x1  }
0x4e: {  	p1 =	sne.s32 s25, $0x1  }
.Ltmp3:
0x4f: {  	_ = 	snop;
	(pc) =	sbr.rel @!p1 .LBB2_5-.Ltmp3, $2  }
0x50: {  	_ =	sdelay $0x2  }
0x51: {  	s25 =	sadd.s32 $0xFFFFFFFF, s25;
	s28 =	sshrl.u32 s15, $0x3;
	p0 =	por $0x0, $0x0  }
0x52: {  	s26 =	sadd.s32 s5, s28  }
0x53: {  	[tilespmem:s3], [sflag:$0x2] =	stream.linear.gather [hbm4b:s26+s3], $0x100, $0x38;
	[tilespmem:$0x13180] =	vst v63  }
0x54: {  	_ =	swait.ge [sflag:s17], $0x100  }
0x55: {  	[sflag:s17] =	ssyncset.done $0x0  }
0x56: {  	[sflag:s17] =	ssyncadd.s32 $0xFFFFFF00  }
0x57: {  	[tilespmem:s20], [sflag:$0x1] =	stream.indirect.gather [hbm4b:s4+s19], $0x80, s3, s19, $0xb8;
	[tilespmem:$0x13180] =	vst v63  }
0x58: {  	p1 =	sne.s32 s25, $0x1;
	_ =	swait.ge [sflag:s21], $0x4000  }
.Ltmp4:
0x59: {  	[sflag:s21] =	ssyncset.done $0x0;
	(pc) =	sbr.rel @!p1 .LBB2_5-.Ltmp4, $4  }
0x5a: {  	[sflag:s21] =	ssyncadd.s32 $0xFFFFC000  }
0x5b: {  	[spmem:s1] =	stream.indirect.scatter.add.f32 [tilespmem:s20], [sflag:$0x2], $0x80, s19, s19, $0xb8;
	[tilespmem:$0x13180] =	vst v63  }
0x5c: {  	s25 =	sadd.s32 $0xFFFFFFFF, s25;
	s26 =	sadd.s32 $0x100, s15;
	_ =	swait.ge [sflag:s17], $0x4000  }
0x5d: {  	p0 =	por $0x1, $0x1;
	s28 =	sshrl.u32 s26, $0x3;
	[sflag:s17] =	ssyncset.done $0x0  }
.LBB2_4:
0x5e: {  	p1 =	sne.s32 s25, $0x1;
	s28 =	sadd.s32 s5, s28;
	[sflag:s17] =	ssyncadd.s32 $0xFFFFC000  }
0x5f: {  	[tilespmem:s3], [sflag:$0x2] =	stream.linear.gather [hbm4b:s28+s3], $0x100, $0x38;
	[tilespmem:$0x13180] =	vst v63  }
0x60: {  	s25 =	sadd.s32 $0xFFFFFFFF, s25;
	_ =	swait.ge [sflag:s17], $0x100  }
0x61: {  	[sflag:s17] =	ssyncset.done $0x0  }
0x62: {  	[sflag:s17] =	ssyncadd.s32 $0xFFFFFF00  }
0x63: {  	[tilespmem:s20], [sflag:$0x1] =	stream.indirect.gather [hbm4b:s4+s19], $0x80, s3, s19, $0xb8;
	[tilespmem:$0x13180] =	vst v63  }
0x64: {  	_ =	swait.ge [sflag:s21], $0x4000  }
.Ltmp5:
0x65: {  	[sflag:s21] =	ssyncset.done $0x0;
	(pc) =	sbr.rel @p1 .LBB2_4-.Ltmp5, $4  }
0x66: {  	[sflag:s21] =	ssyncadd.s32 $0xFFFFC000  }
0x67: {  	[spmem:s1] =	stream.indirect.scatter.add.f32 [tilespmem:s20], [sflag:$0x2], $0x80, s19, s19, $0xb8;
	[tilespmem:$0x13180] =	vst v63  }
0x68: {  	s26 =	sadd.s32 $0x100, s26;
	_ =	swait.ge [sflag:s17], $0x4000  }
0x69: {  	s28 =	sshrl.u32 s26, $0x3;
	[sflag:s17] =	ssyncset.done $0x0  }
.Ltmp6:
0x6a: {  	_ = 	snop;
	(pc) =	sbr.rel .LBB2_5-.Ltmp6, $1  }
0x6b: {  	_ =	sdelay $0x3  }
.LBB2_7:
0x6c: {  	_ =	sfence.sel $0x180000  }
0x6d: {  	[bflag:$0x0] =	sbarrier.arrive $0xFFFF  }
0x6e: {  	p0 =	sne.s32 s2, $0x0;
	_ =	strace $0x90000050  }
0x6f: {  	s0 =	sadd.s32 @!p0 $0x100000, s0;
	[bflag:$0x2] =	sbarrier.arrive $0xFFFF  }
0x70: {  	[sflag:s0] =	ssyncadd.tile.s32 @!p0 $0x1;
	_ =	shalt  }
.Lfunc_end2:
_tile_overlayer_lowered:
.L_overlay_start_2:
0x71: {  	(tag) =	ssettag $0x2  }
0x72: {  	s0 =	rddreg [dreg:$0x0];
	s2 =	stileid.u32  }
0x73: {  	s1 =	rddreg [dreg:$0x1];
	p0 =	sne.s32 s2, $0x0  }
0x74: {  	s3 =	rddreg [dreg:$0x2];
	[bflag:$0x3] =	sbarrier.arrive $0xFFFF;
	s2 =	simm.s32 @!p0 $0x1C02  }
0x75: {  	[timem:s3], [sflag:s2] =	dma.local @!p0 [hbm:s0], s1  }
0x76: {  	s0 =	simm.s32 @!p0 $0x2  }
0x77: {  	_ =	swait.ge @!p0 [sflag:s0], s1  }
0x78: {  	s1 =	ssub.s32 @!p0 $0x0, s1;
	[sflag:s0] =	ssyncset.done @!p0 $0x0  }
0x79: {  	[sflag:s0] =	ssyncadd.s32 @!p0 s1  }
0x7a: {  	[bflag:$0x3] =	sbarrier.arrive $0xFFFF  }
0x7b: {  	_ =	shalt  }

// kernel: kernel.23.cloned.1.call-start
scs
__scs_entry_jumppad:
0x0: {  	(pc) =	sbr.rel $0x88, $3  }
0x1: {  	(tag) =	ssettag $0x0;
	lr =	simm.s32 $0x1  }
0x2: {  	[smem:$0x3F92] =	sst lr;
	_ =	strace $0xD0000000  }
0x3: {  	_ = 	snop  }
0x4: {  	_ = 	snop  }
0x5: {  	_ = 	snop  }
0x6: {  	_ = 	snop  }
0x7: {  	_ = 	snop  }
__scs_overlays_trampoline_lowered:
0x8: {  	[smem:$0x3FA1] =	sst s0  }
0x9: {  	[smem:$0x3FA2] =	sst s1  }
0xa: {  	[smem:$0x3FA3] =	sst s2  }
0xb: {  	[smem:$0x3FA4] =	sst s3  }
0xc: {  	[smem:$0x3FA5] =	sst s4  }
0xd: {  	[smem:$0x3FA6] =	sst s5  }
0xe: {  	[smem:$0x3FA7] =	sst s6  }
0xf: {  	[smem:$0x3FA8] =	sst s7  }
0x10: {  	[smem:$0x3FA9] =	sst s8  }
0x11: {  	[smem:$0x3FAA] =	sst s9;
	s0 =	simm.s32 @!p0 $0x0  }
0x12: {  	s1 =	sld [smem:$0x3F90];
	s0 =	simm.s32 @p0 $0x1  }
0x13: {  	[smem:$0x3FAB] =	sst s0;
	s0 =	simm.s32 @!p1 $0x0  }
0x14: {  	s2 =	sld [smem:$0x3F8F];
	s0 =	simm.s32 @p1 $0x1  }
0x15: {  	[smem:$0x3FAC] =	sst s0;
	s0 =	simm.s32 @!p2 $0x0  }
0x16: {  	s3 =	sld [smem:$0x3FDB];
	s0 =	simm.s32 @p2 $0x1  }
0x17: {  	s4 =	simm.s32 $0x1BF5;
	[smem:$0x3FAE] =	sst s0  }
0x18: {  	s0 =	sld [smem:$0x3F91];
	_ =	swait.ge [sflag:s4], $0x0  }
0x19: {  	s7 =	sld [smem:$0x3F92]  }
0x1a: {  	s8 =	sadd.s32 $0xFFFFE003, lr  }
0x1b: {  	s9 =	sadd.s32 $0xFFFFFEF7, lr;
	s5 =	simm.s32 $0xFFFFFFFF;
	p2 =	slt.u32 s8, $0xFFFFF086  }
0x1c: {  	p1 =	slt.u32 s9, $0xF7A;
	s5 =	simm.s32 @!p2 $0x0  }
0x1d: {  	s5 =	simm.s32 @p1 $0x1;
	p0 =	seq.s32 s7, s2  }
0x1e: {  	s7 =	smul.u32 @!p0 $0xF7A, s2;
	p2 =	seq.s32 @!p0 s5, $0x0  }
0x1f: {  	s9 =	smul.u32 $0xF7A, s1;
	s8 =	simm.s32 @!p0 $0x1BF5;
	p2 =	por !p2, p0  }
0x20: {  	[sflag:s8] =	ssyncset.s32 @!p0 $0xFFFFF086;
	s6 =	sadd.s32 @!p0 s3, s7;
	s7 =	simm.s32 @!p0 $0x108  }
0x21: {  	s3 =	sadd.s32 s3, s9;
	s6 =	sadd.s32 @!p0 $0x88, s6;
	s7 =	simm.s32 @p2 $0x1082  }
0x22: {  	[simem:s7], [sflag:s8] =	dma.local @!p0 [hbm:s6], $0xF7A  }
0x23: {  	s9 =	sor.u32 $0xD0000000, s2;
	s6 =	simm.s32 $0x108;
	_ =	swait.ge @!p0 [sflag:s8], $0x0  }
0x24: {  	s3 =	sadd.s32 $0x88, s3;
	s6 =	simm.s32 @!p1 $0x1082;
	[sflag:s4] =	ssyncset.s32 $0xFFFFF086  }
0x25: {  	[simem:s6], [sflag:s4] =	dma.local [hbm:s3], $0xF7A  }
0x26: {  	[smem:$0x3F92] =	sst s1;
	(tag) =	ssettag s2;
	_ =	strace s9  }
0x27: {  	s1 =	sld [smem:$0x3FA2]  }
0x28: {  	s2 =	sld [smem:$0x3FA3]  }
0x29: {  	s4 =	sld [smem:$0x3FA5]  }
0x2a: {  	p0 =	seq.s32 s5, $0x0;
	s5 =	sld [smem:$0x3FA6]  }
0x2b: {  	s6 =	sld [smem:$0x3FA7]  }
0x2c: {  	s7 =	sld [smem:$0x3FA8]  }
0x2d: {  	s3 =	simm.s32 $0x108;
	s8 =	sld [smem:$0x3FA9]  }
0x2e: {  	s3 =	simm.s32 @!p0 $0x1082;
	s9 =	sld [smem:$0x3FAA]  }
0x2f: {  	lr =	sadd.s32 s0, s3;
	s0 =	sld [smem:$0x3FA1]  }
0x30: {  	s3 =	sld [smem:$0x3FA4]  }
0x31: {  	[smem:$0x3FAD] =	sst s10  }
0x32: {  	s10 =	sld [smem:$0x3FAB];
	_ =	sdelay $0x3  }
0x33: {  	p0 =	seq.s32 s10, $0x1;
	s10 =	sld [smem:$0x3FAD];
	_ =	sdelay $0x3  }
0x34: {  	[smem:$0x3FAD] =	sst s10  }
0x35: {  	s10 =	sld [smem:$0x3FAC];
	_ =	sdelay $0x3  }
0x36: {  	p1 =	seq.s32 s10, $0x1;
	s10 =	sld [smem:$0x3FAD];
	_ =	sdelay $0x3  }
0x37: {  	[smem:$0x3FAD] =	sst s10  }
0x38: {  	s10 =	sld [smem:$0x3FAE]  }
0x39: {  	_ = 	snop;
	(pc) =	sbr.ind lr, $3  }
0x3a: {  	_ = 	snop  }
0x3b: {  	_ = 	snop  }
0x3c: {  	p2 =	seq.s32 s10, $0x1;
	s10 =	sld [smem:$0x3FAD]  }
0x3d: {  	_ =	shalt  }
0x3e: {  	_ =	shalt  }
0x3f: {  	_ =	shalt  }
0x40: {  	_ =	shalt  }
0x41: {  	_ =	shalt  }
0x42: {  	_ =	shalt  }
0x43: {  	_ =	shalt  }
0x44: {  	_ =	shalt  }
0x45: {  	_ =	shalt  }
0x46: {  	_ =	shalt  }
0x47: {  	_ =	shalt  }
0x48: {  	_ =	shalt  }
0x49: {  	_ =	shalt  }
0x4a: {  	_ =	shalt  }
0x4b: {  	_ =	shalt  }
0x4c: {  	_ =	shalt  }
0x4d: {  	_ =	shalt  }
0x4e: {  	_ =	shalt  }
0x4f: {  	_ =	shalt  }
0x50: {  	_ =	shalt  }
0x51: {  	_ =	shalt  }
0x52: {  	_ =	shalt  }
0x53: {  	_ =	shalt  }
0x54: {  	_ =	shalt  }
0x55: {  	_ =	shalt  }
0x56: {  	_ =	shalt  }
0x57: {  	_ =	shalt  }
0x58: {  	_ =	shalt  }
0x59: {  	_ =	shalt  }
0x5a: {  	_ =	shalt  }
0x5b: {  	_ =	shalt  }
0x5c: {  	_ =	shalt  }
0x5d: {  	_ =	shalt  }
0x5e: {  	_ =	shalt  }
0x5f: {  	_ =	shalt  }
0x60: {  	_ =	shalt  }
0x61: {  	_ =	shalt  }
0x62: {  	_ =	shalt  }
0x63: {  	_ =	shalt  }
0x64: {  	_ =	shalt  }
0x65: {  	_ =	shalt  }
0x66: {  	_ =	shalt  }
0x67: {  	_ =	shalt  }
0x68: {  	_ =	shalt  }
0x69: {  	_ =	shalt  }
0x6a: {  	_ =	shalt  }
0x6b: {  	_ =	shalt  }
0x6c: {  	_ =	shalt  }
0x6d: {  	_ =	shalt  }
0x6e: {  	_ =	shalt  }
0x6f: {  	_ =	shalt  }
0x70: {  	_ =	shalt  }
0x71: {  	_ =	shalt  }
0x72: {  	_ =	shalt  }
0x73: {  	_ =	shalt  }
0x74: {  	_ =	shalt  }
0x75: {  	_ =	shalt  }
0x76: {  	_ =	shalt  }
0x77: {  	_ =	shalt  }
0x78: {  	_ =	shalt  }
0x79: {  	_ =	shalt  }
0x7a: {  	_ =	shalt  }
0x7b: {  	_ =	shalt  }
0x7c: {  	_ =	shalt  }
0x7d: {  	_ =	shalt  }
0x7e: {  	_ =	shalt  }
0x7f: {  	_ =	shalt  }
0x80: {  	_ =	shalt  }
0x81: {  	_ =	shalt  }
0x82: {  	_ =	shalt  }
0x83: {  	_ =	shalt  }
0x84: {  	_ =	shalt  }
0x85: {  	_ =	shalt  }
0x86: {  	_ =	shalt  }
0x87: {  	_ =	shalt  }
.Lfunc_end0:
.L_simem_size_0:
called_computation.4_lowered:
.L_overlay_start_0:
0x88: {  	s2 =	sld [smem:$0x3FD9]  }
0x89: {  	s3 =	sld [smem:$0x3FFE];
	_ =	sdelay $0x1  }
0x8a: {  	s1 =	srdreg.scid  }
0x8b: {  	s0 =	sand.u32 $0x1, s1  }
0x8c: {  	s17 =	sshll.u32 s0, $0xA;
	s2 =	sadd.s32 s3, s2  }
0x8d: {  	s2 =	sadd.s32 s2, s17  }
0x8e: {  	[smem:$0x3FB9] =	sst s2  }
0x8f: {  	_ = 	snop  }
0x90: {  	s2 =	sld [smem:$0x3FD0];
	(tm) =	ssettm $0x1  }
0x91: {  	s18 =	sld [smem:$0x3FFB];
	_ =	sdelay $0x3  }
0x92: {  	_ =	strace s18  }
0x93: {  	s3 =	sld [smem:$0x3FFC];
	_ =	sdelay $0x3  }
0x94: {  	_ =	strace s3  }
0x95: {  	s3 =	sld [smem:$0x3FFD];
	_ =	sdelay $0x3  }
0x96: {  	_ =	strace s3  }
0x97: {  	_ =	strace $0x8FFFFFFF  }
0x98: {  	s19 =	sld [smem:$0x3FDB];
	_ =	sdelay $0x1  }
0x99: {  	s4 =	simm.s32 $_scs_section_size  }
0x9a: {  	s5 =	simm.s32 $_size__tile_overlayer_lowered;
	s6 =	simm.s32 $_tile_overlayer_lowered  }
0x9b: {  	s22 =	simm.s32 $0x1BFF;
	s21 =	sshll.u32 s6, $0x1;
	s3 =	sadd.s32 s4, s19  }
0x9c: {  	s7 =	simm.s32 $0x0;
	s20 =	sshll.u32 s5, $0x1;
	s5 =	sadd.s32 s21, s3  }
0x9d: {  	[timem:s7], [sflag:s22] =	dma.local [hbm:s5], s20  }
0x9e: {  	_ =	swait.ge [sflag:s22], s20  }
0x9f: {  	s4 =	ssub.s32 $0x0, s20;
	[sflag:s22] =	ssyncset.done $0x0  }
0xa0: {  	[sflag:s22] =	ssyncadd.s32 s4;
	_ =	sdelay $0x1  }
0xa1: {  	s23 =	simm.s32 $0x1B8B  }
0xa2: {  	_ =	swait.ge [sflag:s23], $0x1  }
0xa3: {  	[sflag:s23] =	ssyncset.done $0x0  }
0xa4: {  	s25 =	simm.s32 $0x1B8E;
	s24 =	sld [smem:$0x3FFE];
	[sflag:s23] =	ssyncadd.s32 $0xFFFFFFFF  }
0xa5: {  	s26 =	simm.s32 $execute0_lowered;
	[smem:$0x3FD2] =	sst s25  }
0xa6: {  	s5 =	sshll.u32 s26, $0x1;
	_ =	strace $0x80000052;
	[dreg:$0x1] =	wrdreg $0xFFFFFFFF  }
0xa7: {  	s28 =	simm.s32 $_size_execute0_lowered;
	s3 =	sadd.s32 s3, s5;
	[dreg:$0x0] =	wrdreg $0x0  }
0xa8: {  	s5 =	sshll.u32 s28, $0x1;
	[dreg:$0x2] =	wrdreg s3  }
0xa9: {  	[dreg:$0x3] =	wrdreg s5  }
0xaa: {  	[dreg:$0x4] =	wrdreg $0xC0  }
0xab: {  	_ =	task [dreg:s7], $0x5FFFF  }
0xac: {  	[dreg:$0x1] =	wrdreg $0xFFFFFFFF  }
0xad: {  	[dreg:$0x0] =	wrdreg $0x60  }
0xae: {  	[dreg:$0x2] =	wrdreg s24  }
0xaf: {  	[dreg:$0x3] =	wrdreg s2  }
0xb0: {  	[dreg:$0x4] =	wrdreg $0x69800  }
0xb1: {  	[dreg:$0x5] =	wrdreg $0x9  }
0xb2: {  	_ =	task.clear_ibuf [dreg:s7], $0x6FFFF;
	_ =	strace $0x90000052  }
0xb3: {  	s29 =	simm.s32 $0x9;
	_ =	strace $0x80000054  }
0xb4: {  	_ =	swait.ge [sflag:s29], $0x1  }
0xb5: {  	[sflag:s29] =	ssyncadd.s32 $0xFFFFFFFF  }
0xb6: {  	_ =	strace $0x90000054  }
0xb7: {  	_ =	sfence  }
0xb8: {  	s30 =	sld [smem:$0x0];
	_ =	sdelay $0x2  }
0xb9: {  	s31 =	sshll.u32 s1, $0xD;
	s1 =	sshrl.u32 s1, $0x2  }
0xba: {  	s3 =	sand.u32 $0x4000, s31;
	s1 =	sadd.s32 s1, s30  }
0xbb: {  	s0 =	sor.u32 s3, s0;
	s1 =	sshll.u32 s1, $0x11  }
0xbc: {  	s0 =	sor.u32 s1, s0  }
0xbd: {  	s0 =	sadd.s32 $0x8F2B, s0  }
0xbe: {  	[sflag:s0] =	ssyncadd.remote.s32 $0x1  }
0xbf: {  	_ =	sfence.sel $0xFFFF  }
0xc0: {  	[dreg:$0x0] =	wrdreg $0xFFFFFFFF;
	(pc) =	sbr.abs _section_cstart, $3  }
0xc1: {  	[dreg:$0x1] =	wrdreg $0xFFFFFFFF  }
0xc2: {  	_ =	task.clear_ibuf [dreg:s7], $0x2FFFF;
	_ =	strace $0x9FFFFFFF  }
0xc3: {  	(tm) =	ssettm $0x7FFFFFFF  }
tec
execute0_lowered:
.L_overlay_start_1:
0x0: {  	(tag) =	ssettag $0x1  }
0x1: {  	s7 =	rddreg [dreg:$0x0]  }
0x2: {  	s11 =	rddreg [dreg:$0x1]  }
0x3: {  	s1 =	rddreg [dreg:$0x2]  }
0x4: {  	s2 =	srdreg.scid;
	s0 =	rddreg [dreg:$0x3];
	s3 =	simm.s32 $0x0  }
0x5: {  	s18 =	simm.s32 $0x6900;
	s19 =	simm.s32 $0x80;
	s20 =	simm.s32 $0x100  }
0x6: {  	s21 =	simm.s32 $0x1;
	s12 =	sand.u32 $0x1, s2;
	s2 =	stileid.u32  }
0x7: {  	s24 =	simm.s32 $0x0;
	[smem:$0x7FF] =	sst s3;
	s8 =	smul.u32 $0xC8000, s12  }
0x8: {  	s4 =	sadd.s32 $0x5800, s7;
	s5 =	sadd.s32 $0x40600, s7;
	s9 =	smul.u32 $0xC800, s2  }
0x9: {  	s6 =	sadd.s32 $0x5200, s7;
	_ =	strace $0x80000053;
	s10 =	smul.u32 $0x32000, s2  }
0xa: {  	s30 =	ssub.s32 $0x2, s12;
	s15 =	sshll.u32 s2, $0x4;
	s16 =	smul.u32 $0x9E000, s12  }
0xb: {  	s12 =	sshll.u32 s12, $0x8;
	s17 =	smul.u32 $0x9E00, s2;
	s22 =	sshll.u32 s2, $0x6  }
0xc: {  	s31 =	sshrl.u32 s30, $0x1;
	s15 =	sadd.s32 s11, s15;
	s22 =	sor.u32 $0x1C02, s22  }
0xd: {  	s8 =	sadd.s32 s9, s8;
	s10 =	sshrl.u32 s10, $0x2;
	s14 =	ssub.s32 s30, s31  }
.Ltmp0:
0xe: {  	s12 =	sadd.s32 s12, s15;
	s15 =	sadd.s32 s17, s16;
	(pc) =	sbr.rel .LBB2_1-.Ltmp0, $4  }
0xf: {  	s16 =	simm.s32 $0x4100;
	s17 =	simm.s32 $0x2;
	s8 =	sshrl.u32 s8, $0x3  }
0x10: {  	s14 =	smax.u32 s14, $0x1;
	s13 =	sadd.s32 s8, s7;
	s7 =	sadd.s32 s10, s1  }
0x11: {  	s8 =	sadd.s32 $0x2800, s7;
	s9 =	sadd.s32 $0x5000, s7;
	s10 =	sadd.s32 $0x7800, s7  }
0x12: {  	s11 =	sadd.s32 $0xA000, s7;
	s13 =	sadd.s32 $0x8F000, s13;
	s23 =	sshrl.u32 s7, $0x3  }
.LBB2_5:
0x13: {  	s25 =	sadd.s32 s5, s28;
	[sflag:s17] =	ssyncadd.s32 @p0 $0xFFFFC000  }
0x14: {  	[tilespmem:s3], [sflag:$0x2] =	stream.linear.gather [hbm4b:s25+s3], $0x100, $0x38;
	[tilespmem:$0x13180] =	vst v63  }
0x15: {  	_ =	swait.ge [sflag:s17], $0x100  }
0x16: {  	[sflag:s17] =	ssyncset.done $0x0  }
0x17: {  	[sflag:s17] =	ssyncadd.s32 $0xFFFFFF00  }
0x18: {  	[tilespmem:s20], [sflag:$0x1] =	stream.indirect.gather [hbm4b:s4+s19], $0x80, s3, s19, $0xb8;
	[tilespmem:$0x13180] =	vst v63  }
0x19: {  	_ =	swait.ge [sflag:s21], $0x4000  }
0x1a: {  	[sflag:s21] =	ssyncset.done $0x0  }
0x1b: {  	[sflag:s21] =	ssyncadd.s32 $0xFFFFC000  }
0x1c: {  	[spmem:s1] =	stream.indirect.scatter.add.f32 [tilespmem:s20], [sflag:$0x2], $0x80, s19, s19, $0xb8;
	[tilespmem:$0x13180] =	vst v63  }
0x1d: {  	_ =	swait.ge [sflag:s17], $0x4000  }
0x1e: {  	[sflag:s17] =	ssyncset.done $0x0  }
0x1f: {  	[sflag:s17] =	ssyncadd.s32 $0xFFFFC000  }
.LBB2_6:
0x20: {  	s24 =	sadd.s32 $0x1, s24  }
0x21: {  	p0 =	sne.s32 s24, s14  }
.Ltmp1:
0x22: {  	[bflag:$0x0] =	sbarrier.arrive $0xFFFF;
	(pc) =	sbr.rel @!p0 .LBB2_7-.Ltmp1, $4  }
0x23: {  	[hbm:s13], [sflag:s22] =	dma.local [spmem:s23], $0x1900  }
0x24: {  	_ =	swait.ge [sflag:s17], $0x1900  }
0x25: {  	[sflag:s17] =	ssyncset.done $0x0  }
0x26: {  	[sflag:s17] =	ssyncadd.s32 $0xFFFFE700  }
.LBB2_1:
0x27: {  	[tilespmem:s16], [sflag:$0x2] =	stream.linear.gather [hbm4b:s6+s3], $0x2800, $0x38;
	[tilespmem:$0x13180] =	vst v63  }
0x28: {  	_ =	swait.ge [sflag:s17], $0x2800  }
0x29: {  	[sflag:s17] =	ssyncset.done $0x0  }
0x2a: {  	[sflag:s17] =	ssyncadd.s32 $0xFFFFD800  }
0x2b: {  	[spmem:s7] =	stream.linear.scatter [tilespmem:s16], [sflag:$0x2], $0x2800, $0x38;
	[tilespmem:$0x13180] =	vst v63  }
0x2c: {  	_ =	swait.ge [sflag:s17], $0x2800  }
0x2d: {  	[sflag:s17] =	ssyncset.done $0x0  }
0x2e: {  	[sflag:s17] =	ssyncadd.s32 $0xFFFFD800  }
0x2f: {  	[spmem:s8] =	stream.linear.scatter [tilespmem:s16], [sflag:$0x2], $0x2800, $0x38;
	[tilespmem:$0x13180] =	vst v63  }
0x30: {  	_ =	swait.ge [sflag:s17], $0x2800  }
0x31: {  	[sflag:s17] =	ssyncset.done $0x0  }
0x32: {  	[sflag:s17] =	ssyncadd.s32 $0xFFFFD800  }
0x33: {  	[spmem:s9] =	stream.linear.scatter [tilespmem:s16], [sflag:$0x2], $0x2800, $0x38;
	[tilespmem:$0x13180] =	vst v63  }
0x34: {  	_ =	swait.ge [sflag:s17], $0x2800  }
0x35: {  	[sflag:s17] =	ssyncset.done $0x0  }
0x36: {  	[sflag:s17] =	ssyncadd.s32 $0xFFFFD800  }
0x37: {  	[spmem:s10] =	stream.linear.scatter [tilespmem:s16], [sflag:$0x2], $0x2800, $0x38;
	[tilespmem:$0x13180] =	vst v63  }
0x38: {  	_ =	swait.ge [sflag:s17], $0x2800  }
0x39: {  	[sflag:s17] =	ssyncset.done $0x0  }
0x3a: {  	[sflag:s17] =	ssyncadd.s32 $0xFFFFD800  }
0x3b: {  	[spmem:s11] =	stream.linear.scatter [tilespmem:s16], [sflag:$0x2], $0x2800, $0x38;
	[tilespmem:$0x13180] =	vst v63  }
0x3c: {  	_ =	swait.ge [sflag:s17], $0x2800  }
0x3d: {  	[sflag:s17] =	ssyncset.done $0x0  }
0x3e: {  	[sflag:s17] =	ssyncadd.s32 $0xFFFFD800  }
0x3f: {  	[tilespmem:s18], [sflag:$0x2] =	stream.linear.gather [hbm4b:s12+s3], $0x80, $0x38;
	[tilespmem:$0x13180] =	vst v63  }
0x40: {  	_ =	swait.ge [sflag:s17], $0x80  }
0x41: {  	[sflag:s17] =	ssyncset.done $0x0  }
0x42: {  	[sflag:s17] =	ssyncadd.s32 $0xFFFFFF80  }
0x43: {  	v0 =	vld [tilespmem:$0x6900];
	_ =	sdelay $0x4  }
0x44: {  	v0 =	vxor.u32 $0x80000000, v0  }
0x45: {  	(xrf0) =	vmax.scan.msk.u32 $0xffff, v0;
	_ =	sdelay $0x5  }
0x46: {  	v0, _, _ =	vpop (xrf0)  }
0x47: {  	(v2sf) =	vpush v0, $0xF;
	_ =	sdelay $0xe  }
0x48: {  	s25 =	spop (v2sf)  }
0x49: {  	s25 =	sxor.u32 $0x80000000, s25  }
0x4a: {  	p0 =	slt.s32 s25, $0x1  }
.Ltmp2:
0x4b: {  	_ = 	snop;
	(pc) =	sbr.rel @p0 .LBB2_6-.Ltmp2, $2  }
0x4c: {  	_ =	sdelay $0x1  }
0x4d: {  	[bflag:$0x0] =	sbarrier.arrive $0xFFFF;
	_ =	sdelay $0x1  }
0x4e: {  	p1 =	sne.s32 s25, $0x1  }
.Ltmp3:
0x4f: {  	_ = 	snop;
	(pc) =	sbr.rel @!p1 .LBB2_5-.Ltmp3, $2  }
0x50: {  	_ =	sdelay $0x2  }
0x51: {  	s25 =	sadd.s32 $0xFFFFFFFF, s25;
	s28 =	sshrl.u32 s15, $0x3;
	p0 =	por $0x0, $0x0  }
0x52: {  	s26 =	sadd.s32 s5, s28  }
0x53: {  	[tilespmem:s3], [sflag:$0x2] =	stream.linear.gather [hbm4b:s26+s3], $0x100, $0x38;
	[tilespmem:$0x13180] =	vst v63  }
0x54: {  	_ =	swait.ge [sflag:s17], $0x100  }
0x55: {  	[sflag:s17] =	ssyncset.done $0x0  }
0x56: {  	[sflag:s17] =	ssyncadd.s32 $0xFFFFFF00  }
0x57: {  	[tilespmem:s20], [sflag:$0x1] =	stream.indirect.gather [hbm4b:s4+s19], $0x80, s3, s19, $0xb8;
	[tilespmem:$0x13180] =	vst v63  }
0x58: {  	p1 =	sne.s32 s25, $0x1;
	_ =	swait.ge [sflag:s21], $0x4000  }
.Ltmp4:
0x59: {  	[sflag:s21] =	ssyncset.done $0x0;
	(pc) =	sbr.rel @!p1 .LBB2_5-.Ltmp4, $4  }
0x5a: {  	[sflag:s21] =	ssyncadd.s32 $0xFFFFC000  }
0x5b: {  	[spmem:s1] =	stream.indirect.scatter.add.f32 [tilespmem:s20], [sflag:$0x2], $0x80, s19, s19, $0xb8;
	[tilespmem:$0x13180] =	vst v63  }
0x5c: {  	s25 =	sadd.s32 $0xFFFFFFFF, s25;
	s26 =	sadd.s32 $0x100, s15;
	_ =	swait.ge [sflag:s17], $0x4000  }
0x5d: {  	p0 =	por $0x1, $0x1;
	s28 =	sshrl.u32 s26, $0x3;
	[sflag:s17] =	ssyncset.done $0x0  }
.LBB2_4:
0x5e: {  	p1 =	sne.s32 s25, $0x1;
	s28 =	sadd.s32 s5, s28;
	[sflag:s17] =	ssyncadd.s32 $0xFFFFC000  }
0x5f: {  	[tilespmem:s3], [sflag:$0x2] =	stream.linear.gather [hbm4b:s28+s3], $0x100, $0x38;
	[tilespmem:$0x13180] =	vst v63  }
0x60: {  	s25 =	sadd.s32 $0xFFFFFFFF, s25;
	_ =	swait.ge [sflag:s17], $0x100  }
0x61: {  	[sflag:s17] =	ssyncset.done $0x0  }
0x62: {  	[sflag:s17] =	ssyncadd.s32 $0xFFFFFF00  }
0x63: {  	[tilespmem:s20], [sflag:$0x1] =	stream.indirect.gather [hbm4b:s4+s19], $0x80, s3, s19, $0xb8;
	[tilespmem:$0x13180] =	vst v63  }
0x64: {  	_ =	swait.ge [sflag:s21], $0x4000  }
.Ltmp5:
0x65: {  	[sflag:s21] =	ssyncset.done $0x0;
	(pc) =	sbr.rel @p1 .LBB2_4-.Ltmp5, $4  }
0x66: {  	[sflag:s21] =	ssyncadd.s32 $0xFFFFC000  }
0x67: {  	[spmem:s1] =	stream.indirect.scatter.add.f32 [tilespmem:s20], [sflag:$0x2], $0x80, s19, s19, $0xb8;
	[tilespmem:$0x13180] =	vst v63  }
0x68: {  	s26 =	sadd.s32 $0x100, s26;
	_ =	swait.ge [sflag:s17], $0x4000  }
0x69: {  	s28 =	sshrl.u32 s26, $0x3;
	[sflag:s17] =	ssyncset.done $0x0  }
.Ltmp6:
0x6a: {  	_ = 	snop;
	(pc) =	sbr.rel .LBB2_5-.Ltmp6, $1  }
0x6b: {  	_ =	sdelay $0x3  }
.LBB2_7:
0x6c: {  	_ =	sfence.sel $0x180000  }
0x6d: {  	[bflag:$0x0] =	sbarrier.arrive $0xFFFF  }
0x6e: {  	p0 =	sne.s32 s2, $0x0;
	_ =	strace $0x90000053  }
0x6f: {  	s0 =	sadd.s32 @!p0 $0x100000, s0;
	[bflag:$0x2] =	sbarrier.arrive $0xFFFF  }
0x70: {  	[sflag:s0] =	ssyncadd.tile.s32 @!p0 $0x1;
	_ =	shalt  }
.Lfunc_end2:
_tile_overlayer_lowered:
.L_overlay_start_2:
0x71: {  	(tag) =	ssettag $0x2  }
0x72: {  	s0 =	rddreg [dreg:$0x0];
	s2 =	stileid.u32  }
0x73: {  	s1 =	rddreg [dreg:$0x1];
	p0 =	sne.s32 s2, $0x0  }
0x74: {  	s3 =	rddreg [dreg:$0x2];
	[bflag:$0x3] =	sbarrier.arrive $0xFFFF;
	s2 =	simm.s32 @!p0 $0x1C02  }
0x75: {  	[timem:s3], [sflag:s2] =	dma.local @!p0 [hbm:s0], s1  }
0x76: {  	s0 =	simm.s32 @!p0 $0x2  }
0x77: {  	_ =	swait.ge @!p0 [sflag:s0], s1  }
0x78: {  	s1 =	ssub.s32 @!p0 $0x0, s1;
	[sflag:s0] =	ssyncset.done @!p0 $0x0  }
0x79: {  	[sflag:s0] =	ssyncadd.s32 @!p0 s1  }
0x7a: {  	[bflag:$0x3] =	sbarrier.arrive $0xFFFF  }
0x7b: {  	_ =	shalt  }

</sc_bundles>
